<compile_context>
chip_gen: v7x
topology: tpu7x:2x2x1
jax: 0.10.2.dev20260603
libtpu: 0.0.44.dev20260713+nightly
codegen_flags: <defaults>
</compile_context>

<pallas_src>
import dataclasses

import jax
import jax.numpy as jnp
from jax import lax
from jax.experimental import pallas as pl
from jax.experimental.pallas import tpu as pltpu
from jax.experimental.pallas import tpu_sc as plsc

N = 10000
NP_ = 10240
E = 320000
D = 128
DW = 144
H = 8
DH = 16

NC = 2
NS = 16
NWORK = NC * NS
EPT = E // NWORK
C = 40
NCHUNK = EPT // C
NG = NCHUNK // 2
NPT = NP_ // NS


def _qkv_body(x_ref, w_ref, q_ref, k_ref, v_ref):
    x = x_ref[...]
    w = w_ref[...]
    q_ref[...] = jnp.dot(x, w[:, 0:D], preferred_element_type=jnp.float32)
    k_ref[...] = jnp.dot(x, w[:, D:2 * D], preferred_element_type=jnp.float32)
    z = jnp.zeros((x.shape[0], DW - D), jnp.float32)
    v_ref[...] = jnp.concatenate(
        [jnp.dot(x, w[:, 2 * D:3 * D], preferred_element_type=jnp.float32), z],
        axis=1)


def _qkv(feat, wqkv_t, blk=1024):
    grid = (NP_ // blk,)
    outd = jax.ShapeDtypeStruct((NP_, D), jnp.float32)
    outw = jax.ShapeDtypeStruct((NP_, DW), jnp.float32)
    return pl.pallas_call(
        _qkv_body,
        grid=grid,
        in_specs=[
            pl.BlockSpec((blk, D), lambda i: (i, 0)),
            pl.BlockSpec((D, 3 * D), lambda i: (0, 0)),
        ],
        out_specs=[
            pl.BlockSpec((blk, D), lambda i: (i, 0)),
            pl.BlockSpec((blk, D), lambda i: (i, 0)),
            pl.BlockSpec((blk, DW), lambda i: (i, 0)),
        ],
        out_shape=[outd, outd, outw],
    )(feat, wqkv_t)


def _edge_body(q_hbm, k_hbm, v_hbm, src_hbm, dst_hbm, z144_hbm,
               comb_out, comb_sh, qbuf, kbuf, vbuf, wbuf,
               sidx0, didx0, sidx1, didx1, sq, sk, sv, si, ss):
    c = lax.axis_index("c")
    s = lax.axis_index("s")
    w = c * NS + s

    pltpu.sync_copy(z144_hbm, vbuf)
    for j in range(NPT // C):
        pltpu.sync_copy(vbuf, comb_sh.at[pl.ds(s * NPT + j * C, C)])

    lane = lax.iota(jnp.int32, 16)
    head_mask = jnp.where(lane < H, 1.0, 0.0)

    plsc.subcore_barrier()

    base0 = w * EPT
    pltpu.sync_copy(src_hbm.at[pl.ds(base0, C)], sidx0)
    pltpu.sync_copy(dst_hbm.at[pl.ds(base0, C)], didx0)
    pltpu.async_copy(vbuf, comb_sh.at[didx0], ss, add=True)
    pltpu.async_copy(q_hbm.at[sidx0], qbuf, sq)
    pltpu.async_copy(k_hbm.at[didx0], kbuf, sk)

    def _dots_loop(sidx, didx):
        @plsc.parallel_loop(0, C, unroll=4)
        def _dots(e):
            wvec = jnp.zeros((16,), jnp.float32)
            for h in range(H):
                prod = qbuf[e, pl.ds(DH * h, DH)] * kbuf[e, pl.ds(DH * h, DH)]
                sm = jnp.sum(prod)
                wvec = jnp.where(lane == h, jnp.full((16,), sm, jnp.float32),
                                 wvec)
            wvec = jnp.minimum(jnp.maximum(wvec, -5.0), 5.0) * 4.0
            wvec = jnp.exp(wvec) * head_mask
            wbuf[e, :] = wvec

    def _apply_loop():
        @plsc.parallel_loop(0, C, unroll=4)
        def _apply(e):
            wvec = wbuf[e, :]
            for h in range(H):
                bc = lax.gather(
                    wvec, jnp.full((16, 1), h, jnp.int32),
                    lax.GatherDimensionNumbers(
                        offset_dims=(), collapsed_slice_dims=(0,),
                        start_index_map=(0,)),
                    slice_sizes=(1,),
                    mode=lax.GatherScatterMode.PROMISE_IN_BOUNDS)
                vbuf[e, pl.ds(DH * h, DH)] = vbuf[e, pl.ds(DH * h, DH)] * bc
            vbuf[e, pl.ds(D, 16)] = wvec

    @pl.loop(0, NG)
    def _g(g):
        for b in (0, 1):
            sidx = sidx0 if b == 0 else sidx1
            didx = didx0 if b == 0 else didx1
            sidx_n = sidx1 if b == 0 else sidx0
            didx_n = didx1 if b == 0 else didx0
            ch = 2 * g + b
            nbase = w * EPT + lax.rem(ch + 1, NCHUNK) * C
            pltpu.make_async_copy(vbuf, comb_sh.at[didx_n], ss).wait()
            pltpu.async_copy(src_hbm.at[pl.ds(nbase, C)], sidx_n, si)
            pltpu.async_copy(dst_hbm.at[pl.ds(nbase, C)], didx_n, si)
            pltpu.async_copy(v_hbm.at[sidx], vbuf, sv)
            pltpu.make_async_copy(q_hbm.at[sidx], qbuf, sq).wait()
            pltpu.make_async_copy(k_hbm.at[didx], kbuf, sk).wait()
            _dots_loop(sidx, didx)
            pltpu.make_async_copy(src_hbm.at[pl.ds(nbase, C)], sidx_n,
                                  si).wait()
            pltpu.make_async_copy(dst_hbm.at[pl.ds(nbase, C)], didx_n,
                                  si).wait()
            pltpu.async_copy(q_hbm.at[sidx_n], qbuf, sq)
            pltpu.async_copy(k_hbm.at[didx_n], kbuf, sk)
            pltpu.make_async_copy(v_hbm.at[sidx], vbuf, sv).wait()
            _apply_loop()
            pltpu.async_copy(vbuf, comb_sh.at[didx], ss, add=True)

    pltpu.make_async_copy(vbuf, comb_sh.at[didx1], ss).wait()
    pltpu.make_async_copy(q_hbm.at[sidx0], qbuf, sq).wait()
    pltpu.make_async_copy(k_hbm.at[didx0], kbuf, sk).wait()

    plsc.subcore_barrier()

    for j in range(NPT // C):
        pltpu.sync_copy(comb_sh.at[pl.ds(s * NPT + j * C, C)], vbuf)
        pltpu.sync_copy(vbuf, comb_out.at[c, pl.ds(s * NPT + j * C, C)])


def _edge_pass(q, k, v, src, dst, z144):
    mesh = plsc.VectorSubcoreMesh(core_axis_name="c", subcore_axis_name="s")
    f32 = jnp.float32
    cp = pltpu.CompilerParams()
    if "needs_layout_passes" in pltpu.CompilerParams.__dataclass_fields__:
        cp = dataclasses.replace(cp, needs_layout_passes=False)
    if "use_tc_tiling_on_sc" in pltpu.CompilerParams.__dataclass_fields__:
        cp = dataclasses.replace(cp, use_tc_tiling_on_sc=False)
    kern = pl.kernel(
        _edge_body,
        out_type=jax.ShapeDtypeStruct((NC, NP_, DW), f32),
        mesh=mesh,
        scratch_types=[
            pltpu.VMEM_SHARED((NP_, DW), f32),
            pltpu.VMEM((C, D), f32),
            pltpu.VMEM((C, D), f32),
            pltpu.VMEM((C, DW), f32),
            pltpu.VMEM((C, 16), f32),
            pltpu.VMEM((C,), jnp.int32),
            pltpu.VMEM((C,), jnp.int32),
            pltpu.VMEM((C,), jnp.int32),
            pltpu.VMEM((C,), jnp.int32),
            pltpu.SemaphoreType.DMA,
            pltpu.SemaphoreType.DMA,
            pltpu.SemaphoreType.DMA,
            pltpu.SemaphoreType.DMA,
            pltpu.SemaphoreType.DMA,
        ],
        compiler_params=cp,
    )
    return kern(q, k, v, src, dst, z144)


def _post_body(comb_ref, x_ref, wn_ref, wsk_ref, ga_ref, gb_ref,
               dex_ref, ln1g_ref, ln1b_ref, lnfg_ref, lnfb_ref,
               w1_ref, w2_ref, o_ref):
    comb = comb_ref[0] + comb_ref[1]
    aggu = comb[:, 0:D]
    den8 = comb[:, D:D + H]
    den = jnp.dot(den8, dex_ref[...], preferred_element_type=jnp.float32)
    agg = jnp.where(den > 0.0, aggu / jnp.maximum(den, 1e-30), 0.0)

    rst = jnp.dot(agg, wn_ref[...], preferred_element_type=jnp.float32)
    x = x_ref[...]
    skip = jnp.dot(x, wsk_ref[...], preferred_element_type=jnp.float32)

    gl = (jnp.dot(rst, ga_ref[...], preferred_element_type=jnp.float32)
          + jnp.dot(skip, gb_ref[...], preferred_element_type=jnp.float32))
    gate = jax.nn.sigmoid(gl)
    mix = rst * gate + skip * (1.0 - gate)

    mu = jnp.mean(mix, axis=-1, keepdims=True)
    var = jnp.mean((mix - mu) ** 2, axis=-1, keepdims=True)
    h = (mix - mu) / jnp.sqrt(var + 1e-5) * ln1g_ref[...] + ln1b_ref[...]

    mu2 = jnp.mean(h, axis=-1, keepdims=True)
    var2 = jnp.mean((h - mu2) ** 2, axis=-1, keepdims=True)
    fin = (h - mu2) / jnp.sqrt(var2 + 1e-5) * lnfg_ref[...] + lnfb_ref[...]

    ffn = jnp.dot(
        jnp.maximum(jnp.dot(fin, w1_ref[...],
                            preferred_element_type=jnp.float32), 0.0),
        w2_ref[...], preferred_element_type=jnp.float32)
    o_ref[...] = h + ffn


def _post(comb2, feat, wn_t, wsk_t, ga, gb, dex, ln1g, ln1b, lnfg, lnfb,
          w1_t, w2_t, blk=1024):
    grid = (NP_ // blk,)
    full = lambda shape: pl.BlockSpec(shape, lambda i: tuple(0 for _ in shape))
    return pl.pallas_call(
        _post_body,
        grid=grid,
        in_specs=[
            pl.BlockSpec((NC, blk, DW), lambda i: (0, i, 0)),
            pl.BlockSpec((blk, D), lambda i: (i, 0)),
            full((D, D)),
            full((D, D)),
            full((D, 1)),
            full((D, 1)),
            full((H, D)),
            full((1, D)),
            full((1, D)),
            full((1, D)),
            full((1, D)),
            full((D, D)),
            full((D, D)),
        ],
        out_specs=pl.BlockSpec((blk, D), lambda i: (i, 0)),
        out_shape=jax.ShapeDtypeStruct((NP_, D), jnp.float32),
    )(comb2, feat, wn_t, wsk_t, ga, gb, dex, ln1g, ln1b, lnfg, lnfb,
      w1_t, w2_t)


def kernel(feat, edge_index, Wq, Wk, Wv, Wn, Wskip, Wgres, ln1_g, ln1_b,
           lnf_g, lnf_b, Wffn1, Wffn2):
    src = edge_index[0]
    dst = edge_index[1]
    featp = jnp.pad(feat, ((0, NP_ - N), (0, 0)))

    wqkv_t = jnp.concatenate([Wq.T, Wk.T, Wv.T], axis=1)
    q, k, v = _qkv(featp, wqkv_t)

    z144 = jnp.zeros((C, DW), jnp.float32)
    comb2 = _edge_pass(q, k, v, src, dst, z144)

    g1 = Wgres[0, 0:D]
    g2 = Wgres[0, D:2 * D]
    g3 = Wgres[0, 2 * D:3 * D]
    ga = (g1 + g3).reshape(D, 1)
    gb = (g2 - g3).reshape(D, 1)
    dex = jnp.repeat(jnp.eye(H, dtype=jnp.float32), DH, axis=1)

    outp = _post(comb2, featp, Wn.T, Wskip.T, ga, gb, dex,
                 ln1_g.reshape(1, D), ln1_b.reshape(1, D),
                 lnf_g.reshape(1, D), lnf_b.reshape(1, D),
                 Wffn1.T, Wffn2.T)
    return outp[:N]

# --- scband reference (transcript-rebuilt; emitter-appended) ---
"""Pipeline reference for scband-model-24558622998904 (READ-ONLY COPY).

The authoritative reference and input builder live on the scoring server;
editing this copy changes nothing except your own understanding.
"""

import jax, jax.numpy as jnp
import numpy as np

N = 10000
E = 320000
D = 128
H = 8
DH = D // H


def _layernorm(x, g, b, eps=1e-5):
    mu = jnp.mean(x, axis=-1, keepdims=True)
    var = jnp.var(x, axis=-1, keepdims=True)
    return (x - mu) / jnp.sqrt(var + eps) * g + b


def setup_inputs(seed: int = 0):
    key = jax.random.key(seed)
    ks = jax.random.split(key, 16)
    feat = jax.random.normal(ks[0], (N, D), dtype=jnp.float32)
    edge_index = jax.random.randint(ks[1], (2, E), 0, N)
    s = 0.05
    Wq = s * jax.random.normal(ks[2], (D, D), dtype=jnp.float32)
    Wk = s * jax.random.normal(ks[3], (D, D), dtype=jnp.float32)
    Wv = s * jax.random.normal(ks[4], (D, D), dtype=jnp.float32)
    Wn = s * jax.random.normal(ks[5], (D, D), dtype=jnp.float32)
    Wskip = s * jax.random.normal(ks[6], (D, D), dtype=jnp.float32)
    Wgres = s * jax.random.normal(ks[7], (1, 3 * D), dtype=jnp.float32)
    ln1_g = jnp.ones((D,), dtype=jnp.float32)
    ln1_b = jnp.zeros((D,), dtype=jnp.float32)
    lnf_g = jnp.ones((D,), dtype=jnp.float32)
    lnf_b = jnp.zeros((D,), dtype=jnp.float32)
    Wffn1 = s * jax.random.normal(ks[8], (D, D), dtype=jnp.float32)
    Wffn2 = s * jax.random.normal(ks[9], (D, D), dtype=jnp.float32)
    return {"feat": feat, "edge_index": edge_index, "Wq": Wq, "Wk": Wk, "Wv": Wv,
            "Wn": Wn, "Wskip": Wskip, "Wgres": Wgres, "ln1_g": ln1_g, "ln1_b": ln1_b,
            "lnf_g": lnf_g, "lnf_b": lnf_b, "Wffn1": Wffn1, "Wffn2": Wffn2}


def reference(feat, edge_index, Wq, Wk, Wv, Wn, Wskip, Wgres, ln1_g, ln1_b, lnf_g, lnf_b, Wffn1, Wffn2):
    # GraphTransformerLayer (eval mode: dropouts are identity), use_efeats=False
    n = feat.shape[0]
    d = feat.shape[1]
    dh = d // H
    src = edge_index[0]
    dst = edge_index[1]
    # GraphMultiAttentionV2
    q = (feat @ Wq.T).reshape(n, H, dh)   # srcdata 'ft'
    k = (feat @ Wk.T).reshape(n, H, dh)   # dstdata 'ft'
    v = (feat @ Wv.T).reshape(n, H, dh)   # srcdata 'ft_v'
    # apply_edges u_dot_v: q[src] . k[dst] -> [E, H]
    a = jnp.sum(q[src] * k[dst], axis=-1)
    a = jnp.clip(a, -5.0, 5.0)  # e_bias is zeros when use_efeats=False
    scaling = dh ** (-0.5)
    logits = a / scaling
    # edge_softmax over incoming edges grouped by dst node
    seg_max = jax.ops.segment_max(logits, dst, num_segments=n)
    ex = jnp.exp(logits - seg_max[dst])
    seg_sum = jax.ops.segment_sum(ex, dst, num_segments=n)
    sa = ex / seg_sum[dst]  # gates are ones when use_efeats=False
    # update_all: u_mul_e then sum per dst
    msg = v[src] * sa[:, :, None]
    agg = jax.ops.segment_sum(msg, dst, num_segments=n).reshape(n, d)
    rst = agg @ Wn.T
    # skip connection
    skip = feat @ Wskip.T
    # GatedResidual (only_gate=False)
    gate_in = jnp.concatenate([rst, skip, rst - skip], axis=-1)
    gate = jax.nn.sigmoid(gate_in @ Wgres.T)  # [n, 1]
    mix = rst * gate + skip * (1.0 - gate)
    h = _layernorm(mix, ln1_g, ln1_b)
    # FFN: LayerNorm -> Linear -> ReLU -> Linear (dropout identity in eval)
    ffn_in = _layernorm(h, lnf_g, lnf_b)
    ffn = jnp.maximum(ffn_in @ Wffn1.T, 0.0) @ Wffn2.T
    return h + ffn

if __name__ == "__main__":
    import jax
    _d = setup_inputs()
    print(jax.jit(kernel)(*tuple(_d.values())))

</pallas_src>

<mosaic_0001>
#map = affine_map<(d0, d1) -> (0, 0)>
#map1 = affine_map<(d0, d1) -> (0)>
#map2 = affine_map<(d0, d1) -> (0, 0, 0)>
module attributes {stable_mosaic.version = 14 : i64} {
  func.func @_edge_body(%arg0: i32, %arg1: i32, %arg2: memref<10240x128xf32, #tpu.memory_space<hbm>>, %arg3: memref<10240x128xf32, #tpu.memory_space<hbm>>, %arg4: memref<10240x144xf32, #tpu.memory_space<hbm>>, %arg5: memref<320000xi32, #tpu.memory_space<hbm>>, %arg6: memref<320000xi32, #tpu.memory_space<hbm>>, %arg7: memref<40x144xf32, #tpu.memory_space<hbm>>, %arg8: memref<2x10240x144xf32, #tpu.memory_space<hbm>>, %arg9: memref<10240x144xf32, #tpu.memory_space<vmem_shared>>, %arg10: memref<40x128xf32, #tpu.memory_space<vmem>>, %arg11: memref<40x128xf32, #tpu.memory_space<vmem>>, %arg12: memref<40x144xf32, #tpu.memory_space<vmem>>, %arg13: memref<40x16xf32, #tpu.memory_space<vmem>>, %arg14: memref<40xi32, #tpu.memory_space<vmem>>, %arg15: memref<40xi32, #tpu.memory_space<vmem>>, %arg16: memref<40xi32, #tpu.memory_space<vmem>>, %arg17: memref<40xi32, #tpu.memory_space<vmem>>, %arg18: memref<!tpu.dma_semaphore, #tpu.memory_space<semaphore_mem>>, %arg19: memref<!tpu.dma_semaphore, #tpu.memory_space<semaphore_mem>>, %arg20: memref<!tpu.dma_semaphore, #tpu.memory_space<semaphore_mem>>, %arg21: memref<!tpu.dma_semaphore, #tpu.memory_space<semaphore_mem>>, %arg22: memref<!tpu.dma_semaphore, #tpu.memory_space<semaphore_mem>>) attributes {dimension_semantics = [#tpu.dimension_semantics<core_parallel>, #tpu.dimension_semantics<subcore_parallel>], iteration_bounds = array<i64: 2, 16>, scalar_prefetch = 0 : i64, scratch_operands = 14 : i64, tpu.core_type = #tpu.core_type<sc_vector_subcore>, window_params = [{transform_indices = #map}, {transform_indices = #map}, {transform_indices = #map}, {transform_indices = #map1}, {transform_indices = #map1}, {transform_indices = #map}, {transform_indices = #map2}]} {
    %mul3A = arith.constant 16 : i32
    %mul3A_0 = arith.muli %arg0, %mul3A : i32
    %add3A = arith.addi %mul3A_0, %arg1 : i32
    "tpu.region"() ({
      %run_scoped3A = tpu.sem_alloc : memref<!tpu.dma_semaphore, #tpu.memory_space<semaphore_mem>>
      tpu.enqueue_dma source(%arg7 : memref<40x144xf32, #tpu.memory_space<hbm>>) target(%arg12 : memref<40x144xf32, #tpu.memory_space<vmem>>) target_semaphore(%run_scoped3A : memref<!tpu.dma_semaphore, #tpu.memory_space<semaphore_mem>>)
      tpu.wait_dma2 semaphore(%run_scoped3A : memref<!tpu.dma_semaphore, #tpu.memory_space<semaphore_mem>>) src(%arg7 : memref<40x144xf32, #tpu.memory_space<hbm>>) dst(%arg12 : memref<40x144xf32, #tpu.memory_space<vmem>>)
      tpu.yield
    }) : () -> ()
    %mul3A_1 = arith.constant 640 : i32
    %mul3A_2 = arith.muli %arg1, %mul3A_1 : i32
    %add3A_3 = arith.constant 0 : i32
    %add3A_4 = arith.addi %mul3A_2, %add3A_3 : i32
    "tpu.region"() ({
      %run_scoped3A = tpu.sem_alloc : memref<!tpu.dma_semaphore, #tpu.memory_space<semaphore_mem>>
      %dma_start3A_220 = arith.constant 0 : i32
      %dma_start3A_221 = tpu.memref_slice %arg9[%add3A_4, %dma_start3A_220] : memref<10240x144xf32, #tpu.memory_space<vmem_shared>> -> memref<40x144xf32, #tpu.memory_space<vmem_shared>>
      %dma_start3A_222 = arith.constant 0 : i32
      %dma_start3A_223 = tpu.memref_slice %arg9[%add3A_4, %dma_start3A_222] : memref<10240x144xf32, #tpu.memory_space<vmem_shared>> -> memref<40x144xf32, #tpu.memory_space<vmem_shared>>
      tpu.enqueue_dma source(%arg12 : memref<40x144xf32, #tpu.memory_space<vmem>>) target(%dma_start3A_223 : memref<40x144xf32, #tpu.memory_space<vmem_shared>>) target_semaphore(%run_scoped3A : memref<!tpu.dma_semaphore, #tpu.memory_space<semaphore_mem>>)
      %dma_wait3A_224 = arith.constant 0 : i32
      %dma_wait3A_225 = tpu.memref_slice %arg9[%add3A_4, %dma_wait3A_224] : memref<10240x144xf32, #tpu.memory_space<vmem_shared>> -> memref<40x144xf32, #tpu.memory_space<vmem_shared>>
      %dma_wait3A_226 = arith.constant 0 : i32
      %dma_wait3A_227 = tpu.memref_slice %arg9[%add3A_4, %dma_wait3A_226] : memref<10240x144xf32, #tpu.memory_space<vmem_shared>> -> memref<40x144xf32, #tpu.memory_space<vmem_shared>>
      tpu.wait_dma2 semaphore(%run_scoped3A : memref<!tpu.dma_semaphore, #tpu.memory_space<semaphore_mem>>) src(%arg12 : memref<40x144xf32, #tpu.memory_space<vmem>>) dst(%dma_wait3A_227 : memref<40x144xf32, #tpu.memory_space<vmem_shared>>)
      tpu.yield
    }) : () -> ()
    %mul3A_5 = arith.constant 640 : i32
    %mul3A_6 = arith.muli %arg1, %mul3A_5 : i32
    %add3A_7 = arith.constant 40 : i32
    %add3A_8 = arith.addi %mul3A_6, %add3A_7 : i32
    "tpu.region"() ({
      %run_scoped3A = tpu.sem_alloc : memref<!tpu.dma_semaphore, #tpu.memory_space<semaphore_mem>>
      %dma_start3A_220 = arith.constant 0 : i32
      %dma_start3A_221 = tpu.memref_slice %arg9[%add3A_8, %dma_start3A_220] : memref<10240x144xf32, #tpu.memory_space<vmem_shared>> -> memref<40x144xf32, #tpu.memory_space<vmem_shared>>
      %dma_start3A_222 = arith.constant 0 : i32
      %dma_start3A_223 = tpu.memref_slice %arg9[%add3A_8, %dma_start3A_222] : memref<10240x144xf32, #tpu.memory_space<vmem_shared>> -> memref<40x144xf32, #tpu.memory_space<vmem_shared>>
      tpu.enqueue_dma source(%arg12 : memref<40x144xf32, #tpu.memory_space<vmem>>) target(%dma_start3A_223 : memref<40x144xf32, #tpu.memory_space<vmem_shared>>) target_semaphore(%run_scoped3A : memref<!tpu.dma_semaphore, #tpu.memory_space<semaphore_mem>>)
      %dma_wait3A_224 = arith.constant 0 : i32
      %dma_wait3A_225 = tpu.memref_slice %arg9[%add3A_8, %dma_wait3A_224] : memref<10240x144xf32, #tpu.memory_space<vmem_shared>> -> memref<40x144xf32, #tpu.memory_space<vmem_shared>>
      %dma_wait3A_226 = arith.constant 0 : i32
      %dma_wait3A_227 = tpu.memref_slice %arg9[%add3A_8, %dma_wait3A_226] : memref<10240x144xf32, #tpu.memory_space<vmem_shared>> -> memref<40x144xf32, #tpu.memory_space<vmem_shared>>
      tpu.wait_dma2 semaphore(%run_scoped3A : memref<!tpu.dma_semaphore, #tpu.memory_space<semaphore_mem>>) src(%arg12 : memref<40x144xf32, #tpu.memory_space<vmem>>) dst(%dma_wait3A_227 : memref<40x144xf32, #tpu.memory_space<vmem_shared>>)
      tpu.yield
    }) : () -> ()
    %mul3A_9 = arith.constant 640 : i32
    %mul3A_10 = arith.muli %arg1, %mul3A_9 : i32
    %add3A_11 = arith.constant 80 : i32
    %add3A_12 = arith.addi %mul3A_10, %add3A_11 : i32
    "tpu.region"() ({
      %run_scoped3A = tpu.sem_alloc : memref<!tpu.dma_semaphore, #tpu.memory_space<semaphore_mem>>
      %dma_start3A_220 = arith.constant 0 : i32
      %dma_start3A_221 = tpu.memref_slice %arg9[%add3A_12, %dma_start3A_220] : memref<10240x144xf32, #tpu.memory_space<vmem_shared>> -> memref<40x144xf32, #tpu.memory_space<vmem_shared>>
      %dma_start3A_222 = arith.constant 0 : i32
      %dma_start3A_223 = tpu.memref_slice %arg9[%add3A_12, %dma_start3A_222] : memref<10240x144xf32, #tpu.memory_space<vmem_shared>> -> memref<40x144xf32, #tpu.memory_space<vmem_shared>>
      tpu.enqueue_dma source(%arg12 : memref<40x144xf32, #tpu.memory_space<vmem>>) target(%dma_start3A_223 : memref<40x144xf32, #tpu.memory_space<vmem_shared>>) target_semaphore(%run_scoped3A : memref<!tpu.dma_semaphore, #tpu.memory_space<semaphore_mem>>)
      %dma_wait3A_224 = arith.constant 0 : i32
      %dma_wait3A_225 = tpu.memref_slice %arg9[%add3A_12, %dma_wait3A_224] : memref<10240x144xf32, #tpu.memory_space<vmem_shared>> -> memref<40x144xf32, #tpu.memory_space<vmem_shared>>
      %dma_wait3A_226 = arith.constant 0 : i32
      %dma_wait3A_227 = tpu.memref_slice %arg9[%add3A_12, %dma_wait3A_226] : memref<10240x144xf32, #tpu.memory_space<vmem_shared>> -> memref<40x144xf32, #tpu.memory_space<vmem_shared>>
      tpu.wait_dma2 semaphore(%run_scoped3A : memref<!tpu.dma_semaphore, #tpu.memory_space<semaphore_mem>>) src(%arg12 : memref<40x144xf32, #tpu.memory_space<vmem>>) dst(%dma_wait3A_227 : memref<40x144xf32, #tpu.memory_space<vmem_shared>>)
      tpu.yield
    }) : () -> ()
    %mul3A_13 = arith.constant 640 : i32
    %mul3A_14 = arith.muli %arg1, %mul3A_13 : i32
    %add3A_15 = arith.constant 120 : i32
    %add3A_16 = arith.addi %mul3A_14, %add3A_15 : i32
    "tpu.region"() ({
      %run_scoped3A = tpu.sem_alloc : memref<!tpu.dma_semaphore, #tpu.memory_space<semaphore_mem>>
      %dma_start3A_220 = arith.constant 0 : i32
      %dma_start3A_221 = tpu.memref_slice %arg9[%add3A_16, %dma_start3A_220] : memref<10240x144xf32, #tpu.memory_space<vmem_shared>> -> memref<40x144xf32, #tpu.memory_space<vmem_shared>>
      %dma_start3A_222 = arith.constant 0 : i32
      %dma_start3A_223 = tpu.memref_slice %arg9[%add3A_16, %dma_start3A_222] : memref<10240x144xf32, #tpu.memory_space<vmem_shared>> -> memref<40x144xf32, #tpu.memory_space<vmem_shared>>
      tpu.enqueue_dma source(%arg12 : memref<40x144xf32, #tpu.memory_space<vmem>>) target(%dma_start3A_223 : memref<40x144xf32, #tpu.memory_space<vmem_shared>>) target_semaphore(%run_scoped3A : memref<!tpu.dma_semaphore, #tpu.memory_space<semaphore_mem>>)
      %dma_wait3A_224 = arith.constant 0 : i32
      %dma_wait3A_225 = tpu.memref_slice %arg9[%add3A_16, %dma_wait3A_224] : memref<10240x144xf32, #tpu.memory_space<vmem_shared>> -> memref<40x144xf32, #tpu.memory_space<vmem_shared>>
      %dma_wait3A_226 = arith.constant 0 : i32
      %dma_wait3A_227 = tpu.memref_slice %arg9[%add3A_16, %dma_wait3A_226] : memref<10240x144xf32, #tpu.memory_space<vmem_shared>> -> memref<40x144xf32, #tpu.memory_space<vmem_shared>>
      tpu.wait_dma2 semaphore(%run_scoped3A : memref<!tpu.dma_semaphore, #tpu.memory_space<semaphore_mem>>) src(%arg12 : memref<40x144xf32, #tpu.memory_space<vmem>>) dst(%dma_wait3A_227 : memref<40x144xf32, #tpu.memory_space<vmem_shared>>)
      tpu.yield
    }) : () -> ()
    %mul3A_17 = arith.constant 640 : i32
    %mul3A_18 = arith.muli %arg1, %mul3A_17 : i32
    %add3A_19 = arith.constant 160 : i32
    %add3A_20 = arith.addi %mul3A_18, %add3A_19 : i32
    "tpu.region"() ({
      %run_scoped3A = tpu.sem_alloc : memref<!tpu.dma_semaphore, #tpu.memory_space<semaphore_mem>>
      %dma_start3A_220 = arith.constant 0 : i32
      %dma_start3A_221 = tpu.memref_slice %arg9[%add3A_20, %dma_start3A_220] : memref<10240x144xf32, #tpu.memory_space<vmem_shared>> -> memref<40x144xf32, #tpu.memory_space<vmem_shared>>
      %dma_start3A_222 = arith.constant 0 : i32
      %dma_start3A_223 = tpu.memref_slice %arg9[%add3A_20, %dma_start3A_222] : memref<10240x144xf32, #tpu.memory_space<vmem_shared>> -> memref<40x144xf32, #tpu.memory_space<vmem_shared>>
      tpu.enqueue_dma source(%arg12 : memref<40x144xf32, #tpu.memory_space<vmem>>) target(%dma_start3A_223 : memref<40x144xf32, #tpu.memory_space<vmem_shared>>) target_semaphore(%run_scoped3A : memref<!tpu.dma_semaphore, #tpu.memory_space<semaphore_mem>>)
      %dma_wait3A_224 = arith.constant 0 : i32
      %dma_wait3A_225 = tpu.memref_slice %arg9[%add3A_20, %dma_wait3A_224] : memref<10240x144xf32, #tpu.memory_space<vmem_shared>> -> memref<40x144xf32, #tpu.memory_space<vmem_shared>>
      %dma_wait3A_226 = arith.constant 0 : i32
      %dma_wait3A_227 = tpu.memref_slice %arg9[%add3A_20, %dma_wait3A_226] : memref<10240x144xf32, #tpu.memory_space<vmem_shared>> -> memref<40x144xf32, #tpu.memory_space<vmem_shared>>
      tpu.wait_dma2 semaphore(%run_scoped3A : memref<!tpu.dma_semaphore, #tpu.memory_space<semaphore_mem>>) src(%arg12 : memref<40x144xf32, #tpu.memory_space<vmem>>) dst(%dma_wait3A_227 : memref<40x144xf32, #tpu.memory_space<vmem_shared>>)
      tpu.yield
    }) : () -> ()
    %mul3A_21 = arith.constant 640 : i32
    %mul3A_22 = arith.muli %arg1, %mul3A_21 : i32
    %add3A_23 = arith.constant 200 : i32
    %add3A_24 = arith.addi %mul3A_22, %add3A_23 : i32
    "tpu.region"() ({
      %run_scoped3A = tpu.sem_alloc : memref<!tpu.dma_semaphore, #tpu.memory_space<semaphore_mem>>
      %dma_start3A_220 = arith.constant 0 : i32
      %dma_start3A_221 = tpu.memref_slice %arg9[%add3A_24, %dma_start3A_220] : memref<10240x144xf32, #tpu.memory_space<vmem_shared>> -> memref<40x144xf32, #tpu.memory_space<vmem_shared>>
      %dma_start3A_222 = arith.constant 0 : i32
      %dma_start3A_223 = tpu.memref_slice %arg9[%add3A_24, %dma_start3A_222] : memref<10240x144xf32, #tpu.memory_space<vmem_shared>> -> memref<40x144xf32, #tpu.memory_space<vmem_shared>>
      tpu.enqueue_dma source(%arg12 : memref<40x144xf32, #tpu.memory_space<vmem>>) target(%dma_start3A_223 : memref<40x144xf32, #tpu.memory_space<vmem_shared>>) target_semaphore(%run_scoped3A : memref<!tpu.dma_semaphore, #tpu.memory_space<semaphore_mem>>)
      %dma_wait3A_224 = arith.constant 0 : i32
      %dma_wait3A_225 = tpu.memref_slice %arg9[%add3A_24, %dma_wait3A_224] : memref<10240x144xf32, #tpu.memory_space<vmem_shared>> -> memref<40x144xf32, #tpu.memory_space<vmem_shared>>
      %dma_wait3A_226 = arith.constant 0 : i32
      %dma_wait3A_227 = tpu.memref_slice %arg9[%add3A_24, %dma_wait3A_226] : memref<10240x144xf32, #tpu.memory_space<vmem_shared>> -> memref<40x144xf32, #tpu.memory_space<vmem_shared>>
      tpu.wait_dma2 semaphore(%run_scoped3A : memref<!tpu.dma_semaphore, #tpu.memory_space<semaphore_mem>>) src(%arg12 : memref<40x144xf32, #tpu.memory_space<vmem>>) dst(%dma_wait3A_227 : memref<40x144xf32, #tpu.memory_space<vmem_shared>>)
      tpu.yield
    }) : () -> ()
    %mul3A_25 = arith.constant 640 : i32
    %mul3A_26 = arith.muli %arg1, %mul3A_25 : i32
    %add3A_27 = arith.constant 240 : i32
    %add3A_28 = arith.addi %mul3A_26, %add3A_27 : i32
    "tpu.region"() ({
      %run_scoped3A = tpu.sem_alloc : memref<!tpu.dma_semaphore, #tpu.memory_space<semaphore_mem>>
      %dma_start3A_220 = arith.constant 0 : i32
      %dma_start3A_221 = tpu.memref_slice %arg9[%add3A_28, %dma_start3A_220] : memref<10240x144xf32, #tpu.memory_space<vmem_shared>> -> memref<40x144xf32, #tpu.memory_space<vmem_shared>>
      %dma_start3A_222 = arith.constant 0 : i32
      %dma_start3A_223 = tpu.memref_slice %arg9[%add3A_28, %dma_start3A_222] : memref<10240x144xf32, #tpu.memory_space<vmem_shared>> -> memref<40x144xf32, #tpu.memory_space<vmem_shared>>
      tpu.enqueue_dma source(%arg12 : memref<40x144xf32, #tpu.memory_space<vmem>>) target(%dma_start3A_223 : memref<40x144xf32, #tpu.memory_space<vmem_shared>>) target_semaphore(%run_scoped3A : memref<!tpu.dma_semaphore, #tpu.memory_space<semaphore_mem>>)
      %dma_wait3A_224 = arith.constant 0 : i32
      %dma_wait3A_225 = tpu.memref_slice %arg9[%add3A_28, %dma_wait3A_224] : memref<10240x144xf32, #tpu.memory_space<vmem_shared>> -> memref<40x144xf32, #tpu.memory_space<vmem_shared>>
      %dma_wait3A_226 = arith.constant 0 : i32
      %dma_wait3A_227 = tpu.memref_slice %arg9[%add3A_28, %dma_wait3A_226] : memref<10240x144xf32, #tpu.memory_space<vmem_shared>> -> memref<40x144xf32, #tpu.memory_space<vmem_shared>>
      tpu.wait_dma2 semaphore(%run_scoped3A : memref<!tpu.dma_semaphore, #tpu.memory_space<semaphore_mem>>) src(%arg12 : memref<40x144xf32, #tpu.memory_space<vmem>>) dst(%dma_wait3A_227 : memref<40x144xf32, #tpu.memory_space<vmem_shared>>)
      tpu.yield
    }) : () -> ()
    %mul3A_29 = arith.constant 640 : i32
    %mul3A_30 = arith.muli %arg1, %mul3A_29 : i32
    %add3A_31 = arith.constant 280 : i32
    %add3A_32 = arith.addi %mul3A_30, %add3A_31 : i32
    "tpu.region"() ({
      %run_scoped3A = tpu.sem_alloc : memref<!tpu.dma_semaphore, #tpu.memory_space<semaphore_mem>>
      %dma_start3A_220 = arith.constant 0 : i32
      %dma_start3A_221 = tpu.memref_slice %arg9[%add3A_32, %dma_start3A_220] : memref<10240x144xf32, #tpu.memory_space<vmem_shared>> -> memref<40x144xf32, #tpu.memory_space<vmem_shared>>
      %dma_start3A_222 = arith.constant 0 : i32
      %dma_start3A_223 = tpu.memref_slice %arg9[%add3A_32, %dma_start3A_222] : memref<10240x144xf32, #tpu.memory_space<vmem_shared>> -> memref<40x144xf32, #tpu.memory_space<vmem_shared>>
      tpu.enqueue_dma source(%arg12 : memref<40x144xf32, #tpu.memory_space<vmem>>) target(%dma_start3A_223 : memref<40x144xf32, #tpu.memory_space<vmem_shared>>) target_semaphore(%run_scoped3A : memref<!tpu.dma_semaphore, #tpu.memory_space<semaphore_mem>>)
      %dma_wait3A_224 = arith.constant 0 : i32
      %dma_wait3A_225 = tpu.memref_slice %arg9[%add3A_32, %dma_wait3A_224] : memref<10240x144xf32, #tpu.memory_space<vmem_shared>> -> memref<40x144xf32, #tpu.memory_space<vmem_shared>>
      %dma_wait3A_226 = arith.constant 0 : i32
      %dma_wait3A_227 = tpu.memref_slice %arg9[%add3A_32, %dma_wait3A_226] : memref<10240x144xf32, #tpu.memory_space<vmem_shared>> -> memref<40x144xf32, #tpu.memory_space<vmem_shared>>
      tpu.wait_dma2 semaphore(%run_scoped3A : memref<!tpu.dma_semaphore, #tpu.memory_space<semaphore_mem>>) src(%arg12 : memref<40x144xf32, #tpu.memory_space<vmem>>) dst(%dma_wait3A_227 : memref<40x144xf32, #tpu.memory_space<vmem_shared>>)
      tpu.yield
    }) : () -> ()
    %mul3A_33 = arith.constant 640 : i32
    %mul3A_34 = arith.muli %arg1, %mul3A_33 : i32
    %add3A_35 = arith.constant 320 : i32
    %add3A_36 = arith.addi %mul3A_34, %add3A_35 : i32
    "tpu.region"() ({
      %run_scoped3A = tpu.sem_alloc : memref<!tpu.dma_semaphore, #tpu.memory_space<semaphore_mem>>
      %dma_start3A_220 = arith.constant 0 : i32
      %dma_start3A_221 = tpu.memref_slice %arg9[%add3A_36, %dma_start3A_220] : memref<10240x144xf32, #tpu.memory_space<vmem_shared>> -> memref<40x144xf32, #tpu.memory_space<vmem_shared>>
      %dma_start3A_222 = arith.constant 0 : i32
      %dma_start3A_223 = tpu.memref_slice %arg9[%add3A_36, %dma_start3A_222] : memref<10240x144xf32, #tpu.memory_space<vmem_shared>> -> memref<40x144xf32, #tpu.memory_space<vmem_shared>>
      tpu.enqueue_dma source(%arg12 : memref<40x144xf32, #tpu.memory_space<vmem>>) target(%dma_start3A_223 : memref<40x144xf32, #tpu.memory_space<vmem_shared>>) target_semaphore(%run_scoped3A : memref<!tpu.dma_semaphore, #tpu.memory_space<semaphore_mem>>)
      %dma_wait3A_224 = arith.constant 0 : i32
      %dma_wait3A_225 = tpu.memref_slice %arg9[%add3A_36, %dma_wait3A_224] : memref<10240x144xf32, #tpu.memory_space<vmem_shared>> -> memref<40x144xf32, #tpu.memory_space<vmem_shared>>
      %dma_wait3A_226 = arith.constant 0 : i32
      %dma_wait3A_227 = tpu.memref_slice %arg9[%add3A_36, %dma_wait3A_226] : memref<10240x144xf32, #tpu.memory_space<vmem_shared>> -> memref<40x144xf32, #tpu.memory_space<vmem_shared>>
      tpu.wait_dma2 semaphore(%run_scoped3A : memref<!tpu.dma_semaphore, #tpu.memory_space<semaphore_mem>>) src(%arg12 : memref<40x144xf32, #tpu.memory_space<vmem>>) dst(%dma_wait3A_227 : memref<40x144xf32, #tpu.memory_space<vmem_shared>>)
      tpu.yield
    }) : () -> ()
    %mul3A_37 = arith.constant 640 : i32
    %mul3A_38 = arith.muli %arg1, %mul3A_37 : i32
    %add3A_39 = arith.constant 360 : i32
    %add3A_40 = arith.addi %mul3A_38, %add3A_39 : i32
    "tpu.region"() ({
      %run_scoped3A = tpu.sem_alloc : memref<!tpu.dma_semaphore, #tpu.memory_space<semaphore_mem>>
      %dma_start3A_220 = arith.constant 0 : i32
      %dma_start3A_221 = tpu.memref_slice %arg9[%add3A_40, %dma_start3A_220] : memref<10240x144xf32, #tpu.memory_space<vmem_shared>> -> memref<40x144xf32, #tpu.memory_space<vmem_shared>>
      %dma_start3A_222 = arith.constant 0 : i32
      %dma_start3A_223 = tpu.memref_slice %arg9[%add3A_40, %dma_start3A_222] : memref<10240x144xf32, #tpu.memory_space<vmem_shared>> -> memref<40x144xf32, #tpu.memory_space<vmem_shared>>
      tpu.enqueue_dma source(%arg12 : memref<40x144xf32, #tpu.memory_space<vmem>>) target(%dma_start3A_223 : memref<40x144xf32, #tpu.memory_space<vmem_shared>>) target_semaphore(%run_scoped3A : memref<!tpu.dma_semaphore, #tpu.memory_space<semaphore_mem>>)
      %dma_wait3A_224 = arith.constant 0 : i32
      %dma_wait3A_225 = tpu.memref_slice %arg9[%add3A_40, %dma_wait3A_224] : memref<10240x144xf32, #tpu.memory_space<vmem_shared>> -> memref<40x144xf32, #tpu.memory_space<vmem_shared>>
      %dma_wait3A_226 = arith.constant 0 : i32
      %dma_wait3A_227 = tpu.memref_slice %arg9[%add3A_40, %dma_wait3A_226] : memref<10240x144xf32, #tpu.memory_space<vmem_shared>> -> memref<40x144xf32, #tpu.memory_space<vmem_shared>>
      tpu.wait_dma2 semaphore(%run_scoped3A : memref<!tpu.dma_semaphore, #tpu.memory_space<semaphore_mem>>) src(%arg12 : memref<40x144xf32, #tpu.memory_space<vmem>>) dst(%dma_wait3A_227 : memref<40x144xf32, #tpu.memory_space<vmem_shared>>)
      tpu.yield
    }) : () -> ()
    %mul3A_41 = arith.constant 640 : i32
    %mul3A_42 = arith.muli %arg1, %mul3A_41 : i32
    %add3A_43 = arith.constant 400 : i32
    %add3A_44 = arith.addi %mul3A_42, %add3A_43 : i32
    "tpu.region"() ({
      %run_scoped3A = tpu.sem_alloc : memref<!tpu.dma_semaphore, #tpu.memory_space<semaphore_mem>>
      %dma_start3A_220 = arith.constant 0 : i32
      %dma_start3A_221 = tpu.memref_slice %arg9[%add3A_44, %dma_start3A_220] : memref<10240x144xf32, #tpu.memory_space<vmem_shared>> -> memref<40x144xf32, #tpu.memory_space<vmem_shared>>
      %dma_start3A_222 = arith.constant 0 : i32
      %dma_start3A_223 = tpu.memref_slice %arg9[%add3A_44, %dma_start3A_222] : memref<10240x144xf32, #tpu.memory_space<vmem_shared>> -> memref<40x144xf32, #tpu.memory_space<vmem_shared>>
      tpu.enqueue_dma source(%arg12 : memref<40x144xf32, #tpu.memory_space<vmem>>) target(%dma_start3A_223 : memref<40x144xf32, #tpu.memory_space<vmem_shared>>) target_semaphore(%run_scoped3A : memref<!tpu.dma_semaphore, #tpu.memory_space<semaphore_mem>>)
      %dma_wait3A_224 = arith.constant 0 : i32
      %dma_wait3A_225 = tpu.memref_slice %arg9[%add3A_44, %dma_wait3A_224] : memref<10240x144xf32, #tpu.memory_space<vmem_shared>> -> memref<40x144xf32, #tpu.memory_space<vmem_shared>>
      %dma_wait3A_226 = arith.constant 0 : i32
      %dma_wait3A_227 = tpu.memref_slice %arg9[%add3A_44, %dma_wait3A_226] : memref<10240x144xf32, #tpu.memory_space<vmem_shared>> -> memref<40x144xf32, #tpu.memory_space<vmem_shared>>
      tpu.wait_dma2 semaphore(%run_scoped3A : memref<!tpu.dma_semaphore, #tpu.memory_space<semaphore_mem>>) src(%arg12 : memref<40x144xf32, #tpu.memory_space<vmem>>) dst(%dma_wait3A_227 : memref<40x144xf32, #tpu.memory_space<vmem_shared>>)
      tpu.yield
    }) : () -> ()
    %mul3A_45 = arith.constant 640 : i32
    %mul3A_46 = arith.muli %arg1, %mul3A_45 : i32
    %add3A_47 = arith.constant 440 : i32
    %add3A_48 = arith.addi %mul3A_46, %add3A_47 : i32
    "tpu.region"() ({
      %run_scoped3A = tpu.sem_alloc : memref<!tpu.dma_semaphore, #tpu.memory_space<semaphore_mem>>
      %dma_start3A_220 = arith.constant 0 : i32
      %dma_start3A_221 = tpu.memref_slice %arg9[%add3A_48, %dma_start3A_220] : memref<10240x144xf32, #tpu.memory_space<vmem_shared>> -> memref<40x144xf32, #tpu.memory_space<vmem_shared>>
      %dma_start3A_222 = arith.constant 0 : i32
      %dma_start3A_223 = tpu.memref_slice %arg9[%add3A_48, %dma_start3A_222] : memref<10240x144xf32, #tpu.memory_space<vmem_shared>> -> memref<40x144xf32, #tpu.memory_space<vmem_shared>>
      tpu.enqueue_dma source(%arg12 : memref<40x144xf32, #tpu.memory_space<vmem>>) target(%dma_start3A_223 : memref<40x144xf32, #tpu.memory_space<vmem_shared>>) target_semaphore(%run_scoped3A : memref<!tpu.dma_semaphore, #tpu.memory_space<semaphore_mem>>)
      %dma_wait3A_224 = arith.constant 0 : i32
      %dma_wait3A_225 = tpu.memref_slice %arg9[%add3A_48, %dma_wait3A_224] : memref<10240x144xf32, #tpu.memory_space<vmem_shared>> -> memref<40x144xf32, #tpu.memory_space<vmem_shared>>
      %dma_wait3A_226 = arith.constant 0 : i32
      %dma_wait3A_227 = tpu.memref_slice %arg9[%add3A_48, %dma_wait3A_226] : memref<10240x144xf32, #tpu.memory_space<vmem_shared>> -> memref<40x144xf32, #tpu.memory_space<vmem_shared>>
      tpu.wait_dma2 semaphore(%run_scoped3A : memref<!tpu.dma_semaphore, #tpu.memory_space<semaphore_mem>>) src(%arg12 : memref<40x144xf32, #tpu.memory_space<vmem>>) dst(%dma_wait3A_227 : memref<40x144xf32, #tpu.memory_space<vmem_shared>>)
      tpu.yield
    }) : () -> ()
    %mul3A_49 = arith.constant 640 : i32
    %mul3A_50 = arith.muli %arg1, %mul3A_49 : i32
    %add3A_51 = arith.constant 480 : i32
    %add3A_52 = arith.addi %mul3A_50, %add3A_51 : i32
    "tpu.region"() ({
      %run_scoped3A = tpu.sem_alloc : memref<!tpu.dma_semaphore, #tpu.memory_space<semaphore_mem>>
      %dma_start3A_220 = arith.constant 0 : i32
      %dma_start3A_221 = tpu.memref_slice %arg9[%add3A_52, %dma_start3A_220] : memref<10240x144xf32, #tpu.memory_space<vmem_shared>> -> memref<40x144xf32, #tpu.memory_space<vmem_shared>>
      %dma_start3A_222 = arith.constant 0 : i32
      %dma_start3A_223 = tpu.memref_slice %arg9[%add3A_52, %dma_start3A_222] : memref<10240x144xf32, #tpu.memory_space<vmem_shared>> -> memref<40x144xf32, #tpu.memory_space<vmem_shared>>
      tpu.enqueue_dma source(%arg12 : memref<40x144xf32, #tpu.memory_space<vmem>>) target(%dma_start3A_223 : memref<40x144xf32, #tpu.memory_space<vmem_shared>>) target_semaphore(%run_scoped3A : memref<!tpu.dma_semaphore, #tpu.memory_space<semaphore_mem>>)
      %dma_wait3A_224 = arith.constant 0 : i32
      %dma_wait3A_225 = tpu.memref_slice %arg9[%add3A_52, %dma_wait3A_224] : memref<10240x144xf32, #tpu.memory_space<vmem_shared>> -> memref<40x144xf32, #tpu.memory_space<vmem_shared>>
      %dma_wait3A_226 = arith.constant 0 : i32
      %dma_wait3A_227 = tpu.memref_slice %arg9[%add3A_52, %dma_wait3A_226] : memref<10240x144xf32, #tpu.memory_space<vmem_shared>> -> memref<40x144xf32, #tpu.memory_space<vmem_shared>>
      tpu.wait_dma2 semaphore(%run_scoped3A : memref<!tpu.dma_semaphore, #tpu.memory_space<semaphore_mem>>) src(%arg12 : memref<40x144xf32, #tpu.memory_space<vmem>>) dst(%dma_wait3A_227 : memref<40x144xf32, #tpu.memory_space<vmem_shared>>)
      tpu.yield
    }) : () -> ()
    %mul3A_53 = arith.constant 640 : i32
    %mul3A_54 = arith.muli %arg1, %mul3A_53 : i32
    %add3A_55 = arith.constant 520 : i32
    %add3A_56 = arith.addi %mul3A_54, %add3A_55 : i32
    "tpu.region"() ({
      %run_scoped3A = tpu.sem_alloc : memref<!tpu.dma_semaphore, #tpu.memory_space<semaphore_mem>>
      %dma_start3A_220 = arith.constant 0 : i32
      %dma_start3A_221 = tpu.memref_slice %arg9[%add3A_56, %dma_start3A_220] : memref<10240x144xf32, #tpu.memory_space<vmem_shared>> -> memref<40x144xf32, #tpu.memory_space<vmem_shared>>
      %dma_start3A_222 = arith.constant 0 : i32
      %dma_start3A_223 = tpu.memref_slice %arg9[%add3A_56, %dma_start3A_222] : memref<10240x144xf32, #tpu.memory_space<vmem_shared>> -> memref<40x144xf32, #tpu.memory_space<vmem_shared>>
      tpu.enqueue_dma source(%arg12 : memref<40x144xf32, #tpu.memory_space<vmem>>) target(%dma_start3A_223 : memref<40x144xf32, #tpu.memory_space<vmem_shared>>) target_semaphore(%run_scoped3A : memref<!tpu.dma_semaphore, #tpu.memory_space<semaphore_mem>>)
      %dma_wait3A_224 = arith.constant 0 : i32
      %dma_wait3A_225 = tpu.memref_slice %arg9[%add3A_56, %dma_wait3A_224] : memref<10240x144xf32, #tpu.memory_space<vmem_shared>> -> memref<40x144xf32, #tpu.memory_space<vmem_shared>>
      %dma_wait3A_226 = arith.constant 0 : i32
      %dma_wait3A_227 = tpu.memref_slice %arg9[%add3A_56, %dma_wait3A_226] : memref<10240x144xf32, #tpu.memory_space<vmem_shared>> -> memref<40x144xf32, #tpu.memory_space<vmem_shared>>
      tpu.wait_dma2 semaphore(%run_scoped3A : memref<!tpu.dma_semaphore, #tpu.memory_space<semaphore_mem>>) src(%arg12 : memref<40x144xf32, #tpu.memory_space<vmem>>) dst(%dma_wait3A_227 : memref<40x144xf32, #tpu.memory_space<vmem_shared>>)
      tpu.yield
    }) : () -> ()
    %mul3A_57 = arith.constant 640 : i32
    %mul3A_58 = arith.muli %arg1, %mul3A_57 : i32
    %add3A_59 = arith.constant 560 : i32
    %add3A_60 = arith.addi %mul3A_58, %add3A_59 : i32
    "tpu.region"() ({
      %run_scoped3A = tpu.sem_alloc : memref<!tpu.dma_semaphore, #tpu.memory_space<semaphore_mem>>
      %dma_start3A_220 = arith.constant 0 : i32
      %dma_start3A_221 = tpu.memref_slice %arg9[%add3A_60, %dma_start3A_220] : memref<10240x144xf32, #tpu.memory_space<vmem_shared>> -> memref<40x144xf32, #tpu.memory_space<vmem_shared>>
      %dma_start3A_222 = arith.constant 0 : i32
      %dma_start3A_223 = tpu.memref_slice %arg9[%add3A_60, %dma_start3A_222] : memref<10240x144xf32, #tpu.memory_space<vmem_shared>> -> memref<40x144xf32, #tpu.memory_space<vmem_shared>>
      tpu.enqueue_dma source(%arg12 : memref<40x144xf32, #tpu.memory_space<vmem>>) target(%dma_start3A_223 : memref<40x144xf32, #tpu.memory_space<vmem_shared>>) target_semaphore(%run_scoped3A : memref<!tpu.dma_semaphore, #tpu.memory_space<semaphore_mem>>)
      %dma_wait3A_224 = arith.constant 0 : i32
      %dma_wait3A_225 = tpu.memref_slice %arg9[%add3A_60, %dma_wait3A_224] : memref<10240x144xf32, #tpu.memory_space<vmem_shared>> -> memref<40x144xf32, #tpu.memory_space<vmem_shared>>
      %dma_wait3A_226 = arith.constant 0 : i32
      %dma_wait3A_227 = tpu.memref_slice %arg9[%add3A_60, %dma_wait3A_226] : memref<10240x144xf32, #tpu.memory_space<vmem_shared>> -> memref<40x144xf32, #tpu.memory_space<vmem_shared>>
      tpu.wait_dma2 semaphore(%run_scoped3A : memref<!tpu.dma_semaphore, #tpu.memory_space<semaphore_mem>>) src(%arg12 : memref<40x144xf32, #tpu.memory_space<vmem>>) dst(%dma_wait3A_227 : memref<40x144xf32, #tpu.memory_space<vmem_shared>>)
      tpu.yield
    }) : () -> ()
    %mul3A_61 = arith.constant 640 : i32
    %mul3A_62 = arith.muli %arg1, %mul3A_61 : i32
    %add3A_63 = arith.constant 600 : i32
    %add3A_64 = arith.addi %mul3A_62, %add3A_63 : i32
    "tpu.region"() ({
      %run_scoped3A = tpu.sem_alloc : memref<!tpu.dma_semaphore, #tpu.memory_space<semaphore_mem>>
      %dma_start3A_220 = arith.constant 0 : i32
      %dma_start3A_221 = tpu.memref_slice %arg9[%add3A_64, %dma_start3A_220] : memref<10240x144xf32, #tpu.memory_space<vmem_shared>> -> memref<40x144xf32, #tpu.memory_space<vmem_shared>>
      %dma_start3A_222 = arith.constant 0 : i32
      %dma_start3A_223 = tpu.memref_slice %arg9[%add3A_64, %dma_start3A_222] : memref<10240x144xf32, #tpu.memory_space<vmem_shared>> -> memref<40x144xf32, #tpu.memory_space<vmem_shared>>
      tpu.enqueue_dma source(%arg12 : memref<40x144xf32, #tpu.memory_space<vmem>>) target(%dma_start3A_223 : memref<40x144xf32, #tpu.memory_space<vmem_shared>>) target_semaphore(%run_scoped3A : memref<!tpu.dma_semaphore, #tpu.memory_space<semaphore_mem>>)
      %dma_wait3A_224 = arith.constant 0 : i32
      %dma_wait3A_225 = tpu.memref_slice %arg9[%add3A_64, %dma_wait3A_224] : memref<10240x144xf32, #tpu.memory_space<vmem_shared>> -> memref<40x144xf32, #tpu.memory_space<vmem_shared>>
      %dma_wait3A_226 = arith.constant 0 : i32
      %dma_wait3A_227 = tpu.memref_slice %arg9[%add3A_64, %dma_wait3A_226] : memref<10240x144xf32, #tpu.memory_space<vmem_shared>> -> memref<40x144xf32, #tpu.memory_space<vmem_shared>>
      tpu.wait_dma2 semaphore(%run_scoped3A : memref<!tpu.dma_semaphore, #tpu.memory_space<semaphore_mem>>) src(%arg12 : memref<40x144xf32, #tpu.memory_space<vmem>>) dst(%dma_wait3A_227 : memref<40x144xf32, #tpu.memory_space<vmem_shared>>)
      tpu.yield
    }) : () -> ()
    %iota3A = tpu.iota {dimensions = array<i32: 0>} : vector<16xi32>
    %lt3A = arith.constant 8 : i32
    %lt3A_65 = vector.broadcast %lt3A : i32 to vector<16xi32>
    %lt3A_66 = arith.cmpi slt, %iota3A, %lt3A_65 : vector<16xi32>
    %jit3A = arith.constant 1.000000e+00 : f32
    %jit3A_67 = arith.constant 0.000000e+00 : f32
    %broadcast_in_dim3A = vector.broadcast %jit3A : f32 to vector<16xf32>
    %broadcast_in_dim3A_68 = vector.broadcast %jit3A_67 : f32 to vector<16xf32>
    %select_n3A = arith.select %lt3A_66, %broadcast_in_dim3A, %broadcast_in_dim3A_68 : vector<16xi1>, vector<16xf32>
    %barrier3A = arith.constant 0 : index
    tpu.barrier barrier_id(%barrier3A)
    %mul3A_69 = arith.constant 10000 : i32
    %mul3A_70 = arith.muli %add3A, %mul3A_69 : i32
    "tpu.region"() ({
      %run_scoped3A = tpu.sem_alloc : memref<!tpu.dma_semaphore, #tpu.memory_space<semaphore_mem>>
      %dma_start3A_220 = tpu.memref_slice %arg5[%mul3A_70] : memref<320000xi32, #tpu.memory_space<hbm>> -> memref<40xi32, #tpu.memory_space<hbm>>
      %dma_start3A_221 = tpu.memref_slice %arg5[%mul3A_70] : memref<320000xi32, #tpu.memory_space<hbm>> -> memref<40xi32, #tpu.memory_space<hbm>>
      tpu.enqueue_dma source(%dma_start3A_221 : memref<40xi32, #tpu.memory_space<hbm>>) target(%arg14 : memref<40xi32, #tpu.memory_space<vmem>>) target_semaphore(%run_scoped3A : memref<!tpu.dma_semaphore, #tpu.memory_space<semaphore_mem>>)
      %dma_wait3A_222 = tpu.memref_slice %arg5[%mul3A_70] : memref<320000xi32, #tpu.memory_space<hbm>> -> memref<40xi32, #tpu.memory_space<hbm>>
      %dma_wait3A_223 = tpu.memref_slice %arg5[%mul3A_70] : memref<320000xi32, #tpu.memory_space<hbm>> -> memref<40xi32, #tpu.memory_space<hbm>>
      tpu.wait_dma2 semaphore(%run_scoped3A : memref<!tpu.dma_semaphore, #tpu.memory_space<semaphore_mem>>) src(%dma_wait3A_223 : memref<40xi32, #tpu.memory_space<hbm>>) dst(%arg14 : memref<40xi32, #tpu.memory_space<vmem>>)
      tpu.yield
    }) : () -> ()
    "tpu.region"() ({
      %run_scoped3A = tpu.sem_alloc : memref<!tpu.dma_semaphore, #tpu.memory_space<semaphore_mem>>
      %dma_start3A_220 = tpu.memref_slice %arg6[%mul3A_70] : memref<320000xi32, #tpu.memory_space<hbm>> -> memref<40xi32, #tpu.memory_space<hbm>>
      %dma_start3A_221 = tpu.memref_slice %arg6[%mul3A_70] : memref<320000xi32, #tpu.memory_space<hbm>> -> memref<40xi32, #tpu.memory_space<hbm>>
      tpu.enqueue_dma source(%dma_start3A_221 : memref<40xi32, #tpu.memory_space<hbm>>) target(%arg15 : memref<40xi32, #tpu.memory_space<vmem>>) target_semaphore(%run_scoped3A : memref<!tpu.dma_semaphore, #tpu.memory_space<semaphore_mem>>)
      %dma_wait3A_222 = tpu.memref_slice %arg6[%mul3A_70] : memref<320000xi32, #tpu.memory_space<hbm>> -> memref<40xi32, #tpu.memory_space<hbm>>
      %dma_wait3A_223 = tpu.memref_slice %arg6[%mul3A_70] : memref<320000xi32, #tpu.memory_space<hbm>> -> memref<40xi32, #tpu.memory_space<hbm>>
      tpu.wait_dma2 semaphore(%run_scoped3A : memref<!tpu.dma_semaphore, #tpu.memory_space<semaphore_mem>>) src(%dma_wait3A_223 : memref<40xi32, #tpu.memory_space<hbm>>) dst(%arg15 : memref<40xi32, #tpu.memory_space<vmem>>)
      tpu.yield
    }) : () -> ()
    %dma_start3A = arith.constant 0 : i32
    %dma_start3A_71 = arith.constant 0 : i32
    %dma_start3A_72 = tpu.memref_slice %arg9[%dma_start3A, %dma_start3A_71] : memref<10240x144xf32, #tpu.memory_space<vmem_shared>> -> memref<10240x144xf32, #tpu.memory_space<vmem_shared>>
    tpu.enqueue_indirect_dma source(%arg12 : memref<40x144xf32, #tpu.memory_space<vmem>>) target(%dma_start3A_72 : memref<10240x144xf32, #tpu.memory_space<vmem_shared>>) offsets(%arg15 : memref<40xi32, #tpu.memory_space<vmem>>) semaphore(%arg22 : memref<!tpu.dma_semaphore, #tpu.memory_space<semaphore_mem>>) {add = true}
    %dma_start3A_73 = arith.constant 0 : i32
    %dma_start3A_74 = arith.constant 0 : i32
    %dma_start3A_75 = tpu.memref_slice %arg2[%dma_start3A_73, %dma_start3A_74] : memref<10240x128xf32, #tpu.memory_space<hbm>> -> memref<10240x128xf32, #tpu.memory_space<hbm>>
    tpu.enqueue_indirect_dma source(%dma_start3A_75 : memref<10240x128xf32, #tpu.memory_space<hbm>>) target(%arg10 : memref<40x128xf32, #tpu.memory_space<vmem>>) offsets(%arg14 : memref<40xi32, #tpu.memory_space<vmem>>) semaphore(%arg18 : memref<!tpu.dma_semaphore, #tpu.memory_space<semaphore_mem>>)
    %dma_start3A_76 = arith.constant 0 : i32
    %dma_start3A_77 = arith.constant 0 : i32
    %dma_start3A_78 = tpu.memref_slice %arg3[%dma_start3A_76, %dma_start3A_77] : memref<10240x128xf32, #tpu.memory_space<hbm>> -> memref<10240x128xf32, #tpu.memory_space<hbm>>
    tpu.enqueue_indirect_dma source(%dma_start3A_78 : memref<10240x128xf32, #tpu.memory_space<hbm>>) target(%arg11 : memref<40x128xf32, #tpu.memory_space<vmem>>) offsets(%arg15 : memref<40xi32, #tpu.memory_space<vmem>>) semaphore(%arg19 : memref<!tpu.dma_semaphore, #tpu.memory_space<semaphore_mem>>)
    %scan3A = arith.constant 0 : i32
    %scan3A_79 = arith.constant 125 : i32
    %scan3A_80 = arith.addi %scan3A, %scan3A_79 : i32
    %scan3A_81 = arith.constant 1 : i32
    scf.for %scan3A_220 = %scan3A to %scan3A_80 step %scan3A_81  : i32 {
      %mul3A_221 = arith.constant 1 : i32
      %mul3A_222 = arith.muli %scan3A_220, %mul3A_221 : i32
      %add3A_223 = arith.constant 0 : i32
      %add3A_224 = arith.addi %add3A_223, %mul3A_222 : i32
      %mul3A_225 = arith.constant 2 : i32
      %mul3A_226 = arith.muli %mul3A_225, %add3A_224 : i32
      %add3A_227 = arith.constant 0 : i32
      %add3A_228 = arith.addi %mul3A_226, %add3A_227 : i32
      %mul3A_229 = arith.constant 10000 : i32
      %mul3A_230 = arith.muli %add3A, %mul3A_229 : i32
      %add3A_231 = arith.constant 1 : i32
      %add3A_232 = arith.addi %add3A_228, %add3A_231 : i32
      %rem3A = arith.constant 250 : i32
      %rem3A_233 = arith.remsi %add3A_232, %rem3A : i32
      %mul3A_234 = arith.constant 40 : i32
      %mul3A_235 = arith.muli %rem3A_233, %mul3A_234 : i32
      %add3A_236 = arith.addi %mul3A_230, %mul3A_235 : i32
      %dma_wait3A_237 = arith.constant 0 : i32
      %dma_wait3A_238 = arith.constant 0 : i32
      %dma_wait3A_239 = tpu.memref_slice %arg9[%dma_wait3A_237, %dma_wait3A_238] : memref<10240x144xf32, #tpu.memory_space<vmem_shared>> -> memref<10240x144xf32, #tpu.memory_space<vmem_shared>>
      tpu.wait_indirect_dma semaphore(%arg22 : memref<!tpu.dma_semaphore, #tpu.memory_space<semaphore_mem>>) src(%arg12 : memref<40x144xf32, #tpu.memory_space<vmem>>) dst(%dma_wait3A_239 : memref<10240x144xf32, #tpu.memory_space<vmem_shared>>)
      %dma_start3A_240 = tpu.memref_slice %arg5[%add3A_236] : memref<320000xi32, #tpu.memory_space<hbm>> -> memref<40xi32, #tpu.memory_space<hbm>>
      %dma_start3A_241 = tpu.memref_slice %arg5[%add3A_236] : memref<320000xi32, #tpu.memory_space<hbm>> -> memref<40xi32, #tpu.memory_space<hbm>>
      tpu.enqueue_dma source(%dma_start3A_241 : memref<40xi32, #tpu.memory_space<hbm>>) target(%arg16 : memref<40xi32, #tpu.memory_space<vmem>>) target_semaphore(%arg21 : memref<!tpu.dma_semaphore, #tpu.memory_space<semaphore_mem>>)
      %dma_start3A_242 = tpu.memref_slice %arg6[%add3A_236] : memref<320000xi32, #tpu.memory_space<hbm>> -> memref<40xi32, #tpu.memory_space<hbm>>
      %dma_start3A_243 = tpu.memref_slice %arg6[%add3A_236] : memref<320000xi32, #tpu.memory_space<hbm>> -> memref<40xi32, #tpu.memory_space<hbm>>
      tpu.enqueue_dma source(%dma_start3A_243 : memref<40xi32, #tpu.memory_space<hbm>>) target(%arg17 : memref<40xi32, #tpu.memory_space<vmem>>) target_semaphore(%arg21 : memref<!tpu.dma_semaphore, #tpu.memory_space<semaphore_mem>>)
      %dma_start3A_244 = arith.constant 0 : i32
      %dma_start3A_245 = arith.constant 0 : i32
      %dma_start3A_246 = tpu.memref_slice %arg4[%dma_start3A_244, %dma_start3A_245] : memref<10240x144xf32, #tpu.memory_space<hbm>> -> memref<10240x144xf32, #tpu.memory_space<hbm>>
      tpu.enqueue_indirect_dma source(%dma_start3A_246 : memref<10240x144xf32, #tpu.memory_space<hbm>>) target(%arg12 : memref<40x144xf32, #tpu.memory_space<vmem>>) offsets(%arg14 : memref<40xi32, #tpu.memory_space<vmem>>) semaphore(%arg20 : memref<!tpu.dma_semaphore, #tpu.memory_space<semaphore_mem>>)
      %dma_wait3A_247 = arith.constant 0 : i32
      %dma_wait3A_248 = arith.constant 0 : i32
      %dma_wait3A_249 = tpu.memref_slice %arg2[%dma_wait3A_247, %dma_wait3A_248] : memref<10240x128xf32, #tpu.memory_space<hbm>> -> memref<10240x128xf32, #tpu.memory_space<hbm>>
      tpu.wait_indirect_dma semaphore(%arg18 : memref<!tpu.dma_semaphore, #tpu.memory_space<semaphore_mem>>) src(%dma_wait3A_249 : memref<10240x128xf32, #tpu.memory_space<hbm>>) dst(%arg10 : memref<40x128xf32, #tpu.memory_space<vmem>>)
      %dma_wait3A_250 = arith.constant 0 : i32
      %dma_wait3A_251 = arith.constant 0 : i32
      %dma_wait3A_252 = tpu.memref_slice %arg3[%dma_wait3A_250, %dma_wait3A_251] : memref<10240x128xf32, #tpu.memory_space<hbm>> -> memref<10240x128xf32, #tpu.memory_space<hbm>>
      tpu.wait_indirect_dma semaphore(%arg19 : memref<!tpu.dma_semaphore, #tpu.memory_space<semaphore_mem>>) src(%dma_wait3A_252 : memref<10240x128xf32, #tpu.memory_space<hbm>>) dst(%arg11 : memref<40x128xf32, #tpu.memory_space<vmem>>)
      %parallel_loop3A = arith.constant 0 : i32
      %parallel_loop3A_253 = arith.constant 40 : i32
      %parallel_loop3A_254 = arith.constant 1 : i32
      scf.for %parallel_loop3A_325 = %parallel_loop3A to %parallel_loop3A_253 step %parallel_loop3A_254  : i32 {
        %parallel_loop3A_326 = arith.constant 0.000000e+00 : f32
        %parallel_loop3A_327 = vector.broadcast %parallel_loop3A_326 : f32 to vector<16xf32>
        %parallel_loop3A_328 = arith.index_cast %parallel_loop3A_325 : i32 to index
        %parallel_loop3A_329 = arith.constant 0 : index
        %parallel_loop3A_330 = tpu.vector_load %arg10[%parallel_loop3A_328, %parallel_loop3A_329] {strides = array<i32>} : memref<40x128xf32, #tpu.memory_space<vmem>>, vector<16xf32>,
        %parallel_loop3A_331 = arith.index_cast %parallel_loop3A_325 : i32 to index
        %parallel_loop3A_332 = arith.constant 0 : index
        %parallel_loop3A_333 = tpu.vector_load %arg11[%parallel_loop3A_331, %parallel_loop3A_332] {strides = array<i32>} : memref<40x128xf32, #tpu.memory_space<vmem>>, vector<16xf32>,
        %parallel_loop3A_334 = arith.mulf %parallel_loop3A_330, %parallel_loop3A_333 : vector<16xf32>
        %parallel_loop3A_335 = arith.constant true
        %parallel_loop3A_336 = vector.broadcast %parallel_loop3A_335 : i1 to vector<16xi1>
        %parallel_loop3A_337 = tpu.scan <sum>, %parallel_loop3A_334 masked %parallel_loop3A_336 : vector<16xf32>, vector<16xi1> -> vector<16xf32>
        %parallel_loop3A_338 = vector.extract %parallel_loop3A_337[15] : f32 from vector<16xf32>
        %parallel_loop3A_339 = arith.constant 0 : i32
        %parallel_loop3A_340 = vector.broadcast %parallel_loop3A_339 : i32 to vector<16xi32>
        %parallel_loop3A_341 = arith.cmpi eq, %iota3A, %parallel_loop3A_340 : vector<16xi32>
        %parallel_loop3A_342 = vector.broadcast %parallel_loop3A_338 : f32 to vector<16xf32>
        %parallel_loop3A_343 = arith.select %parallel_loop3A_341, %parallel_loop3A_342, %parallel_loop3A_327 : vector<16xi1>, vector<16xf32>
        %parallel_loop3A_344 = arith.index_cast %parallel_loop3A_325 : i32 to index
        %parallel_loop3A_345 = arith.constant 16 : index
        %parallel_loop3A_346 = tpu.vector_load %arg10[%parallel_loop3A_344, %parallel_loop3A_345] {strides = array<i32>} : memref<40x128xf32, #tpu.memory_space<vmem>>, vector<16xf32>,
        %parallel_loop3A_347 = arith.index_cast %parallel_loop3A_325 : i32 to index
        %parallel_loop3A_348 = arith.constant 16 : index
        %parallel_loop3A_349 = tpu.vector_load %arg11[%parallel_loop3A_347, %parallel_loop3A_348] {strides = array<i32>} : memref<40x128xf32, #tpu.memory_space<vmem>>, vector<16xf32>,
        %parallel_loop3A_350 = arith.mulf %parallel_loop3A_346, %parallel_loop3A_349 : vector<16xf32>
        %parallel_loop3A_351 = arith.constant true
        %parallel_loop3A_352 = vector.broadcast %parallel_loop3A_351 : i1 to vector<16xi1>
        %parallel_loop3A_353 = tpu.scan <sum>, %parallel_loop3A_350 masked %parallel_loop3A_352 : vector<16xf32>, vector<16xi1> -> vector<16xf32>
        %parallel_loop3A_354 = vector.extract %parallel_loop3A_353[15] : f32 from vector<16xf32>
        %parallel_loop3A_355 = arith.constant 1 : i32
        %parallel_loop3A_356 = vector.broadcast %parallel_loop3A_355 : i32 to vector<16xi32>
        %parallel_loop3A_357 = arith.cmpi eq, %iota3A, %parallel_loop3A_356 : vector<16xi32>
        %parallel_loop3A_358 = vector.broadcast %parallel_loop3A_354 : f32 to vector<16xf32>
        %parallel_loop3A_359 = arith.select %parallel_loop3A_357, %parallel_loop3A_358, %parallel_loop3A_343 : vector<16xi1>, vector<16xf32>
        %parallel_loop3A_360 = arith.index_cast %parallel_loop3A_325 : i32 to index
        %parallel_loop3A_361 = arith.constant 32 : index
        %parallel_loop3A_362 = tpu.vector_load %arg10[%parallel_loop3A_360, %parallel_loop3A_361] {strides = array<i32>} : memref<40x128xf32, #tpu.memory_space<vmem>>, vector<16xf32>,
        %parallel_loop3A_363 = arith.index_cast %parallel_loop3A_325 : i32 to index
        %parallel_loop3A_364 = arith.constant 32 : index
        %parallel_loop3A_365 = tpu.vector_load %arg11[%parallel_loop3A_363, %parallel_loop3A_364] {strides = array<i32>} : memref<40x128xf32, #tpu.memory_space<vmem>>, vector<16xf32>,
        %parallel_loop3A_366 = arith.mulf %parallel_loop3A_362, %parallel_loop3A_365 : vector<16xf32>
        %parallel_loop3A_367 = arith.constant true
        %parallel_loop3A_368 = vector.broadcast %parallel_loop3A_367 : i1 to vector<16xi1>
        %parallel_loop3A_369 = tpu.scan <sum>, %parallel_loop3A_366 masked %parallel_loop3A_368 : vector<16xf32>, vector<16xi1> -> vector<16xf32>
        %parallel_loop3A_370 = vector.extract %parallel_loop3A_369[15] : f32 from vector<16xf32>
        %parallel_loop3A_371 = arith.constant 2 : i32
        %parallel_loop3A_372 = vector.broadcast %parallel_loop3A_371 : i32 to vector<16xi32>
        %parallel_loop3A_373 = arith.cmpi eq, %iota3A, %parallel_loop3A_372 : vector<16xi32>
        %parallel_loop3A_374 = vector.broadcast %parallel_loop3A_370 : f32 to vector<16xf32>
        %parallel_loop3A_375 = arith.select %parallel_loop3A_373, %parallel_loop3A_374, %parallel_loop3A_359 : vector<16xi1>, vector<16xf32>
        %parallel_loop3A_376 = arith.index_cast %parallel_loop3A_325 : i32 to index
        %parallel_loop3A_377 = arith.constant 48 : index
        %parallel_loop3A_378 = tpu.vector_load %arg10[%parallel_loop3A_376, %parallel_loop3A_377] {strides = array<i32>} : memref<40x128xf32, #tpu.memory_space<vmem>>, vector<16xf32>,
        %parallel_loop3A_379 = arith.index_cast %parallel_loop3A_325 : i32 to index
        %parallel_loop3A_380 = arith.constant 48 : index
        %parallel_loop3A_381 = tpu.vector_load %arg11[%parallel_loop3A_379, %parallel_loop3A_380] {strides = array<i32>} : memref<40x128xf32, #tpu.memory_space<vmem>>, vector<16xf32>,
        %parallel_loop3A_382 = arith.mulf %parallel_loop3A_378, %parallel_loop3A_381 : vector<16xf32>
        %parallel_loop3A_383 = arith.constant true
        %parallel_loop3A_384 = vector.broadcast %parallel_loop3A_383 : i1 to vector<16xi1>
        %parallel_loop3A_385 = tpu.scan <sum>, %parallel_loop3A_382 masked %parallel_loop3A_384 : vector<16xf32>, vector<16xi1> -> vector<16xf32>
        %parallel_loop3A_386 = vector.extract %parallel_loop3A_385[15] : f32 from vector<16xf32>
        %parallel_loop3A_387 = arith.constant 3 : i32
        %parallel_loop3A_388 = vector.broadcast %parallel_loop3A_387 : i32 to vector<16xi32>
        %parallel_loop3A_389 = arith.cmpi eq, %iota3A, %parallel_loop3A_388 : vector<16xi32>
        %parallel_loop3A_390 = vector.broadcast %parallel_loop3A_386 : f32 to vector<16xf32>
        %parallel_loop3A_391 = arith.select %parallel_loop3A_389, %parallel_loop3A_390, %parallel_loop3A_375 : vector<16xi1>, vector<16xf32>
        %parallel_loop3A_392 = arith.index_cast %parallel_loop3A_325 : i32 to index
        %parallel_loop3A_393 = arith.constant 64 : index
        %parallel_loop3A_394 = tpu.vector_load %arg10[%parallel_loop3A_392, %parallel_loop3A_393] {strides = array<i32>} : memref<40x128xf32, #tpu.memory_space<vmem>>, vector<16xf32>,
        %parallel_loop3A_395 = arith.index_cast %parallel_loop3A_325 : i32 to index
        %parallel_loop3A_396 = arith.constant 64 : index
        %parallel_loop3A_397 = tpu.vector_load %arg11[%parallel_loop3A_395, %parallel_loop3A_396] {strides = array<i32>} : memref<40x128xf32, #tpu.memory_space<vmem>>, vector<16xf32>,
        %parallel_loop3A_398 = arith.mulf %parallel_loop3A_394, %parallel_loop3A_397 : vector<16xf32>
        %parallel_loop3A_399 = arith.constant true
        %parallel_loop3A_400 = vector.broadcast %parallel_loop3A_399 : i1 to vector<16xi1>
        %parallel_loop3A_401 = tpu.scan <sum>, %parallel_loop3A_398 masked %parallel_loop3A_400 : vector<16xf32>, vector<16xi1> -> vector<16xf32>
        %parallel_loop3A_402 = vector.extract %parallel_loop3A_401[15] : f32 from vector<16xf32>
        %parallel_loop3A_403 = arith.constant 4 : i32
        %parallel_loop3A_404 = vector.broadcast %parallel_loop3A_403 : i32 to vector<16xi32>
        %parallel_loop3A_405 = arith.cmpi eq, %iota3A, %parallel_loop3A_404 : vector<16xi32>
        %parallel_loop3A_406 = vector.broadcast %parallel_loop3A_402 : f32 to vector<16xf32>
        %parallel_loop3A_407 = arith.select %parallel_loop3A_405, %parallel_loop3A_406, %parallel_loop3A_391 : vector<16xi1>, vector<16xf32>
        %parallel_loop3A_408 = arith.index_cast %parallel_loop3A_325 : i32 to index
        %parallel_loop3A_409 = arith.constant 80 : index
        %parallel_loop3A_410 = tpu.vector_load %arg10[%parallel_loop3A_408, %parallel_loop3A_409] {strides = array<i32>} : memref<40x128xf32, #tpu.memory_space<vmem>>, vector<16xf32>,
        %parallel_loop3A_411 = arith.index_cast %parallel_loop3A_325 : i32 to index
        %parallel_loop3A_412 = arith.constant 80 : index
        %parallel_loop3A_413 = tpu.vector_load %arg11[%parallel_loop3A_411, %parallel_loop3A_412] {strides = array<i32>} : memref<40x128xf32, #tpu.memory_space<vmem>>, vector<16xf32>,
        %parallel_loop3A_414 = arith.mulf %parallel_loop3A_410, %parallel_loop3A_413 : vector<16xf32>
        %parallel_loop3A_415 = arith.constant true
        %parallel_loop3A_416 = vector.broadcast %parallel_loop3A_415 : i1 to vector<16xi1>
        %parallel_loop3A_417 = tpu.scan <sum>, %parallel_loop3A_414 masked %parallel_loop3A_416 : vector<16xf32>, vector<16xi1> -> vector<16xf32>
        %parallel_loop3A_418 = vector.extract %parallel_loop3A_417[15] : f32 from vector<16xf32>
        %parallel_loop3A_419 = arith.constant 5 : i32
        %parallel_loop3A_420 = vector.broadcast %parallel_loop3A_419 : i32 to vector<16xi32>
        %parallel_loop3A_421 = arith.cmpi eq, %iota3A, %parallel_loop3A_420 : vector<16xi32>
        %parallel_loop3A_422 = vector.broadcast %parallel_loop3A_418 : f32 to vector<16xf32>
        %parallel_loop3A_423 = arith.select %parallel_loop3A_421, %parallel_loop3A_422, %parallel_loop3A_407 : vector<16xi1>, vector<16xf32>
        %parallel_loop3A_424 = arith.index_cast %parallel_loop3A_325 : i32 to index
        %parallel_loop3A_425 = arith.constant 96 : index
        %parallel_loop3A_426 = tpu.vector_load %arg10[%parallel_loop3A_424, %parallel_loop3A_425] {strides = array<i32>} : memref<40x128xf32, #tpu.memory_space<vmem>>, vector<16xf32>,
        %parallel_loop3A_427 = arith.index_cast %parallel_loop3A_325 : i32 to index
        %parallel_loop3A_428 = arith.constant 96 : index
        %parallel_loop3A_429 = tpu.vector_load %arg11[%parallel_loop3A_427, %parallel_loop3A_428] {strides = array<i32>} : memref<40x128xf32, #tpu.memory_space<vmem>>, vector<16xf32>,
        %parallel_loop3A_430 = arith.mulf %parallel_loop3A_426, %parallel_loop3A_429 : vector<16xf32>
        %parallel_loop3A_431 = arith.constant true
        %parallel_loop3A_432 = vector.broadcast %parallel_loop3A_431 : i1 to vector<16xi1>
        %parallel_loop3A_433 = tpu.scan <sum>, %parallel_loop3A_430 masked %parallel_loop3A_432 : vector<16xf32>, vector<16xi1> -> vector<16xf32>
        %parallel_loop3A_434 = vector.extract %parallel_loop3A_433[15] : f32 from vector<16xf32>
        %parallel_loop3A_435 = arith.constant 6 : i32
        %parallel_loop3A_436 = vector.broadcast %parallel_loop3A_435 : i32 to vector<16xi32>
        %parallel_loop3A_437 = arith.cmpi eq, %iota3A, %parallel_loop3A_436 : vector<16xi32>
        %parallel_loop3A_438 = vector.broadcast %parallel_loop3A_434 : f32 to vector<16xf32>
        %parallel_loop3A_439 = arith.select %parallel_loop3A_437, %parallel_loop3A_438, %parallel_loop3A_423 : vector<16xi1>, vector<16xf32>
        %parallel_loop3A_440 = arith.index_cast %parallel_loop3A_325 : i32 to index
        %parallel_loop3A_441 = arith.constant 112 : index
        %parallel_loop3A_442 = tpu.vector_load %arg10[%parallel_loop3A_440, %parallel_loop3A_441] {strides = array<i32>} : memref<40x128xf32, #tpu.memory_space<vmem>>, vector<16xf32>,
        %parallel_loop3A_443 = arith.index_cast %parallel_loop3A_325 : i32 to index
        %parallel_loop3A_444 = arith.constant 112 : index
        %parallel_loop3A_445 = tpu.vector_load %arg11[%parallel_loop3A_443, %parallel_loop3A_444] {strides = array<i32>} : memref<40x128xf32, #tpu.memory_space<vmem>>, vector<16xf32>,
        %parallel_loop3A_446 = arith.mulf %parallel_loop3A_442, %parallel_loop3A_445 : vector<16xf32>
        %parallel_loop3A_447 = arith.constant true
        %parallel_loop3A_448 = vector.broadcast %parallel_loop3A_447 : i1 to vector<16xi1>
        %parallel_loop3A_449 = tpu.scan <sum>, %parallel_loop3A_446 masked %parallel_loop3A_448 : vector<16xf32>, vector<16xi1> -> vector<16xf32>
        %parallel_loop3A_450 = vector.extract %parallel_loop3A_449[15] : f32 from vector<16xf32>
        %parallel_loop3A_451 = arith.constant 7 : i32
        %parallel_loop3A_452 = vector.broadcast %parallel_loop3A_451 : i32 to vector<16xi32>
        %parallel_loop3A_453 = arith.cmpi eq, %iota3A, %parallel_loop3A_452 : vector<16xi32>
        %parallel_loop3A_454 = vector.broadcast %parallel_loop3A_450 : f32 to vector<16xf32>
        %parallel_loop3A_455 = arith.select %parallel_loop3A_453, %parallel_loop3A_454, %parallel_loop3A_439 : vector<16xi1>, vector<16xf32>
        %parallel_loop3A_456 = arith.constant -5.000000e+00 : f32
        %parallel_loop3A_457 = vector.broadcast %parallel_loop3A_456 : f32 to vector<16xf32>
        %parallel_loop3A_458 = arith.maximumf %parallel_loop3A_455, %parallel_loop3A_457 : vector<16xf32>
        %parallel_loop3A_459 = arith.constant 5.000000e+00 : f32
        %parallel_loop3A_460 = vector.broadcast %parallel_loop3A_459 : f32 to vector<16xf32>
        %parallel_loop3A_461 = arith.minimumf %parallel_loop3A_458, %parallel_loop3A_460 : vector<16xf32>
        %parallel_loop3A_462 = arith.constant 4.000000e+00 : f32
        %parallel_loop3A_463 = vector.broadcast %parallel_loop3A_462 : f32 to vector<16xf32>
        %parallel_loop3A_464 = arith.mulf %parallel_loop3A_461, %parallel_loop3A_463 : vector<16xf32>
        %parallel_loop3A_465 = math.exp %parallel_loop3A_464 : vector<16xf32>
        %parallel_loop3A_466 = arith.mulf %parallel_loop3A_465, %select_n3A : vector<16xf32>
        %parallel_loop3A_467 = arith.index_cast %parallel_loop3A_325 : i32 to index
        %parallel_loop3A_468 = arith.constant 0 : index
        %parallel_loop3A_469 = tpu.vector_load %arg13[%parallel_loop3A_467, %parallel_loop3A_468] {strides = array<i32>} : memref<40x16xf32, #tpu.memory_space<vmem>>, vector<16xf32>,
        tpu.vector_store %arg13[%parallel_loop3A_467, %parallel_loop3A_468], %parallel_loop3A_466 {strides = array<i32>} : memref<40x16xf32, #tpu.memory_space<vmem>>, vector<16xf32>,
      } {sc.loop_unroll_factor = 4 : i64, sc.parallel_access}
      %dma_wait3A_255 = tpu.memref_slice %arg5[%add3A_236] : memref<320000xi32, #tpu.memory_space<hbm>> -> memref<40xi32, #tpu.memory_space<hbm>>
      %dma_wait3A_256 = tpu.memref_slice %arg5[%add3A_236] : memref<320000xi32, #tpu.memory_space<hbm>> -> memref<40xi32, #tpu.memory_space<hbm>>
      tpu.wait_dma2 semaphore(%arg21 : memref<!tpu.dma_semaphore, #tpu.memory_space<semaphore_mem>>) src(%dma_wait3A_256 : memref<40xi32, #tpu.memory_space<hbm>>) dst(%arg16 : memref<40xi32, #tpu.memory_space<vmem>>)
      %dma_wait3A_257 = tpu.memref_slice %arg6[%add3A_236] : memref<320000xi32, #tpu.memory_space<hbm>> -> memref<40xi32, #tpu.memory_space<hbm>>
      %dma_wait3A_258 = tpu.memref_slice %arg6[%add3A_236] : memref<320000xi32, #tpu.memory_space<hbm>> -> memref<40xi32, #tpu.memory_space<hbm>>
      tpu.wait_dma2 semaphore(%arg21 : memref<!tpu.dma_semaphore, #tpu.memory_space<semaphore_mem>>) src(%dma_wait3A_258 : memref<40xi32, #tpu.memory_space<hbm>>) dst(%arg17 : memref<40xi32, #tpu.memory_space<vmem>>)
      %dma_start3A_259 = arith.constant 0 : i32
      %dma_start3A_260 = arith.constant 0 : i32
      %dma_start3A_261 = tpu.memref_slice %arg2[%dma_start3A_259, %dma_start3A_260] : memref<10240x128xf32, #tpu.memory_space<hbm>> -> memref<10240x128xf32, #tpu.memory_space<hbm>>
      tpu.enqueue_indirect_dma source(%dma_start3A_261 : memref<10240x128xf32, #tpu.memory_space<hbm>>) target(%arg10 : memref<40x128xf32, #tpu.memory_space<vmem>>) offsets(%arg16 : memref<40xi32, #tpu.memory_space<vmem>>) semaphore(%arg18 : memref<!tpu.dma_semaphore, #tpu.memory_space<semaphore_mem>>)
      %dma_start3A_262 = arith.constant 0 : i32
      %dma_start3A_263 = arith.constant 0 : i32
      %dma_start3A_264 = tpu.memref_slice %arg3[%dma_start3A_262, %dma_start3A_263] : memref<10240x128xf32, #tpu.memory_space<hbm>> -> memref<10240x128xf32, #tpu.memory_space<hbm>>
      tpu.enqueue_indirect_dma source(%dma_start3A_264 : memref<10240x128xf32, #tpu.memory_space<hbm>>) target(%arg11 : memref<40x128xf32, #tpu.memory_space<vmem>>) offsets(%arg17 : memref<40xi32, #tpu.memory_space<vmem>>) semaphore(%arg19 : memref<!tpu.dma_semaphore, #tpu.memory_space<semaphore_mem>>)
      %dma_wait3A_265 = arith.constant 0 : i32
      %dma_wait3A_266 = arith.constant 0 : i32
      %dma_wait3A_267 = tpu.memref_slice %arg4[%dma_wait3A_265, %dma_wait3A_266] : memref<10240x144xf32, #tpu.memory_space<hbm>> -> memref<10240x144xf32, #tpu.memory_space<hbm>>
      tpu.wait_indirect_dma semaphore(%arg20 : memref<!tpu.dma_semaphore, #tpu.memory_space<semaphore_mem>>) src(%dma_wait3A_267 : memref<10240x144xf32, #tpu.memory_space<hbm>>) dst(%arg12 : memref<40x144xf32, #tpu.memory_space<vmem>>)
      %parallel_loop3A_268 = arith.constant 0 : i32
      %parallel_loop3A_269 = arith.constant 40 : i32
      %parallel_loop3A_270 = arith.constant 1 : i32
      scf.for %parallel_loop3A_325 = %parallel_loop3A_268 to %parallel_loop3A_269 step %parallel_loop3A_270  : i32 {
        %parallel_loop3A_326 = arith.index_cast %parallel_loop3A_325 : i32 to index
        %parallel_loop3A_327 = arith.constant 0 : index
        %parallel_loop3A_328 = tpu.vector_load %arg13[%parallel_loop3A_326, %parallel_loop3A_327] {strides = array<i32>} : memref<40x16xf32, #tpu.memory_space<vmem>>, vector<16xf32>,
        %parallel_loop3A_329 = arith.constant 0 : i32
        %parallel_loop3A_330 = vector.broadcast %parallel_loop3A_329 : i32 to vector<16x1xi32>
        %parallel_loop3A_331 = vector.shape_cast %parallel_loop3A_330 : vector<16x1xi32> to vector<16xi32>
        %parallel_loop3A_332 = tpu.dynamic_gather %parallel_loop3A_328[%parallel_loop3A_331] in [0] : vector<16xf32>, vector<16xi32> -> vector<16xf32>
        %parallel_loop3A_333 = arith.index_cast %parallel_loop3A_325 : i32 to index
        %parallel_loop3A_334 = arith.constant 0 : index
        %parallel_loop3A_335 = tpu.vector_load %arg12[%parallel_loop3A_333, %parallel_loop3A_334] {strides = array<i32>} : memref<40x144xf32, #tpu.memory_space<vmem>>, vector<16xf32>,
        %parallel_loop3A_336 = arith.mulf %parallel_loop3A_335, %parallel_loop3A_332 : vector<16xf32>
        %parallel_loop3A_337 = arith.index_cast %parallel_loop3A_325 : i32 to index
        %parallel_loop3A_338 = arith.constant 0 : index
        %parallel_loop3A_339 = tpu.vector_load %arg12[%parallel_loop3A_337, %parallel_loop3A_338] {strides = array<i32>} : memref<40x144xf32, #tpu.memory_space<vmem>>, vector<16xf32>,
        tpu.vector_store %arg12[%parallel_loop3A_337, %parallel_loop3A_338], %parallel_loop3A_336 {strides = array<i32>} : memref<40x144xf32, #tpu.memory_space<vmem>>, vector<16xf32>,
        %parallel_loop3A_340 = arith.constant 1 : i32
        %parallel_loop3A_341 = vector.broadcast %parallel_loop3A_340 : i32 to vector<16x1xi32>
        %parallel_loop3A_342 = vector.shape_cast %parallel_loop3A_341 : vector<16x1xi32> to vector<16xi32>
        %parallel_loop3A_343 = tpu.dynamic_gather %parallel_loop3A_328[%parallel_loop3A_342] in [0] : vector<16xf32>, vector<16xi32> -> vector<16xf32>
        %parallel_loop3A_344 = arith.index_cast %parallel_loop3A_325 : i32 to index
        %parallel_loop3A_345 = arith.constant 16 : index
        %parallel_loop3A_346 = tpu.vector_load %arg12[%parallel_loop3A_344, %parallel_loop3A_345] {strides = array<i32>} : memref<40x144xf32, #tpu.memory_space<vmem>>, vector<16xf32>,
        %parallel_loop3A_347 = arith.mulf %parallel_loop3A_346, %parallel_loop3A_343 : vector<16xf32>
        %parallel_loop3A_348 = arith.index_cast %parallel_loop3A_325 : i32 to index
        %parallel_loop3A_349 = arith.constant 16 : index
        %parallel_loop3A_350 = tpu.vector_load %arg12[%parallel_loop3A_348, %parallel_loop3A_349] {strides = array<i32>} : memref<40x144xf32, #tpu.memory_space<vmem>>, vector<16xf32>,
        tpu.vector_store %arg12[%parallel_loop3A_348, %parallel_loop3A_349], %parallel_loop3A_347 {strides = array<i32>} : memref<40x144xf32, #tpu.memory_space<vmem>>, vector<16xf32>,
        %parallel_loop3A_351 = arith.constant 2 : i32
        %parallel_loop3A_352 = vector.broadcast %parallel_loop3A_351 : i32 to vector<16x1xi32>
        %parallel_loop3A_353 = vector.shape_cast %parallel_loop3A_352 : vector<16x1xi32> to vector<16xi32>
        %parallel_loop3A_354 = tpu.dynamic_gather %parallel_loop3A_328[%parallel_loop3A_353] in [0] : vector<16xf32>, vector<16xi32> -> vector<16xf32>
        %parallel_loop3A_355 = arith.index_cast %parallel_loop3A_325 : i32 to index
        %parallel_loop3A_356 = arith.constant 32 : index
        %parallel_loop3A_357 = tpu.vector_load %arg12[%parallel_loop3A_355, %parallel_loop3A_356] {strides = array<i32>} : memref<40x144xf32, #tpu.memory_space<vmem>>, vector<16xf32>,
        %parallel_loop3A_358 = arith.mulf %parallel_loop3A_357, %parallel_loop3A_354 : vector<16xf32>
        %parallel_loop3A_359 = arith.index_cast %parallel_loop3A_325 : i32 to index
        %parallel_loop3A_360 = arith.constant 32 : index
        %parallel_loop3A_361 = tpu.vector_load %arg12[%parallel_loop3A_359, %parallel_loop3A_360] {strides = array<i32>} : memref<40x144xf32, #tpu.memory_space<vmem>>, vector<16xf32>,
        tpu.vector_store %arg12[%parallel_loop3A_359, %parallel_loop3A_360], %parallel_loop3A_358 {strides = array<i32>} : memref<40x144xf32, #tpu.memory_space<vmem>>, vector<16xf32>,
        %parallel_loop3A_362 = arith.constant 3 : i32
        %parallel_loop3A_363 = vector.broadcast %parallel_loop3A_362 : i32 to vector<16x1xi32>
        %parallel_loop3A_364 = vector.shape_cast %parallel_loop3A_363 : vector<16x1xi32> to vector<16xi32>
        %parallel_loop3A_365 = tpu.dynamic_gather %parallel_loop3A_328[%parallel_loop3A_364] in [0] : vector<16xf32>, vector<16xi32> -> vector<16xf32>
        %parallel_loop3A_366 = arith.index_cast %parallel_loop3A_325 : i32 to index
        %parallel_loop3A_367 = arith.constant 48 : index
        %parallel_loop3A_368 = tpu.vector_load %arg12[%parallel_loop3A_366, %parallel_loop3A_367] {strides = array<i32>} : memref<40x144xf32, #tpu.memory_space<vmem>>, vector<16xf32>,
        %parallel_loop3A_369 = arith.mulf %parallel_loop3A_368, %parallel_loop3A_365 : vector<16xf32>
        %parallel_loop3A_370 = arith.index_cast %parallel_loop3A_325 : i32 to index
        %parallel_loop3A_371 = arith.constant 48 : index
        %parallel_loop3A_372 = tpu.vector_load %arg12[%parallel_loop3A_370, %parallel_loop3A_371] {strides = array<i32>} : memref<40x144xf32, #tpu.memory_space<vmem>>, vector<16xf32>,
        tpu.vector_store %arg12[%parallel_loop3A_370, %parallel_loop3A_371], %parallel_loop3A_369 {strides = array<i32>} : memref<40x144xf32, #tpu.memory_space<vmem>>, vector<16xf32>,
        %parallel_loop3A_373 = arith.constant 4 : i32
        %parallel_loop3A_374 = vector.broadcast %parallel_loop3A_373 : i32 to vector<16x1xi32>
        %parallel_loop3A_375 = vector.shape_cast %parallel_loop3A_374 : vector<16x1xi32> to vector<16xi32>
        %parallel_loop3A_376 = tpu.dynamic_gather %parallel_loop3A_328[%parallel_loop3A_375] in [0] : vector<16xf32>, vector<16xi32> -> vector<16xf32>
        %parallel_loop3A_377 = arith.index_cast %parallel_loop3A_325 : i32 to index
        %parallel_loop3A_378 = arith.constant 64 : index
        %parallel_loop3A_379 = tpu.vector_load %arg12[%parallel_loop3A_377, %parallel_loop3A_378] {strides = array<i32>} : memref<40x144xf32, #tpu.memory_space<vmem>>, vector<16xf32>,
        %parallel_loop3A_380 = arith.mulf %parallel_loop3A_379, %parallel_loop3A_376 : vector<16xf32>
        %parallel_loop3A_381 = arith.index_cast %parallel_loop3A_325 : i32 to index
        %parallel_loop3A_382 = arith.constant 64 : index
        %parallel_loop3A_383 = tpu.vector_load %arg12[%parallel_loop3A_381, %parallel_loop3A_382] {strides = array<i32>} : memref<40x144xf32, #tpu.memory_space<vmem>>, vector<16xf32>,
        tpu.vector_store %arg12[%parallel_loop3A_381, %parallel_loop3A_382], %parallel_loop3A_380 {strides = array<i32>} : memref<40x144xf32, #tpu.memory_space<vmem>>, vector<16xf32>,
        %parallel_loop3A_384 = arith.constant 5 : i32
        %parallel_loop3A_385 = vector.broadcast %parallel_loop3A_384 : i32 to vector<16x1xi32>
        %parallel_loop3A_386 = vector.shape_cast %parallel_loop3A_385 : vector<16x1xi32> to vector<16xi32>
        %parallel_loop3A_387 = tpu.dynamic_gather %parallel_loop3A_328[%parallel_loop3A_386] in [0] : vector<16xf32>, vector<16xi32> -> vector<16xf32>
        %parallel_loop3A_388 = arith.index_cast %parallel_loop3A_325 : i32 to index
        %parallel_loop3A_389 = arith.constant 80 : index
        %parallel_loop3A_390 = tpu.vector_load %arg12[%parallel_loop3A_388, %parallel_loop3A_389] {strides = array<i32>} : memref<40x144xf32, #tpu.memory_space<vmem>>, vector<16xf32>,
        %parallel_loop3A_391 = arith.mulf %parallel_loop3A_390, %parallel_loop3A_387 : vector<16xf32>
        %parallel_loop3A_392 = arith.index_cast %parallel_loop3A_325 : i32 to index
        %parallel_loop3A_393 = arith.constant 80 : index
        %parallel_loop3A_394 = tpu.vector_load %arg12[%parallel_loop3A_392, %parallel_loop3A_393] {strides = array<i32>} : memref<40x144xf32, #tpu.memory_space<vmem>>, vector<16xf32>,
        tpu.vector_store %arg12[%parallel_loop3A_392, %parallel_loop3A_393], %parallel_loop3A_391 {strides = array<i32>} : memref<40x144xf32, #tpu.memory_space<vmem>>, vector<16xf32>,
        %parallel_loop3A_395 = arith.constant 6 : i32
        %parallel_loop3A_396 = vector.broadcast %parallel_loop3A_395 : i32 to vector<16x1xi32>
        %parallel_loop3A_397 = vector.shape_cast %parallel_loop3A_396 : vector<16x1xi32> to vector<16xi32>
        %parallel_loop3A_398 = tpu.dynamic_gather %parallel_loop3A_328[%parallel_loop3A_397] in [0] : vector<16xf32>, vector<16xi32> -> vector<16xf32>
        %parallel_loop3A_399 = arith.index_cast %parallel_loop3A_325 : i32 to index
        %parallel_loop3A_400 = arith.constant 96 : index
        %parallel_loop3A_401 = tpu.vector_load %arg12[%parallel_loop3A_399, %parallel_loop3A_400] {strides = array<i32>} : memref<40x144xf32, #tpu.memory_space<vmem>>, vector<16xf32>,
        %parallel_loop3A_402 = arith.mulf %parallel_loop3A_401, %parallel_loop3A_398 : vector<16xf32>
        %parallel_loop3A_403 = arith.index_cast %parallel_loop3A_325 : i32 to index
        %parallel_loop3A_404 = arith.constant 96 : index
        %parallel_loop3A_405 = tpu.vector_load %arg12[%parallel_loop3A_403, %parallel_loop3A_404] {strides = array<i32>} : memref<40x144xf32, #tpu.memory_space<vmem>>, vector<16xf32>,
        tpu.vector_store %arg12[%parallel_loop3A_403, %parallel_loop3A_404], %parallel_loop3A_402 {strides = array<i32>} : memref<40x144xf32, #tpu.memory_space<vmem>>, vector<16xf32>,
        %parallel_loop3A_406 = arith.constant 7 : i32
        %parallel_loop3A_407 = vector.broadcast %parallel_loop3A_406 : i32 to vector<16x1xi32>
        %parallel_loop3A_408 = vector.shape_cast %parallel_loop3A_407 : vector<16x1xi32> to vector<16xi32>
        %parallel_loop3A_409 = tpu.dynamic_gather %parallel_loop3A_328[%parallel_loop3A_408] in [0] : vector<16xf32>, vector<16xi32> -> vector<16xf32>
        %parallel_loop3A_410 = arith.index_cast %parallel_loop3A_325 : i32 to index
        %parallel_loop3A_411 = arith.constant 112 : index
        %parallel_loop3A_412 = tpu.vector_load %arg12[%parallel_loop3A_410, %parallel_loop3A_411] {strides = array<i32>} : memref<40x144xf32, #tpu.memory_space<vmem>>, vector<16xf32>,
        %parallel_loop3A_413 = arith.mulf %parallel_loop3A_412, %parallel_loop3A_409 : vector<16xf32>
        %parallel_loop3A_414 = arith.index_cast %parallel_loop3A_325 : i32 to index
        %parallel_loop3A_415 = arith.constant 112 : index
        %parallel_loop3A_416 = tpu.vector_load %arg12[%parallel_loop3A_414, %parallel_loop3A_415] {strides = array<i32>} : memref<40x144xf32, #tpu.memory_space<vmem>>, vector<16xf32>,
        tpu.vector_store %arg12[%parallel_loop3A_414, %parallel_loop3A_415], %parallel_loop3A_413 {strides = array<i32>} : memref<40x144xf32, #tpu.memory_space<vmem>>, vector<16xf32>,
        %parallel_loop3A_417 = arith.index_cast %parallel_loop3A_325 : i32 to index
        %parallel_loop3A_418 = arith.constant 128 : index
        %parallel_loop3A_419 = tpu.vector_load %arg12[%parallel_loop3A_417, %parallel_loop3A_418] {strides = array<i32>} : memref<40x144xf32, #tpu.memory_space<vmem>>, vector<16xf32>,
        tpu.vector_store %arg12[%parallel_loop3A_417, %parallel_loop3A_418], %parallel_loop3A_328 {strides = array<i32>} : memref<40x144xf32, #tpu.memory_space<vmem>>, vector<16xf32>,
      } {sc.loop_unroll_factor = 4 : i64, sc.parallel_access}
      %dma_start3A_271 = arith.constant 0 : i32
      %dma_start3A_272 = arith.constant 0 : i32
      %dma_start3A_273 = tpu.memref_slice %arg9[%dma_start3A_271, %dma_start3A_272] : memref<10240x144xf32, #tpu.memory_space<vmem_shared>> -> memref<10240x144xf32, #tpu.memory_space<vmem_shared>>
      tpu.enqueue_indirect_dma source(%arg12 : memref<40x144xf32, #tpu.memory_space<vmem>>) target(%dma_start3A_273 : memref<10240x144xf32, #tpu.memory_space<vmem_shared>>) offsets(%arg15 : memref<40xi32, #tpu.memory_space<vmem>>) semaphore(%arg22 : memref<!tpu.dma_semaphore, #tpu.memory_space<semaphore_mem>>) {add = true}
      %mul3A_274 = arith.constant 2 : i32
      %mul3A_275 = arith.muli %mul3A_274, %add3A_224 : i32
      %add3A_276 = arith.constant 1 : i32
      %add3A_277 = arith.addi %mul3A_275, %add3A_276 : i32
      %mul3A_278 = arith.constant 10000 : i32
      %mul3A_279 = arith.muli %add3A, %mul3A_278 : i32
      %add3A_280 = arith.constant 1 : i32
      %add3A_281 = arith.addi %add3A_277, %add3A_280 : i32
      %rem3A_282 = arith.constant 250 : i32
      %rem3A_283 = arith.remsi %add3A_281, %rem3A_282 : i32
      %mul3A_284 = arith.constant 40 : i32
      %mul3A_285 = arith.muli %rem3A_283, %mul3A_284 : i32
      %add3A_286 = arith.addi %mul3A_279, %mul3A_285 : i32
      %dma_wait3A_287 = arith.constant 0 : i32
      %dma_wait3A_288 = arith.constant 0 : i32
      %dma_wait3A_289 = tpu.memref_slice %arg9[%dma_wait3A_287, %dma_wait3A_288] : memref<10240x144xf32, #tpu.memory_space<vmem_shared>> -> memref<10240x144xf32, #tpu.memory_space<vmem_shared>>
      tpu.wait_indirect_dma semaphore(%arg22 : memref<!tpu.dma_semaphore, #tpu.memory_space<semaphore_mem>>) src(%arg12 : memref<40x144xf32, #tpu.memory_space<vmem>>) dst(%dma_wait3A_289 : memref<10240x144xf32, #tpu.memory_space<vmem_shared>>)
      %dma_start3A_290 = tpu.memref_slice %arg5[%add3A_286] : memref<320000xi32, #tpu.memory_space<hbm>> -> memref<40xi32, #tpu.memory_space<hbm>>
      %dma_start3A_291 = tpu.memref_slice %arg5[%add3A_286] : memref<320000xi32, #tpu.memory_space<hbm>> -> memref<40xi32, #tpu.memory_space<hbm>>
      tpu.enqueue_dma source(%dma_start3A_291 : memref<40xi32, #tpu.memory_space<hbm>>) target(%arg14 : memref<40xi32, #tpu.memory_space<vmem>>) target_semaphore(%arg21 : memref<!tpu.dma_semaphore, #tpu.memory_space<semaphore_mem>>)
      %dma_start3A_292 = tpu.memref_slice %arg6[%add3A_286] : memref<320000xi32, #tpu.memory_space<hbm>> -> memref<40xi32, #tpu.memory_space<hbm>>
      %dma_start3A_293 = tpu.memref_slice %arg6[%add3A_286] : memref<320000xi32, #tpu.memory_space<hbm>> -> memref<40xi32, #tpu.memory_space<hbm>>
      tpu.enqueue_dma source(%dma_start3A_293 : memref<40xi32, #tpu.memory_space<hbm>>) target(%arg15 : memref<40xi32, #tpu.memory_space<vmem>>) target_semaphore(%arg21 : memref<!tpu.dma_semaphore, #tpu.memory_space<semaphore_mem>>)
      %dma_start3A_294 = arith.constant 0 : i32
      %dma_start3A_295 = arith.constant 0 : i32
      %dma_start3A_296 = tpu.memref_slice %arg4[%dma_start3A_294, %dma_start3A_295] : memref<10240x144xf32, #tpu.memory_space<hbm>> -> memref<10240x144xf32, #tpu.memory_space<hbm>>
      tpu.enqueue_indirect_dma source(%dma_start3A_296 : memref<10240x144xf32, #tpu.memory_space<hbm>>) target(%arg12 : memref<40x144xf32, #tpu.memory_space<vmem>>) offsets(%arg16 : memref<40xi32, #tpu.memory_space<vmem>>) semaphore(%arg20 : memref<!tpu.dma_semaphore, #tpu.memory_space<semaphore_mem>>)
      %dma_wait3A_297 = arith.constant 0 : i32
      %dma_wait3A_298 = arith.constant 0 : i32
      %dma_wait3A_299 = tpu.memref_slice %arg2[%dma_wait3A_297, %dma_wait3A_298] : memref<10240x128xf32, #tpu.memory_space<hbm>> -> memref<10240x128xf32, #tpu.memory_space<hbm>>
      tpu.wait_indirect_dma semaphore(%arg18 : memref<!tpu.dma_semaphore, #tpu.memory_space<semaphore_mem>>) src(%dma_wait3A_299 : memref<10240x128xf32, #tpu.memory_space<hbm>>) dst(%arg10 : memref<40x128xf32, #tpu.memory_space<vmem>>)
      %dma_wait3A_300 = arith.constant 0 : i32
      %dma_wait3A_301 = arith.constant 0 : i32
      %dma_wait3A_302 = tpu.memref_slice %arg3[%dma_wait3A_300, %dma_wait3A_301] : memref<10240x128xf32, #tpu.memory_space<hbm>> -> memref<10240x128xf32, #tpu.memory_space<hbm>>
      tpu.wait_indirect_dma semaphore(%arg19 : memref<!tpu.dma_semaphore, #tpu.memory_space<semaphore_mem>>) src(%dma_wait3A_302 : memref<10240x128xf32, #tpu.memory_space<hbm>>) dst(%arg11 : memref<40x128xf32, #tpu.memory_space<vmem>>)
      %parallel_loop3A_303 = arith.constant 0 : i32
      %parallel_loop3A_304 = arith.constant 40 : i32
      %parallel_loop3A_305 = arith.constant 1 : i32
      scf.for %parallel_loop3A_325 = %parallel_loop3A_303 to %parallel_loop3A_304 step %parallel_loop3A_305  : i32 {
        %parallel_loop3A_326 = arith.constant 0.000000e+00 : f32
        %parallel_loop3A_327 = vector.broadcast %parallel_loop3A_326 : f32 to vector<16xf32>
        %parallel_loop3A_328 = arith.index_cast %parallel_loop3A_325 : i32 to index
        %parallel_loop3A_329 = arith.constant 0 : index
        %parallel_loop3A_330 = tpu.vector_load %arg10[%parallel_loop3A_328, %parallel_loop3A_329] {strides = array<i32>} : memref<40x128xf32, #tpu.memory_space<vmem>>, vector<16xf32>,
        %parallel_loop3A_331 = arith.index_cast %parallel_loop3A_325 : i32 to index
        %parallel_loop3A_332 = arith.constant 0 : index
        %parallel_loop3A_333 = tpu.vector_load %arg11[%parallel_loop3A_331, %parallel_loop3A_332] {strides = array<i32>} : memref<40x128xf32, #tpu.memory_space<vmem>>, vector<16xf32>,
        %parallel_loop3A_334 = arith.mulf %parallel_loop3A_330, %parallel_loop3A_333 : vector<16xf32>
        %parallel_loop3A_335 = arith.constant true
        %parallel_loop3A_336 = vector.broadcast %parallel_loop3A_335 : i1 to vector<16xi1>
        %parallel_loop3A_337 = tpu.scan <sum>, %parallel_loop3A_334 masked %parallel_loop3A_336 : vector<16xf32>, vector<16xi1> -> vector<16xf32>
        %parallel_loop3A_338 = vector.extract %parallel_loop3A_337[15] : f32 from vector<16xf32>
        %parallel_loop3A_339 = arith.constant 0 : i32
        %parallel_loop3A_340 = vector.broadcast %parallel_loop3A_339 : i32 to vector<16xi32>
        %parallel_loop3A_341 = arith.cmpi eq, %iota3A, %parallel_loop3A_340 : vector<16xi32>
        %parallel_loop3A_342 = vector.broadcast %parallel_loop3A_338 : f32 to vector<16xf32>
        %parallel_loop3A_343 = arith.select %parallel_loop3A_341, %parallel_loop3A_342, %parallel_loop3A_327 : vector<16xi1>, vector<16xf32>
        %parallel_loop3A_344 = arith.index_cast %parallel_loop3A_325 : i32 to index
        %parallel_loop3A_345 = arith.constant 16 : index
        %parallel_loop3A_346 = tpu.vector_load %arg10[%parallel_loop3A_344, %parallel_loop3A_345] {strides = array<i32>} : memref<40x128xf32, #tpu.memory_space<vmem>>, vector<16xf32>,
        %parallel_loop3A_347 = arith.index_cast %parallel_loop3A_325 : i32 to index
        %parallel_loop3A_348 = arith.constant 16 : index
        %parallel_loop3A_349 = tpu.vector_load %arg11[%parallel_loop3A_347, %parallel_loop3A_348] {strides = array<i32>} : memref<40x128xf32, #tpu.memory_space<vmem>>, vector<16xf32>,
        %parallel_loop3A_350 = arith.mulf %parallel_loop3A_346, %parallel_loop3A_349 : vector<16xf32>
        %parallel_loop3A_351 = arith.constant true
        %parallel_loop3A_352 = vector.broadcast %parallel_loop3A_351 : i1 to vector<16xi1>
        %parallel_loop3A_353 = tpu.scan <sum>, %parallel_loop3A_350 masked %parallel_loop3A_352 : vector<16xf32>, vector<16xi1> -> vector<16xf32>
        %parallel_loop3A_354 = vector.extract %parallel_loop3A_353[15] : f32 from vector<16xf32>
        %parallel_loop3A_355 = arith.constant 1 : i32
        %parallel_loop3A_356 = vector.broadcast %parallel_loop3A_355 : i32 to vector<16xi32>
        %parallel_loop3A_357 = arith.cmpi eq, %iota3A, %parallel_loop3A_356 : vector<16xi32>
        %parallel_loop3A_358 = vector.broadcast %parallel_loop3A_354 : f32 to vector<16xf32>
        %parallel_loop3A_359 = arith.select %parallel_loop3A_357, %parallel_loop3A_358, %parallel_loop3A_343 : vector<16xi1>, vector<16xf32>
        %parallel_loop3A_360 = arith.index_cast %parallel_loop3A_325 : i32 to index
        %parallel_loop3A_361 = arith.constant 32 : index
        %parallel_loop3A_362 = tpu.vector_load %arg10[%parallel_loop3A_360, %parallel_loop3A_361] {strides = array<i32>} : memref<40x128xf32, #tpu.memory_space<vmem>>, vector<16xf32>,
        %parallel_loop3A_363 = arith.index_cast %parallel_loop3A_325 : i32 to index
        %parallel_loop3A_364 = arith.constant 32 : index
        %parallel_loop3A_365 = tpu.vector_load %arg11[%parallel_loop3A_363, %parallel_loop3A_364] {strides = array<i32>} : memref<40x128xf32, #tpu.memory_space<vmem>>, vector<16xf32>,
        %parallel_loop3A_366 = arith.mulf %parallel_loop3A_362, %parallel_loop3A_365 : vector<16xf32>
        %parallel_loop3A_367 = arith.constant true
        %parallel_loop3A_368 = vector.broadcast %parallel_loop3A_367 : i1 to vector<16xi1>
        %parallel_loop3A_369 = tpu.scan <sum>, %parallel_loop3A_366 masked %parallel_loop3A_368 : vector<16xf32>, vector<16xi1> -> vector<16xf32>
        %parallel_loop3A_370 = vector.extract %parallel_loop3A_369[15] : f32 from vector<16xf32>
        %parallel_loop3A_371 = arith.constant 2 : i32
        %parallel_loop3A_372 = vector.broadcast %parallel_loop3A_371 : i32 to vector<16xi32>
        %parallel_loop3A_373 = arith.cmpi eq, %iota3A, %parallel_loop3A_372 : vector<16xi32>
        %parallel_loop3A_374 = vector.broadcast %parallel_loop3A_370 : f32 to vector<16xf32>
        %parallel_loop3A_375 = arith.select %parallel_loop3A_373, %parallel_loop3A_374, %parallel_loop3A_359 : vector<16xi1>, vector<16xf32>
        %parallel_loop3A_376 = arith.index_cast %parallel_loop3A_325 : i32 to index
        %parallel_loop3A_377 = arith.constant 48 : index
        %parallel_loop3A_378 = tpu.vector_load %arg10[%parallel_loop3A_376, %parallel_loop3A_377] {strides = array<i32>} : memref<40x128xf32, #tpu.memory_space<vmem>>, vector<16xf32>,
        %parallel_loop3A_379 = arith.index_cast %parallel_loop3A_325 : i32 to index
        %parallel_loop3A_380 = arith.constant 48 : index
        %parallel_loop3A_381 = tpu.vector_load %arg11[%parallel_loop3A_379, %parallel_loop3A_380] {strides = array<i32>} : memref<40x128xf32, #tpu.memory_space<vmem>>, vector<16xf32>,
        %parallel_loop3A_382 = arith.mulf %parallel_loop3A_378, %parallel_loop3A_381 : vector<16xf32>
        %parallel_loop3A_383 = arith.constant true
        %parallel_loop3A_384 = vector.broadcast %parallel_loop3A_383 : i1 to vector<16xi1>
        %parallel_loop3A_385 = tpu.scan <sum>, %parallel_loop3A_382 masked %parallel_loop3A_384 : vector<16xf32>, vector<16xi1> -> vector<16xf32>
        %parallel_loop3A_386 = vector.extract %parallel_loop3A_385[15] : f32 from vector<16xf32>
        %parallel_loop3A_387 = arith.constant 3 : i32
        %parallel_loop3A_388 = vector.broadcast %parallel_loop3A_387 : i32 to vector<16xi32>
        %parallel_loop3A_389 = arith.cmpi eq, %iota3A, %parallel_loop3A_388 : vector<16xi32>
        %parallel_loop3A_390 = vector.broadcast %parallel_loop3A_386 : f32 to vector<16xf32>
        %parallel_loop3A_391 = arith.select %parallel_loop3A_389, %parallel_loop3A_390, %parallel_loop3A_375 : vector<16xi1>, vector<16xf32>
        %parallel_loop3A_392 = arith.index_cast %parallel_loop3A_325 : i32 to index
        %parallel_loop3A_393 = arith.constant 64 : index
        %parallel_loop3A_394 = tpu.vector_load %arg10[%parallel_loop3A_392, %parallel_loop3A_393] {strides = array<i32>} : memref<40x128xf32, #tpu.memory_space<vmem>>, vector<16xf32>,
        %parallel_loop3A_395 = arith.index_cast %parallel_loop3A_325 : i32 to index
        %parallel_loop3A_396 = arith.constant 64 : index
        %parallel_loop3A_397 = tpu.vector_load %arg11[%parallel_loop3A_395, %parallel_loop3A_396] {strides = array<i32>} : memref<40x128xf32, #tpu.memory_space<vmem>>, vector<16xf32>,
        %parallel_loop3A_398 = arith.mulf %parallel_loop3A_394, %parallel_loop3A_397 : vector<16xf32>
        %parallel_loop3A_399 = arith.constant true
        %parallel_loop3A_400 = vector.broadcast %parallel_loop3A_399 : i1 to vector<16xi1>
        %parallel_loop3A_401 = tpu.scan <sum>, %parallel_loop3A_398 masked %parallel_loop3A_400 : vector<16xf32>, vector<16xi1> -> vector<16xf32>
        %parallel_loop3A_402 = vector.extract %parallel_loop3A_401[15] : f32 from vector<16xf32>
        %parallel_loop3A_403 = arith.constant 4 : i32
        %parallel_loop3A_404 = vector.broadcast %parallel_loop3A_403 : i32 to vector<16xi32>
        %parallel_loop3A_405 = arith.cmpi eq, %iota3A, %parallel_loop3A_404 : vector<16xi32>
        %parallel_loop3A_406 = vector.broadcast %parallel_loop3A_402 : f32 to vector<16xf32>
        %parallel_loop3A_407 = arith.select %parallel_loop3A_405, %parallel_loop3A_406, %parallel_loop3A_391 : vector<16xi1>, vector<16xf32>
        %parallel_loop3A_408 = arith.index_cast %parallel_loop3A_325 : i32 to index
        %parallel_loop3A_409 = arith.constant 80 : index
        %parallel_loop3A_410 = tpu.vector_load %arg10[%parallel_loop3A_408, %parallel_loop3A_409] {strides = array<i32>} : memref<40x128xf32, #tpu.memory_space<vmem>>, vector<16xf32>,
        %parallel_loop3A_411 = arith.index_cast %parallel_loop3A_325 : i32 to index
        %parallel_loop3A_412 = arith.constant 80 : index
        %parallel_loop3A_413 = tpu.vector_load %arg11[%parallel_loop3A_411, %parallel_loop3A_412] {strides = array<i32>} : memref<40x128xf32, #tpu.memory_space<vmem>>, vector<16xf32>,
        %parallel_loop3A_414 = arith.mulf %parallel_loop3A_410, %parallel_loop3A_413 : vector<16xf32>
        %parallel_loop3A_415 = arith.constant true
        %parallel_loop3A_416 = vector.broadcast %parallel_loop3A_415 : i1 to vector<16xi1>
        %parallel_loop3A_417 = tpu.scan <sum>, %parallel_loop3A_414 masked %parallel_loop3A_416 : vector<16xf32>, vector<16xi1> -> vector<16xf32>
        %parallel_loop3A_418 = vector.extract %parallel_loop3A_417[15] : f32 from vector<16xf32>
        %parallel_loop3A_419 = arith.constant 5 : i32
        %parallel_loop3A_420 = vector.broadcast %parallel_loop3A_419 : i32 to vector<16xi32>
        %parallel_loop3A_421 = arith.cmpi eq, %iota3A, %parallel_loop3A_420 : vector<16xi32>
        %parallel_loop3A_422 = vector.broadcast %parallel_loop3A_418 : f32 to vector<16xf32>
        %parallel_loop3A_423 = arith.select %parallel_loop3A_421, %parallel_loop3A_422, %parallel_loop3A_407 : vector<16xi1>, vector<16xf32>
        %parallel_loop3A_424 = arith.index_cast %parallel_loop3A_325 : i32 to index
        %parallel_loop3A_425 = arith.constant 96 : index
        %parallel_loop3A_426 = tpu.vector_load %arg10[%parallel_loop3A_424, %parallel_loop3A_425] {strides = array<i32>} : memref<40x128xf32, #tpu.memory_space<vmem>>, vector<16xf32>,
        %parallel_loop3A_427 = arith.index_cast %parallel_loop3A_325 : i32 to index
        %parallel_loop3A_428 = arith.constant 96 : index
        %parallel_loop3A_429 = tpu.vector_load %arg11[%parallel_loop3A_427, %parallel_loop3A_428] {strides = array<i32>} : memref<40x128xf32, #tpu.memory_space<vmem>>, vector<16xf32>,
        %parallel_loop3A_430 = arith.mulf %parallel_loop3A_426, %parallel_loop3A_429 : vector<16xf32>
        %parallel_loop3A_431 = arith.constant true
        %parallel_loop3A_432 = vector.broadcast %parallel_loop3A_431 : i1 to vector<16xi1>
        %parallel_loop3A_433 = tpu.scan <sum>, %parallel_loop3A_430 masked %parallel_loop3A_432 : vector<16xf32>, vector<16xi1> -> vector<16xf32>
        %parallel_loop3A_434 = vector.extract %parallel_loop3A_433[15] : f32 from vector<16xf32>
        %parallel_loop3A_435 = arith.constant 6 : i32
        %parallel_loop3A_436 = vector.broadcast %parallel_loop3A_435 : i32 to vector<16xi32>
        %parallel_loop3A_437 = arith.cmpi eq, %iota3A, %parallel_loop3A_436 : vector<16xi32>
        %parallel_loop3A_438 = vector.broadcast %parallel_loop3A_434 : f32 to vector<16xf32>
        %parallel_loop3A_439 = arith.select %parallel_loop3A_437, %parallel_loop3A_438, %parallel_loop3A_423 : vector<16xi1>, vector<16xf32>
        %parallel_loop3A_440 = arith.index_cast %parallel_loop3A_325 : i32 to index
        %parallel_loop3A_441 = arith.constant 112 : index
        %parallel_loop3A_442 = tpu.vector_load %arg10[%parallel_loop3A_440, %parallel_loop3A_441] {strides = array<i32>} : memref<40x128xf32, #tpu.memory_space<vmem>>, vector<16xf32>,
        %parallel_loop3A_443 = arith.index_cast %parallel_loop3A_325 : i32 to index
        %parallel_loop3A_444 = arith.constant 112 : index
        %parallel_loop3A_445 = tpu.vector_load %arg11[%parallel_loop3A_443, %parallel_loop3A_444] {strides = array<i32>} : memref<40x128xf32, #tpu.memory_space<vmem>>, vector<16xf32>,
        %parallel_loop3A_446 = arith.mulf %parallel_loop3A_442, %parallel_loop3A_445 : vector<16xf32>
        %parallel_loop3A_447 = arith.constant true
        %parallel_loop3A_448 = vector.broadcast %parallel_loop3A_447 : i1 to vector<16xi1>
        %parallel_loop3A_449 = tpu.scan <sum>, %parallel_loop3A_446 masked %parallel_loop3A_448 : vector<16xf32>, vector<16xi1> -> vector<16xf32>
        %parallel_loop3A_450 = vector.extract %parallel_loop3A_449[15] : f32 from vector<16xf32>
        %parallel_loop3A_451 = arith.constant 7 : i32
        %parallel_loop3A_452 = vector.broadcast %parallel_loop3A_451 : i32 to vector<16xi32>
        %parallel_loop3A_453 = arith.cmpi eq, %iota3A, %parallel_loop3A_452 : vector<16xi32>
        %parallel_loop3A_454 = vector.broadcast %parallel_loop3A_450 : f32 to vector<16xf32>
        %parallel_loop3A_455 = arith.select %parallel_loop3A_453, %parallel_loop3A_454, %parallel_loop3A_439 : vector<16xi1>, vector<16xf32>
        %parallel_loop3A_456 = arith.constant -5.000000e+00 : f32
        %parallel_loop3A_457 = vector.broadcast %parallel_loop3A_456 : f32 to vector<16xf32>
        %parallel_loop3A_458 = arith.maximumf %parallel_loop3A_455, %parallel_loop3A_457 : vector<16xf32>
        %parallel_loop3A_459 = arith.constant 5.000000e+00 : f32
        %parallel_loop3A_460 = vector.broadcast %parallel_loop3A_459 : f32 to vector<16xf32>
        %parallel_loop3A_461 = arith.minimumf %parallel_loop3A_458, %parallel_loop3A_460 : vector<16xf32>
        %parallel_loop3A_462 = arith.constant 4.000000e+00 : f32
        %parallel_loop3A_463 = vector.broadcast %parallel_loop3A_462 : f32 to vector<16xf32>
        %parallel_loop3A_464 = arith.mulf %parallel_loop3A_461, %parallel_loop3A_463 : vector<16xf32>
        %parallel_loop3A_465 = math.exp %parallel_loop3A_464 : vector<16xf32>
        %parallel_loop3A_466 = arith.mulf %parallel_loop3A_465, %select_n3A : vector<16xf32>
        %parallel_loop3A_467 = arith.index_cast %parallel_loop3A_325 : i32 to index
        %parallel_loop3A_468 = arith.constant 0 : index
        %parallel_loop3A_469 = tpu.vector_load %arg13[%parallel_loop3A_467, %parallel_loop3A_468] {strides = array<i32>} : memref<40x16xf32, #tpu.memory_space<vmem>>, vector<16xf32>,
        tpu.vector_store %arg13[%parallel_loop3A_467, %parallel_loop3A_468], %parallel_loop3A_466 {strides = array<i32>} : memref<40x16xf32, #tpu.memory_space<vmem>>, vector<16xf32>,
      } {sc.loop_unroll_factor = 4 : i64, sc.parallel_access}
      %dma_wait3A_306 = tpu.memref_slice %arg5[%add3A_286] : memref<320000xi32, #tpu.memory_space<hbm>> -> memref<40xi32, #tpu.memory_space<hbm>>
      %dma_wait3A_307 = tpu.memref_slice %arg5[%add3A_286] : memref<320000xi32, #tpu.memory_space<hbm>> -> memref<40xi32, #tpu.memory_space<hbm>>
      tpu.wait_dma2 semaphore(%arg21 : memref<!tpu.dma_semaphore, #tpu.memory_space<semaphore_mem>>) src(%dma_wait3A_307 : memref<40xi32, #tpu.memory_space<hbm>>) dst(%arg14 : memref<40xi32, #tpu.memory_space<vmem>>)
      %dma_wait3A_308 = tpu.memref_slice %arg6[%add3A_286] : memref<320000xi32, #tpu.memory_space<hbm>> -> memref<40xi32, #tpu.memory_space<hbm>>
      %dma_wait3A_309 = tpu.memref_slice %arg6[%add3A_286] : memref<320000xi32, #tpu.memory_space<hbm>> -> memref<40xi32, #tpu.memory_space<hbm>>
      tpu.wait_dma2 semaphore(%arg21 : memref<!tpu.dma_semaphore, #tpu.memory_space<semaphore_mem>>) src(%dma_wait3A_309 : memref<40xi32, #tpu.memory_space<hbm>>) dst(%arg15 : memref<40xi32, #tpu.memory_space<vmem>>)
      %dma_start3A_310 = arith.constant 0 : i32
      %dma_start3A_311 = arith.constant 0 : i32
      %dma_start3A_312 = tpu.memref_slice %arg2[%dma_start3A_310, %dma_start3A_311] : memref<10240x128xf32, #tpu.memory_space<hbm>> -> memref<10240x128xf32, #tpu.memory_space<hbm>>
      tpu.enqueue_indirect_dma source(%dma_start3A_312 : memref<10240x128xf32, #tpu.memory_space<hbm>>) target(%arg10 : memref<40x128xf32, #tpu.memory_space<vmem>>) offsets(%arg14 : memref<40xi32, #tpu.memory_space<vmem>>) semaphore(%arg18 : memref<!tpu.dma_semaphore, #tpu.memory_space<semaphore_mem>>)
      %dma_start3A_313 = arith.constant 0 : i32
      %dma_start3A_314 = arith.constant 0 : i32
      %dma_start3A_315 = tpu.memref_slice %arg3[%dma_start3A_313, %dma_start3A_314] : memref<10240x128xf32, #tpu.memory_space<hbm>> -> memref<10240x128xf32, #tpu.memory_space<hbm>>
      tpu.enqueue_indirect_dma source(%dma_start3A_315 : memref<10240x128xf32, #tpu.memory_space<hbm>>) target(%arg11 : memref<40x128xf32, #tpu.memory_space<vmem>>) offsets(%arg15 : memref<40xi32, #tpu.memory_space<vmem>>) semaphore(%arg19 : memref<!tpu.dma_semaphore, #tpu.memory_space<semaphore_mem>>)
      %dma_wait3A_316 = arith.constant 0 : i32
      %dma_wait3A_317 = arith.constant 0 : i32
      %dma_wait3A_318 = tpu.memref_slice %arg4[%dma_wait3A_316, %dma_wait3A_317] : memref<10240x144xf32, #tpu.memory_space<hbm>> -> memref<10240x144xf32, #tpu.memory_space<hbm>>
      tpu.wait_indirect_dma semaphore(%arg20 : memref<!tpu.dma_semaphore, #tpu.memory_space<semaphore_mem>>) src(%dma_wait3A_318 : memref<10240x144xf32, #tpu.memory_space<hbm>>) dst(%arg12 : memref<40x144xf32, #tpu.memory_space<vmem>>)
      %parallel_loop3A_319 = arith.constant 0 : i32
      %parallel_loop3A_320 = arith.constant 40 : i32
      %parallel_loop3A_321 = arith.constant 1 : i32
      scf.for %parallel_loop3A_325 = %parallel_loop3A_319 to %parallel_loop3A_320 step %parallel_loop3A_321  : i32 {
        %parallel_loop3A_326 = arith.index_cast %parallel_loop3A_325 : i32 to index
        %parallel_loop3A_327 = arith.constant 0 : index
        %parallel_loop3A_328 = tpu.vector_load %arg13[%parallel_loop3A_326, %parallel_loop3A_327] {strides = array<i32>} : memref<40x16xf32, #tpu.memory_space<vmem>>, vector<16xf32>,
        %parallel_loop3A_329 = arith.constant 0 : i32
        %parallel_loop3A_330 = vector.broadcast %parallel_loop3A_329 : i32 to vector<16x1xi32>
        %parallel_loop3A_331 = vector.shape_cast %parallel_loop3A_330 : vector<16x1xi32> to vector<16xi32>
        %parallel_loop3A_332 = tpu.dynamic_gather %parallel_loop3A_328[%parallel_loop3A_331] in [0] : vector<16xf32>, vector<16xi32> -> vector<16xf32>
        %parallel_loop3A_333 = arith.index_cast %parallel_loop3A_325 : i32 to index
        %parallel_loop3A_334 = arith.constant 0 : index
        %parallel_loop3A_335 = tpu.vector_load %arg12[%parallel_loop3A_333, %parallel_loop3A_334] {strides = array<i32>} : memref<40x144xf32, #tpu.memory_space<vmem>>, vector<16xf32>,
        %parallel_loop3A_336 = arith.mulf %parallel_loop3A_335, %parallel_loop3A_332 : vector<16xf32>
        %parallel_loop3A_337 = arith.index_cast %parallel_loop3A_325 : i32 to index
        %parallel_loop3A_338 = arith.constant 0 : index
        %parallel_loop3A_339 = tpu.vector_load %arg12[%parallel_loop3A_337, %parallel_loop3A_338] {strides = array<i32>} : memref<40x144xf32, #tpu.memory_space<vmem>>, vector<16xf32>,
        tpu.vector_store %arg12[%parallel_loop3A_337, %parallel_loop3A_338], %parallel_loop3A_336 {strides = array<i32>} : memref<40x144xf32, #tpu.memory_space<vmem>>, vector<16xf32>,
        %parallel_loop3A_340 = arith.constant 1 : i32
        %parallel_loop3A_341 = vector.broadcast %parallel_loop3A_340 : i32 to vector<16x1xi32>
        %parallel_loop3A_342 = vector.shape_cast %parallel_loop3A_341 : vector<16x1xi32> to vector<16xi32>
        %parallel_loop3A_343 = tpu.dynamic_gather %parallel_loop3A_328[%parallel_loop3A_342] in [0] : vector<16xf32>, vector<16xi32> -> vector<16xf32>
        %parallel_loop3A_344 = arith.index_cast %parallel_loop3A_325 : i32 to index
        %parallel_loop3A_345 = arith.constant 16 : index
        %parallel_loop3A_346 = tpu.vector_load %arg12[%parallel_loop3A_344, %parallel_loop3A_345] {strides = array<i32>} : memref<40x144xf32, #tpu.memory_space<vmem>>, vector<16xf32>,
        %parallel_loop3A_347 = arith.mulf %parallel_loop3A_346, %parallel_loop3A_343 : vector<16xf32>
        %parallel_loop3A_348 = arith.index_cast %parallel_loop3A_325 : i32 to index
        %parallel_loop3A_349 = arith.constant 16 : index
        %parallel_loop3A_350 = tpu.vector_load %arg12[%parallel_loop3A_348, %parallel_loop3A_349] {strides = array<i32>} : memref<40x144xf32, #tpu.memory_space<vmem>>, vector<16xf32>,
        tpu.vector_store %arg12[%parallel_loop3A_348, %parallel_loop3A_349], %parallel_loop3A_347 {strides = array<i32>} : memref<40x144xf32, #tpu.memory_space<vmem>>, vector<16xf32>,
        %parallel_loop3A_351 = arith.constant 2 : i32
        %parallel_loop3A_352 = vector.broadcast %parallel_loop3A_351 : i32 to vector<16x1xi32>
        %parallel_loop3A_353 = vector.shape_cast %parallel_loop3A_352 : vector<16x1xi32> to vector<16xi32>
        %parallel_loop3A_354 = tpu.dynamic_gather %parallel_loop3A_328[%parallel_loop3A_353] in [0] : vector<16xf32>, vector<16xi32> -> vector<16xf32>
        %parallel_loop3A_355 = arith.index_cast %parallel_loop3A_325 : i32 to index
        %parallel_loop3A_356 = arith.constant 32 : index
        %parallel_loop3A_357 = tpu.vector_load %arg12[%parallel_loop3A_355, %parallel_loop3A_356] {strides = array<i32>} : memref<40x144xf32, #tpu.memory_space<vmem>>, vector<16xf32>,
        %parallel_loop3A_358 = arith.mulf %parallel_loop3A_357, %parallel_loop3A_354 : vector<16xf32>
        %parallel_loop3A_359 = arith.index_cast %parallel_loop3A_325 : i32 to index
        %parallel_loop3A_360 = arith.constant 32 : index
        %parallel_loop3A_361 = tpu.vector_load %arg12[%parallel_loop3A_359, %parallel_loop3A_360] {strides = array<i32>} : memref<40x144xf32, #tpu.memory_space<vmem>>, vector<16xf32>,
        tpu.vector_store %arg12[%parallel_loop3A_359, %parallel_loop3A_360], %parallel_loop3A_358 {strides = array<i32>} : memref<40x144xf32, #tpu.memory_space<vmem>>, vector<16xf32>,
        %parallel_loop3A_362 = arith.constant 3 : i32
        %parallel_loop3A_363 = vector.broadcast %parallel_loop3A_362 : i32 to vector<16x1xi32>
        %parallel_loop3A_364 = vector.shape_cast %parallel_loop3A_363 : vector<16x1xi32> to vector<16xi32>
        %parallel_loop3A_365 = tpu.dynamic_gather %parallel_loop3A_328[%parallel_loop3A_364] in [0] : vector<16xf32>, vector<16xi32> -> vector<16xf32>
        %parallel_loop3A_366 = arith.index_cast %parallel_loop3A_325 : i32 to index
        %parallel_loop3A_367 = arith.constant 48 : index
        %parallel_loop3A_368 = tpu.vector_load %arg12[%parallel_loop3A_366, %parallel_loop3A_367] {strides = array<i32>} : memref<40x144xf32, #tpu.memory_space<vmem>>, vector<16xf32>,
        %parallel_loop3A_369 = arith.mulf %parallel_loop3A_368, %parallel_loop3A_365 : vector<16xf32>
        %parallel_loop3A_370 = arith.index_cast %parallel_loop3A_325 : i32 to index
        %parallel_loop3A_371 = arith.constant 48 : index
        %parallel_loop3A_372 = tpu.vector_load %arg12[%parallel_loop3A_370, %parallel_loop3A_371] {strides = array<i32>} : memref<40x144xf32, #tpu.memory_space<vmem>>, vector<16xf32>,
        tpu.vector_store %arg12[%parallel_loop3A_370, %parallel_loop3A_371], %parallel_loop3A_369 {strides = array<i32>} : memref<40x144xf32, #tpu.memory_space<vmem>>, vector<16xf32>,
        %parallel_loop3A_373 = arith.constant 4 : i32
        %parallel_loop3A_374 = vector.broadcast %parallel_loop3A_373 : i32 to vector<16x1xi32>
        %parallel_loop3A_375 = vector.shape_cast %parallel_loop3A_374 : vector<16x1xi32> to vector<16xi32>
        %parallel_loop3A_376 = tpu.dynamic_gather %parallel_loop3A_328[%parallel_loop3A_375] in [0] : vector<16xf32>, vector<16xi32> -> vector<16xf32>
        %parallel_loop3A_377 = arith.index_cast %parallel_loop3A_325 : i32 to index
        %parallel_loop3A_378 = arith.constant 64 : index
        %parallel_loop3A_379 = tpu.vector_load %arg12[%parallel_loop3A_377, %parallel_loop3A_378] {strides = array<i32>} : memref<40x144xf32, #tpu.memory_space<vmem>>, vector<16xf32>,
        %parallel_loop3A_380 = arith.mulf %parallel_loop3A_379, %parallel_loop3A_376 : vector<16xf32>
        %parallel_loop3A_381 = arith.index_cast %parallel_loop3A_325 : i32 to index
        %parallel_loop3A_382 = arith.constant 64 : index
        %parallel_loop3A_383 = tpu.vector_load %arg12[%parallel_loop3A_381, %parallel_loop3A_382] {strides = array<i32>} : memref<40x144xf32, #tpu.memory_space<vmem>>, vector<16xf32>,
        tpu.vector_store %arg12[%parallel_loop3A_381, %parallel_loop3A_382], %parallel_loop3A_380 {strides = array<i32>} : memref<40x144xf32, #tpu.memory_space<vmem>>, vector<16xf32>,
        %parallel_loop3A_384 = arith.constant 5 : i32
        %parallel_loop3A_385 = vector.broadcast %parallel_loop3A_384 : i32 to vector<16x1xi32>
        %parallel_loop3A_386 = vector.shape_cast %parallel_loop3A_385 : vector<16x1xi32> to vector<16xi32>
        %parallel_loop3A_387 = tpu.dynamic_gather %parallel_loop3A_328[%parallel_loop3A_386] in [0] : vector<16xf32>, vector<16xi32> -> vector<16xf32>
        %parallel_loop3A_388 = arith.index_cast %parallel_loop3A_325 : i32 to index
        %parallel_loop3A_389 = arith.constant 80 : index
        %parallel_loop3A_390 = tpu.vector_load %arg12[%parallel_loop3A_388, %parallel_loop3A_389] {strides = array<i32>} : memref<40x144xf32, #tpu.memory_space<vmem>>, vector<16xf32>,
        %parallel_loop3A_391 = arith.mulf %parallel_loop3A_390, %parallel_loop3A_387 : vector<16xf32>
        %parallel_loop3A_392 = arith.index_cast %parallel_loop3A_325 : i32 to index
        %parallel_loop3A_393 = arith.constant 80 : index
        %parallel_loop3A_394 = tpu.vector_load %arg12[%parallel_loop3A_392, %parallel_loop3A_393] {strides = array<i32>} : memref<40x144xf32, #tpu.memory_space<vmem>>, vector<16xf32>,
        tpu.vector_store %arg12[%parallel_loop3A_392, %parallel_loop3A_393], %parallel_loop3A_391 {strides = array<i32>} : memref<40x144xf32, #tpu.memory_space<vmem>>, vector<16xf32>,
        %parallel_loop3A_395 = arith.constant 6 : i32
        %parallel_loop3A_396 = vector.broadcast %parallel_loop3A_395 : i32 to vector<16x1xi32>
        %parallel_loop3A_397 = vector.shape_cast %parallel_loop3A_396 : vector<16x1xi32> to vector<16xi32>
        %parallel_loop3A_398 = tpu.dynamic_gather %parallel_loop3A_328[%parallel_loop3A_397] in [0] : vector<16xf32>, vector<16xi32> -> vector<16xf32>
        %parallel_loop3A_399 = arith.index_cast %parallel_loop3A_325 : i32 to index
        %parallel_loop3A_400 = arith.constant 96 : index
        %parallel_loop3A_401 = tpu.vector_load %arg12[%parallel_loop3A_399, %parallel_loop3A_400] {strides = array<i32>} : memref<40x144xf32, #tpu.memory_space<vmem>>, vector<16xf32>,
        %parallel_loop3A_402 = arith.mulf %parallel_loop3A_401, %parallel_loop3A_398 : vector<16xf32>
        %parallel_loop3A_403 = arith.index_cast %parallel_loop3A_325 : i32 to index
        %parallel_loop3A_404 = arith.constant 96 : index
        %parallel_loop3A_405 = tpu.vector_load %arg12[%parallel_loop3A_403, %parallel_loop3A_404] {strides = array<i32>} : memref<40x144xf32, #tpu.memory_space<vmem>>, vector<16xf32>,
        tpu.vector_store %arg12[%parallel_loop3A_403, %parallel_loop3A_404], %parallel_loop3A_402 {strides = array<i32>} : memref<40x144xf32, #tpu.memory_space<vmem>>, vector<16xf32>,
        %parallel_loop3A_406 = arith.constant 7 : i32
        %parallel_loop3A_407 = vector.broadcast %parallel_loop3A_406 : i32 to vector<16x1xi32>
        %parallel_loop3A_408 = vector.shape_cast %parallel_loop3A_407 : vector<16x1xi32> to vector<16xi32>
        %parallel_loop3A_409 = tpu.dynamic_gather %parallel_loop3A_328[%parallel_loop3A_408] in [0] : vector<16xf32>, vector<16xi32> -> vector<16xf32>
        %parallel_loop3A_410 = arith.index_cast %parallel_loop3A_325 : i32 to index
        %parallel_loop3A_411 = arith.constant 112 : index
        %parallel_loop3A_412 = tpu.vector_load %arg12[%parallel_loop3A_410, %parallel_loop3A_411] {strides = array<i32>} : memref<40x144xf32, #tpu.memory_space<vmem>>, vector<16xf32>,
        %parallel_loop3A_413 = arith.mulf %parallel_loop3A_412, %parallel_loop3A_409 : vector<16xf32>
        %parallel_loop3A_414 = arith.index_cast %parallel_loop3A_325 : i32 to index
        %parallel_loop3A_415 = arith.constant 112 : index
        %parallel_loop3A_416 = tpu.vector_load %arg12[%parallel_loop3A_414, %parallel_loop3A_415] {strides = array<i32>} : memref<40x144xf32, #tpu.memory_space<vmem>>, vector<16xf32>,
        tpu.vector_store %arg12[%parallel_loop3A_414, %parallel_loop3A_415], %parallel_loop3A_413 {strides = array<i32>} : memref<40x144xf32, #tpu.memory_space<vmem>>, vector<16xf32>,
        %parallel_loop3A_417 = arith.index_cast %parallel_loop3A_325 : i32 to index
        %parallel_loop3A_418 = arith.constant 128 : index
        %parallel_loop3A_419 = tpu.vector_load %arg12[%parallel_loop3A_417, %parallel_loop3A_418] {strides = array<i32>} : memref<40x144xf32, #tpu.memory_space<vmem>>, vector<16xf32>,
        tpu.vector_store %arg12[%parallel_loop3A_417, %parallel_loop3A_418], %parallel_loop3A_328 {strides = array<i32>} : memref<40x144xf32, #tpu.memory_space<vmem>>, vector<16xf32>,
      } {sc.loop_unroll_factor = 4 : i64, sc.parallel_access}
      %dma_start3A_322 = arith.constant 0 : i32
      %dma_start3A_323 = arith.constant 0 : i32
      %dma_start3A_324 = tpu.memref_slice %arg9[%dma_start3A_322, %dma_start3A_323] : memref<10240x144xf32, #tpu.memory_space<vmem_shared>> -> memref<10240x144xf32, #tpu.memory_space<vmem_shared>>
      tpu.enqueue_indirect_dma source(%arg12 : memref<40x144xf32, #tpu.memory_space<vmem>>) target(%dma_start3A_324 : memref<10240x144xf32, #tpu.memory_space<vmem_shared>>) offsets(%arg17 : memref<40xi32, #tpu.memory_space<vmem>>) semaphore(%arg22 : memref<!tpu.dma_semaphore, #tpu.memory_space<semaphore_mem>>) {add = true}
    }
    %scan3A_82 = arith.constant 125 : i32
    %dma_wait3A = arith.constant 0 : i32
    %dma_wait3A_83 = arith.constant 0 : i32
    %dma_wait3A_84 = tpu.memref_slice %arg9[%dma_wait3A, %dma_wait3A_83] : memref<10240x144xf32, #tpu.memory_space<vmem_shared>> -> memref<10240x144xf32, #tpu.memory_space<vmem_shared>>
    tpu.wait_indirect_dma semaphore(%arg22 : memref<!tpu.dma_semaphore, #tpu.memory_space<semaphore_mem>>) src(%arg12 : memref<40x144xf32, #tpu.memory_space<vmem>>) dst(%dma_wait3A_84 : memref<10240x144xf32, #tpu.memory_space<vmem_shared>>)
    %dma_wait3A_85 = arith.constant 0 : i32
    %dma_wait3A_86 = arith.constant 0 : i32
    %dma_wait3A_87 = tpu.memref_slice %arg2[%dma_wait3A_85, %dma_wait3A_86] : memref<10240x128xf32, #tpu.memory_space<hbm>> -> memref<10240x128xf32, #tpu.memory_space<hbm>>
    tpu.wait_indirect_dma semaphore(%arg18 : memref<!tpu.dma_semaphore, #tpu.memory_space<semaphore_mem>>) src(%dma_wait3A_87 : memref<10240x128xf32, #tpu.memory_space<hbm>>) dst(%arg10 : memref<40x128xf32, #tpu.memory_space<vmem>>)
    %dma_wait3A_88 = arith.constant 0 : i32
    %dma_wait3A_89 = arith.constant 0 : i32
    %dma_wait3A_90 = tpu.memref_slice %arg3[%dma_wait3A_88, %dma_wait3A_89] : memref<10240x128xf32, #tpu.memory_space<hbm>> -> memref<10240x128xf32, #tpu.memory_space<hbm>>
    tpu.wait_indirect_dma semaphore(%arg19 : memref<!tpu.dma_semaphore, #tpu.memory_space<semaphore_mem>>) src(%dma_wait3A_90 : memref<10240x128xf32, #tpu.memory_space<hbm>>) dst(%arg11 : memref<40x128xf32, #tpu.memory_space<vmem>>)
    %barrier3A_91 = arith.constant 0 : index
    tpu.barrier barrier_id(%barrier3A_91)
    %mul3A_92 = arith.constant 640 : i32
    %mul3A_93 = arith.muli %arg1, %mul3A_92 : i32
    %add3A_94 = arith.constant 0 : i32
    %add3A_95 = arith.addi %mul3A_93, %add3A_94 : i32
    "tpu.region"() ({
      %run_scoped3A = tpu.sem_alloc : memref<!tpu.dma_semaphore, #tpu.memory_space<semaphore_mem>>
      %dma_start3A_220 = arith.constant 0 : i32
      %dma_start3A_221 = tpu.memref_slice %arg9[%add3A_95, %dma_start3A_220] : memref<10240x144xf32, #tpu.memory_space<vmem_shared>> -> memref<40x144xf32, #tpu.memory_space<vmem_shared>>
      %dma_start3A_222 = arith.constant 0 : i32
      %dma_start3A_223 = tpu.memref_slice %arg9[%add3A_95, %dma_start3A_222] : memref<10240x144xf32, #tpu.memory_space<vmem_shared>> -> memref<40x144xf32, #tpu.memory_space<vmem_shared>>
      tpu.enqueue_dma source(%dma_start3A_223 : memref<40x144xf32, #tpu.memory_space<vmem_shared>>) target(%arg12 : memref<40x144xf32, #tpu.memory_space<vmem>>) target_semaphore(%run_scoped3A : memref<!tpu.dma_semaphore, #tpu.memory_space<semaphore_mem>>)
      %dma_wait3A_224 = arith.constant 0 : i32
      %dma_wait3A_225 = tpu.memref_slice %arg9[%add3A_95, %dma_wait3A_224] : memref<10240x144xf32, #tpu.memory_space<vmem_shared>> -> memref<40x144xf32, #tpu.memory_space<vmem_shared>>
      %dma_wait3A_226 = arith.constant 0 : i32
      %dma_wait3A_227 = tpu.memref_slice %arg9[%add3A_95, %dma_wait3A_226] : memref<10240x144xf32, #tpu.memory_space<vmem_shared>> -> memref<40x144xf32, #tpu.memory_space<vmem_shared>>
      tpu.wait_dma2 semaphore(%run_scoped3A : memref<!tpu.dma_semaphore, #tpu.memory_space<semaphore_mem>>) src(%dma_wait3A_227 : memref<40x144xf32, #tpu.memory_space<vmem_shared>>) dst(%arg12 : memref<40x144xf32, #tpu.memory_space<vmem>>)
      tpu.yield
    }) : () -> ()
    %mul3A_96 = arith.constant 640 : i32
    %mul3A_97 = arith.muli %arg1, %mul3A_96 : i32
    %add3A_98 = arith.constant 0 : i32
    %add3A_99 = arith.addi %mul3A_97, %add3A_98 : i32
    "tpu.region"() ({
      %run_scoped3A = tpu.sem_alloc : memref<!tpu.dma_semaphore, #tpu.memory_space<semaphore_mem>>
      %dma_start3A_220 = arith.constant 0 : i32
      %dma_start3A_221 = tpu.memref_slice %arg8[%arg0, %add3A_99, %dma_start3A_220] : memref<2x10240x144xf32, #tpu.memory_space<hbm>> -> memref<1x40x144xf32, #tpu.memory_space<hbm>>
      %dma_start3A_222 = tpu.memref_squeeze %dma_start3A_221 : memref<1x40x144xf32, #tpu.memory_space<hbm>> -> memref<40x144xf32, #tpu.memory_space<hbm>>
      %dma_start3A_223 = arith.constant 0 : i32
      %dma_start3A_224 = tpu.memref_slice %arg8[%arg0, %add3A_99, %dma_start3A_223] : memref<2x10240x144xf32, #tpu.memory_space<hbm>> -> memref<1x40x144xf32, #tpu.memory_space<hbm>>
      %dma_start3A_225 = tpu.memref_squeeze %dma_start3A_224 : memref<1x40x144xf32, #tpu.memory_space<hbm>> -> memref<40x144xf32, #tpu.memory_space<hbm>>
      tpu.enqueue_dma source(%arg12 : memref<40x144xf32, #tpu.memory_space<vmem>>) target(%dma_start3A_225 : memref<40x144xf32, #tpu.memory_space<hbm>>) target_semaphore(%run_scoped3A : memref<!tpu.dma_semaphore, #tpu.memory_space<semaphore_mem>>)
      %dma_wait3A_226 = arith.constant 0 : i32
      %dma_wait3A_227 = tpu.memref_slice %arg8[%arg0, %add3A_99, %dma_wait3A_226] : memref<2x10240x144xf32, #tpu.memory_space<hbm>> -> memref<1x40x144xf32, #tpu.memory_space<hbm>>
      %dma_wait3A_228 = tpu.memref_squeeze %dma_wait3A_227 : memref<1x40x144xf32, #tpu.memory_space<hbm>> -> memref<40x144xf32, #tpu.memory_space<hbm>>
      %dma_wait3A_229 = arith.constant 0 : i32
      %dma_wait3A_230 = tpu.memref_slice %arg8[%arg0, %add3A_99, %dma_wait3A_229] : memref<2x10240x144xf32, #tpu.memory_space<hbm>> -> memref<1x40x144xf32, #tpu.memory_space<hbm>>
      %dma_wait3A_231 = tpu.memref_squeeze %dma_wait3A_230 : memref<1x40x144xf32, #tpu.memory_space<hbm>> -> memref<40x144xf32, #tpu.memory_space<hbm>>
      tpu.wait_dma2 semaphore(%run_scoped3A : memref<!tpu.dma_semaphore, #tpu.memory_space<semaphore_mem>>) src(%arg12 : memref<40x144xf32, #tpu.memory_space<vmem>>) dst(%dma_wait3A_231 : memref<40x144xf32, #tpu.memory_space<hbm>>)
      tpu.yield
    }) : () -> ()
    %mul3A_100 = arith.constant 640 : i32
    %mul3A_101 = arith.muli %arg1, %mul3A_100 : i32
    %add3A_102 = arith.constant 40 : i32
    %add3A_103 = arith.addi %mul3A_101, %add3A_102 : i32
    "tpu.region"() ({
      %run_scoped3A = tpu.sem_alloc : memref<!tpu.dma_semaphore, #tpu.memory_space<semaphore_mem>>
      %dma_start3A_220 = arith.constant 0 : i32
      %dma_start3A_221 = tpu.memref_slice %arg9[%add3A_103, %dma_start3A_220] : memref<10240x144xf32, #tpu.memory_space<vmem_shared>> -> memref<40x144xf32, #tpu.memory_space<vmem_shared>>
      %dma_start3A_222 = arith.constant 0 : i32
      %dma_start3A_223 = tpu.memref_slice %arg9[%add3A_103, %dma_start3A_222] : memref<10240x144xf32, #tpu.memory_space<vmem_shared>> -> memref<40x144xf32, #tpu.memory_space<vmem_shared>>
      tpu.enqueue_dma source(%dma_start3A_223 : memref<40x144xf32, #tpu.memory_space<vmem_shared>>) target(%arg12 : memref<40x144xf32, #tpu.memory_space<vmem>>) target_semaphore(%run_scoped3A : memref<!tpu.dma_semaphore, #tpu.memory_space<semaphore_mem>>)
      %dma_wait3A_224 = arith.constant 0 : i32
      %dma_wait3A_225 = tpu.memref_slice %arg9[%add3A_103, %dma_wait3A_224] : memref<10240x144xf32, #tpu.memory_space<vmem_shared>> -> memref<40x144xf32, #tpu.memory_space<vmem_shared>>
      %dma_wait3A_226 = arith.constant 0 : i32
      %dma_wait3A_227 = tpu.memref_slice %arg9[%add3A_103, %dma_wait3A_226] : memref<10240x144xf32, #tpu.memory_space<vmem_shared>> -> memref<40x144xf32, #tpu.memory_space<vmem_shared>>
      tpu.wait_dma2 semaphore(%run_scoped3A : memref<!tpu.dma_semaphore, #tpu.memory_space<semaphore_mem>>) src(%dma_wait3A_227 : memref<40x144xf32, #tpu.memory_space<vmem_shared>>) dst(%arg12 : memref<40x144xf32, #tpu.memory_space<vmem>>)
      tpu.yield
    }) : () -> ()
    %mul3A_104 = arith.constant 640 : i32
    %mul3A_105 = arith.muli %arg1, %mul3A_104 : i32
    %add3A_106 = arith.constant 40 : i32
    %add3A_107 = arith.addi %mul3A_105, %add3A_106 : i32
    "tpu.region"() ({
      %run_scoped3A = tpu.sem_alloc : memref<!tpu.dma_semaphore, #tpu.memory_space<semaphore_mem>>
      %dma_start3A_220 = arith.constant 0 : i32
      %dma_start3A_221 = tpu.memref_slice %arg8[%arg0, %add3A_107, %dma_start3A_220] : memref<2x10240x144xf32, #tpu.memory_space<hbm>> -> memref<1x40x144xf32, #tpu.memory_space<hbm>>
      %dma_start3A_222 = tpu.memref_squeeze %dma_start3A_221 : memref<1x40x144xf32, #tpu.memory_space<hbm>> -> memref<40x144xf32, #tpu.memory_space<hbm>>
      %dma_start3A_223 = arith.constant 0 : i32
      %dma_start3A_224 = tpu.memref_slice %arg8[%arg0, %add3A_107, %dma_start3A_223] : memref<2x10240x144xf32, #tpu.memory_space<hbm>> -> memref<1x40x144xf32, #tpu.memory_space<hbm>>
      %dma_start3A_225 = tpu.memref_squeeze %dma_start3A_224 : memref<1x40x144xf32, #tpu.memory_space<hbm>> -> memref<40x144xf32, #tpu.memory_space<hbm>>
      tpu.enqueue_dma source(%arg12 : memref<40x144xf32, #tpu.memory_space<vmem>>) target(%dma_start3A_225 : memref<40x144xf32, #tpu.memory_space<hbm>>) target_semaphore(%run_scoped3A : memref<!tpu.dma_semaphore, #tpu.memory_space<semaphore_mem>>)
      %dma_wait3A_226 = arith.constant 0 : i32
      %dma_wait3A_227 = tpu.memref_slice %arg8[%arg0, %add3A_107, %dma_wait3A_226] : memref<2x10240x144xf32, #tpu.memory_space<hbm>> -> memref<1x40x144xf32, #tpu.memory_space<hbm>>
      %dma_wait3A_228 = tpu.memref_squeeze %dma_wait3A_227 : memref<1x40x144xf32, #tpu.memory_space<hbm>> -> memref<40x144xf32, #tpu.memory_space<hbm>>
      %dma_wait3A_229 = arith.constant 0 : i32
      %dma_wait3A_230 = tpu.memref_slice %arg8[%arg0, %add3A_107, %dma_wait3A_229] : memref<2x10240x144xf32, #tpu.memory_space<hbm>> -> memref<1x40x144xf32, #tpu.memory_space<hbm>>
      %dma_wait3A_231 = tpu.memref_squeeze %dma_wait3A_230 : memref<1x40x144xf32, #tpu.memory_space<hbm>> -> memref<40x144xf32, #tpu.memory_space<hbm>>
      tpu.wait_dma2 semaphore(%run_scoped3A : memref<!tpu.dma_semaphore, #tpu.memory_space<semaphore_mem>>) src(%arg12 : memref<40x144xf32, #tpu.memory_space<vmem>>) dst(%dma_wait3A_231 : memref<40x144xf32, #tpu.memory_space<hbm>>)
      tpu.yield
    }) : () -> ()
    %mul3A_108 = arith.constant 640 : i32
    %mul3A_109 = arith.muli %arg1, %mul3A_108 : i32
    %add3A_110 = arith.constant 80 : i32
    %add3A_111 = arith.addi %mul3A_109, %add3A_110 : i32
    "tpu.region"() ({
      %run_scoped3A = tpu.sem_alloc : memref<!tpu.dma_semaphore, #tpu.memory_space<semaphore_mem>>
      %dma_start3A_220 = arith.constant 0 : i32
      %dma_start3A_221 = tpu.memref_slice %arg9[%add3A_111, %dma_start3A_220] : memref<10240x144xf32, #tpu.memory_space<vmem_shared>> -> memref<40x144xf32, #tpu.memory_space<vmem_shared>>
      %dma_start3A_222 = arith.constant 0 : i32
      %dma_start3A_223 = tpu.memref_slice %arg9[%add3A_111, %dma_start3A_222] : memref<10240x144xf32, #tpu.memory_space<vmem_shared>> -> memref<40x144xf32, #tpu.memory_space<vmem_shared>>
      tpu.enqueue_dma source(%dma_start3A_223 : memref<40x144xf32, #tpu.memory_space<vmem_shared>>) target(%arg12 : memref<40x144xf32, #tpu.memory_space<vmem>>) target_semaphore(%run_scoped3A : memref<!tpu.dma_semaphore, #tpu.memory_space<semaphore_mem>>)
      %dma_wait3A_224 = arith.constant 0 : i32
      %dma_wait3A_225 = tpu.memref_slice %arg9[%add3A_111, %dma_wait3A_224] : memref<10240x144xf32, #tpu.memory_space<vmem_shared>> -> memref<40x144xf32, #tpu.memory_space<vmem_shared>>
      %dma_wait3A_226 = arith.constant 0 : i32
      %dma_wait3A_227 = tpu.memref_slice %arg9[%add3A_111, %dma_wait3A_226] : memref<10240x144xf32, #tpu.memory_space<vmem_shared>> -> memref<40x144xf32, #tpu.memory_space<vmem_shared>>
      tpu.wait_dma2 semaphore(%run_scoped3A : memref<!tpu.dma_semaphore, #tpu.memory_space<semaphore_mem>>) src(%dma_wait3A_227 : memref<40x144xf32, #tpu.memory_space<vmem_shared>>) dst(%arg12 : memref<40x144xf32, #tpu.memory_space<vmem>>)
      tpu.yield
    }) : () -> ()
    %mul3A_112 = arith.constant 640 : i32
    %mul3A_113 = arith.muli %arg1, %mul3A_112 : i32
    %add3A_114 = arith.constant 80 : i32
    %add3A_115 = arith.addi %mul3A_113, %add3A_114 : i32
    "tpu.region"() ({
      %run_scoped3A = tpu.sem_alloc : memref<!tpu.dma_semaphore, #tpu.memory_space<semaphore_mem>>
      %dma_start3A_220 = arith.constant 0 : i32
      %dma_start3A_221 = tpu.memref_slice %arg8[%arg0, %add3A_115, %dma_start3A_220] : memref<2x10240x144xf32, #tpu.memory_space<hbm>> -> memref<1x40x144xf32, #tpu.memory_space<hbm>>
      %dma_start3A_222 = tpu.memref_squeeze %dma_start3A_221 : memref<1x40x144xf32, #tpu.memory_space<hbm>> -> memref<40x144xf32, #tpu.memory_space<hbm>>
      %dma_start3A_223 = arith.constant 0 : i32
      %dma_start3A_224 = tpu.memref_slice %arg8[%arg0, %add3A_115, %dma_start3A_223] : memref<2x10240x144xf32, #tpu.memory_space<hbm>> -> memref<1x40x144xf32, #tpu.memory_space<hbm>>
      %dma_start3A_225 = tpu.memref_squeeze %dma_start3A_224 : memref<1x40x144xf32, #tpu.memory_space<hbm>> -> memref<40x144xf32, #tpu.memory_space<hbm>>
      tpu.enqueue_dma source(%arg12 : memref<40x144xf32, #tpu.memory_space<vmem>>) target(%dma_start3A_225 : memref<40x144xf32, #tpu.memory_space<hbm>>) target_semaphore(%run_scoped3A : memref<!tpu.dma_semaphore, #tpu.memory_space<semaphore_mem>>)
      %dma_wait3A_226 = arith.constant 0 : i32
      %dma_wait3A_227 = tpu.memref_slice %arg8[%arg0, %add3A_115, %dma_wait3A_226] : memref<2x10240x144xf32, #tpu.memory_space<hbm>> -> memref<1x40x144xf32, #tpu.memory_space<hbm>>
      %dma_wait3A_228 = tpu.memref_squeeze %dma_wait3A_227 : memref<1x40x144xf32, #tpu.memory_space<hbm>> -> memref<40x144xf32, #tpu.memory_space<hbm>>
      %dma_wait3A_229 = arith.constant 0 : i32
      %dma_wait3A_230 = tpu.memref_slice %arg8[%arg0, %add3A_115, %dma_wait3A_229] : memref<2x10240x144xf32, #tpu.memory_space<hbm>> -> memref<1x40x144xf32, #tpu.memory_space<hbm>>
      %dma_wait3A_231 = tpu.memref_squeeze %dma_wait3A_230 : memref<1x40x144xf32, #tpu.memory_space<hbm>> -> memref<40x144xf32, #tpu.memory_space<hbm>>
      tpu.wait_dma2 semaphore(%run_scoped3A : memref<!tpu.dma_semaphore, #tpu.memory_space<semaphore_mem>>) src(%arg12 : memref<40x144xf32, #tpu.memory_space<vmem>>) dst(%dma_wait3A_231 : memref<40x144xf32, #tpu.memory_space<hbm>>)
      tpu.yield
    }) : () -> ()
    %mul3A_116 = arith.constant 640 : i32
    %mul3A_117 = arith.muli %arg1, %mul3A_116 : i32
    %add3A_118 = arith.constant 120 : i32
    %add3A_119 = arith.addi %mul3A_117, %add3A_118 : i32
    "tpu.region"() ({
      %run_scoped3A = tpu.sem_alloc : memref<!tpu.dma_semaphore, #tpu.memory_space<semaphore_mem>>
      %dma_start3A_220 = arith.constant 0 : i32
      %dma_start3A_221 = tpu.memref_slice %arg9[%add3A_119, %dma_start3A_220] : memref<10240x144xf32, #tpu.memory_space<vmem_shared>> -> memref<40x144xf32, #tpu.memory_space<vmem_shared>>
      %dma_start3A_222 = arith.constant 0 : i32
      %dma_start3A_223 = tpu.memref_slice %arg9[%add3A_119, %dma_start3A_222] : memref<10240x144xf32, #tpu.memory_space<vmem_shared>> -> memref<40x144xf32, #tpu.memory_space<vmem_shared>>
      tpu.enqueue_dma source(%dma_start3A_223 : memref<40x144xf32, #tpu.memory_space<vmem_shared>>) target(%arg12 : memref<40x144xf32, #tpu.memory_space<vmem>>) target_semaphore(%run_scoped3A : memref<!tpu.dma_semaphore, #tpu.memory_space<semaphore_mem>>)
      %dma_wait3A_224 = arith.constant 0 : i32
      %dma_wait3A_225 = tpu.memref_slice %arg9[%add3A_119, %dma_wait3A_224] : memref<10240x144xf32, #tpu.memory_space<vmem_shared>> -> memref<40x144xf32, #tpu.memory_space<vmem_shared>>
      %dma_wait3A_226 = arith.constant 0 : i32
      %dma_wait3A_227 = tpu.memref_slice %arg9[%add3A_119, %dma_wait3A_226] : memref<10240x144xf32, #tpu.memory_space<vmem_shared>> -> memref<40x144xf32, #tpu.memory_space<vmem_shared>>
      tpu.wait_dma2 semaphore(%run_scoped3A : memref<!tpu.dma_semaphore, #tpu.memory_space<semaphore_mem>>) src(%dma_wait3A_227 : memref<40x144xf32, #tpu.memory_space<vmem_shared>>) dst(%arg12 : memref<40x144xf32, #tpu.memory_space<vmem>>)
      tpu.yield
    }) : () -> ()
    %mul3A_120 = arith.constant 640 : i32
    %mul3A_121 = arith.muli %arg1, %mul3A_120 : i32
    %add3A_122 = arith.constant 120 : i32
    %add3A_123 = arith.addi %mul3A_121, %add3A_122 : i32
    "tpu.region"() ({
      %run_scoped3A = tpu.sem_alloc : memref<!tpu.dma_semaphore, #tpu.memory_space<semaphore_mem>>
      %dma_start3A_220 = arith.constant 0 : i32
      %dma_start3A_221 = tpu.memref_slice %arg8[%arg0, %add3A_123, %dma_start3A_220] : memref<2x10240x144xf32, #tpu.memory_space<hbm>> -> memref<1x40x144xf32, #tpu.memory_space<hbm>>
      %dma_start3A_222 = tpu.memref_squeeze %dma_start3A_221 : memref<1x40x144xf32, #tpu.memory_space<hbm>> -> memref<40x144xf32, #tpu.memory_space<hbm>>
      %dma_start3A_223 = arith.constant 0 : i32
      %dma_start3A_224 = tpu.memref_slice %arg8[%arg0, %add3A_123, %dma_start3A_223] : memref<2x10240x144xf32, #tpu.memory_space<hbm>> -> memref<1x40x144xf32, #tpu.memory_space<hbm>>
      %dma_start3A_225 = tpu.memref_squeeze %dma_start3A_224 : memref<1x40x144xf32, #tpu.memory_space<hbm>> -> memref<40x144xf32, #tpu.memory_space<hbm>>
      tpu.enqueue_dma source(%arg12 : memref<40x144xf32, #tpu.memory_space<vmem>>) target(%dma_start3A_225 : memref<40x144xf32, #tpu.memory_space<hbm>>) target_semaphore(%run_scoped3A : memref<!tpu.dma_semaphore, #tpu.memory_space<semaphore_mem>>)
      %dma_wait3A_226 = arith.constant 0 : i32
      %dma_wait3A_227 = tpu.memref_slice %arg8[%arg0, %add3A_123, %dma_wait3A_226] : memref<2x10240x144xf32, #tpu.memory_space<hbm>> -> memref<1x40x144xf32, #tpu.memory_space<hbm>>
      %dma_wait3A_228 = tpu.memref_squeeze %dma_wait3A_227 : memref<1x40x144xf32, #tpu.memory_space<hbm>> -> memref<40x144xf32, #tpu.memory_space<hbm>>
      %dma_wait3A_229 = arith.constant 0 : i32
      %dma_wait3A_230 = tpu.memref_slice %arg8[%arg0, %add3A_123, %dma_wait3A_229] : memref<2x10240x144xf32, #tpu.memory_space<hbm>> -> memref<1x40x144xf32, #tpu.memory_space<hbm>>
      %dma_wait3A_231 = tpu.memref_squeeze %dma_wait3A_230 : memref<1x40x144xf32, #tpu.memory_space<hbm>> -> memref<40x144xf32, #tpu.memory_space<hbm>>
      tpu.wait_dma2 semaphore(%run_scoped3A : memref<!tpu.dma_semaphore, #tpu.memory_space<semaphore_mem>>) src(%arg12 : memref<40x144xf32, #tpu.memory_space<vmem>>) dst(%dma_wait3A_231 : memref<40x144xf32, #tpu.memory_space<hbm>>)
      tpu.yield
    }) : () -> ()
    %mul3A_124 = arith.constant 640 : i32
    %mul3A_125 = arith.muli %arg1, %mul3A_124 : i32
    %add3A_126 = arith.constant 160 : i32
    %add3A_127 = arith.addi %mul3A_125, %add3A_126 : i32
    "tpu.region"() ({
      %run_scoped3A = tpu.sem_alloc : memref<!tpu.dma_semaphore, #tpu.memory_space<semaphore_mem>>
      %dma_start3A_220 = arith.constant 0 : i32
      %dma_start3A_221 = tpu.memref_slice %arg9[%add3A_127, %dma_start3A_220] : memref<10240x144xf32, #tpu.memory_space<vmem_shared>> -> memref<40x144xf32, #tpu.memory_space<vmem_shared>>
      %dma_start3A_222 = arith.constant 0 : i32
      %dma_start3A_223 = tpu.memref_slice %arg9[%add3A_127, %dma_start3A_222] : memref<10240x144xf32, #tpu.memory_space<vmem_shared>> -> memref<40x144xf32, #tpu.memory_space<vmem_shared>>
      tpu.enqueue_dma source(%dma_start3A_223 : memref<40x144xf32, #tpu.memory_space<vmem_shared>>) target(%arg12 : memref<40x144xf32, #tpu.memory_space<vmem>>) target_semaphore(%run_scoped3A : memref<!tpu.dma_semaphore, #tpu.memory_space<semaphore_mem>>)
      %dma_wait3A_224 = arith.constant 0 : i32
      %dma_wait3A_225 = tpu.memref_slice %arg9[%add3A_127, %dma_wait3A_224] : memref<10240x144xf32, #tpu.memory_space<vmem_shared>> -> memref<40x144xf32, #tpu.memory_space<vmem_shared>>
      %dma_wait3A_226 = arith.constant 0 : i32
      %dma_wait3A_227 = tpu.memref_slice %arg9[%add3A_127, %dma_wait3A_226] : memref<10240x144xf32, #tpu.memory_space<vmem_shared>> -> memref<40x144xf32, #tpu.memory_space<vmem_shared>>
      tpu.wait_dma2 semaphore(%run_scoped3A : memref<!tpu.dma_semaphore, #tpu.memory_space<semaphore_mem>>) src(%dma_wait3A_227 : memref<40x144xf32, #tpu.memory_space<vmem_shared>>) dst(%arg12 : memref<40x144xf32, #tpu.memory_space<vmem>>)
      tpu.yield
    }) : () -> ()
    %mul3A_128 = arith.constant 640 : i32
    %mul3A_129 = arith.muli %arg1, %mul3A_128 : i32
    %add3A_130 = arith.constant 160 : i32
    %add3A_131 = arith.addi %mul3A_129, %add3A_130 : i32
    "tpu.region"() ({
      %run_scoped3A = tpu.sem_alloc : memref<!tpu.dma_semaphore, #tpu.memory_space<semaphore_mem>>
      %dma_start3A_220 = arith.constant 0 : i32
      %dma_start3A_221 = tpu.memref_slice %arg8[%arg0, %add3A_131, %dma_start3A_220] : memref<2x10240x144xf32, #tpu.memory_space<hbm>> -> memref<1x40x144xf32, #tpu.memory_space<hbm>>
      %dma_start3A_222 = tpu.memref_squeeze %dma_start3A_221 : memref<1x40x144xf32, #tpu.memory_space<hbm>> -> memref<40x144xf32, #tpu.memory_space<hbm>>
      %dma_start3A_223 = arith.constant 0 : i32
      %dma_start3A_224 = tpu.memref_slice %arg8[%arg0, %add3A_131, %dma_start3A_223] : memref<2x10240x144xf32, #tpu.memory_space<hbm>> -> memref<1x40x144xf32, #tpu.memory_space<hbm>>
      %dma_start3A_225 = tpu.memref_squeeze %dma_start3A_224 : memref<1x40x144xf32, #tpu.memory_space<hbm>> -> memref<40x144xf32, #tpu.memory_space<hbm>>
      tpu.enqueue_dma source(%arg12 : memref<40x144xf32, #tpu.memory_space<vmem>>) target(%dma_start3A_225 : memref<40x144xf32, #tpu.memory_space<hbm>>) target_semaphore(%run_scoped3A : memref<!tpu.dma_semaphore, #tpu.memory_space<semaphore_mem>>)
      %dma_wait3A_226 = arith.constant 0 : i32
      %dma_wait3A_227 = tpu.memref_slice %arg8[%arg0, %add3A_131, %dma_wait3A_226] : memref<2x10240x144xf32, #tpu.memory_space<hbm>> -> memref<1x40x144xf32, #tpu.memory_space<hbm>>
      %dma_wait3A_228 = tpu.memref_squeeze %dma_wait3A_227 : memref<1x40x144xf32, #tpu.memory_space<hbm>> -> memref<40x144xf32, #tpu.memory_space<hbm>>
      %dma_wait3A_229 = arith.constant 0 : i32
      %dma_wait3A_230 = tpu.memref_slice %arg8[%arg0, %add3A_131, %dma_wait3A_229] : memref<2x10240x144xf32, #tpu.memory_space<hbm>> -> memref<1x40x144xf32, #tpu.memory_space<hbm>>
      %dma_wait3A_231 = tpu.memref_squeeze %dma_wait3A_230 : memref<1x40x144xf32, #tpu.memory_space<hbm>> -> memref<40x144xf32, #tpu.memory_space<hbm>>
      tpu.wait_dma2 semaphore(%run_scoped3A : memref<!tpu.dma_semaphore, #tpu.memory_space<semaphore_mem>>) src(%arg12 : memref<40x144xf32, #tpu.memory_space<vmem>>) dst(%dma_wait3A_231 : memref<40x144xf32, #tpu.memory_space<hbm>>)
      tpu.yield
    }) : () -> ()
    %mul3A_132 = arith.constant 640 : i32
    %mul3A_133 = arith.muli %arg1, %mul3A_132 : i32
    %add3A_134 = arith.constant 200 : i32
    %add3A_135 = arith.addi %mul3A_133, %add3A_134 : i32
    "tpu.region"() ({
      %run_scoped3A = tpu.sem_alloc : memref<!tpu.dma_semaphore, #tpu.memory_space<semaphore_mem>>
      %dma_start3A_220 = arith.constant 0 : i32
      %dma_start3A_221 = tpu.memref_slice %arg9[%add3A_135, %dma_start3A_220] : memref<10240x144xf32, #tpu.memory_space<vmem_shared>> -> memref<40x144xf32, #tpu.memory_space<vmem_shared>>
      %dma_start3A_222 = arith.constant 0 : i32
      %dma_start3A_223 = tpu.memref_slice %arg9[%add3A_135, %dma_start3A_222] : memref<10240x144xf32, #tpu.memory_space<vmem_shared>> -> memref<40x144xf32, #tpu.memory_space<vmem_shared>>
      tpu.enqueue_dma source(%dma_start3A_223 : memref<40x144xf32, #tpu.memory_space<vmem_shared>>) target(%arg12 : memref<40x144xf32, #tpu.memory_space<vmem>>) target_semaphore(%run_scoped3A : memref<!tpu.dma_semaphore, #tpu.memory_space<semaphore_mem>>)
      %dma_wait3A_224 = arith.constant 0 : i32
      %dma_wait3A_225 = tpu.memref_slice %arg9[%add3A_135, %dma_wait3A_224] : memref<10240x144xf32, #tpu.memory_space<vmem_shared>> -> memref<40x144xf32, #tpu.memory_space<vmem_shared>>
      %dma_wait3A_226 = arith.constant 0 : i32
      %dma_wait3A_227 = tpu.memref_slice %arg9[%add3A_135, %dma_wait3A_226] : memref<10240x144xf32, #tpu.memory_space<vmem_shared>> -> memref<40x144xf32, #tpu.memory_space<vmem_shared>>
      tpu.wait_dma2 semaphore(%run_scoped3A : memref<!tpu.dma_semaphore, #tpu.memory_space<semaphore_mem>>) src(%dma_wait3A_227 : memref<40x144xf32, #tpu.memory_space<vmem_shared>>) dst(%arg12 : memref<40x144xf32, #tpu.memory_space<vmem>>)
      tpu.yield
    }) : () -> ()
    %mul3A_136 = arith.constant 640 : i32
    %mul3A_137 = arith.muli %arg1, %mul3A_136 : i32
    %add3A_138 = arith.constant 200 : i32
    %add3A_139 = arith.addi %mul3A_137, %add3A_138 : i32
    "tpu.region"() ({
      %run_scoped3A = tpu.sem_alloc : memref<!tpu.dma_semaphore, #tpu.memory_space<semaphore_mem>>
      %dma_start3A_220 = arith.constant 0 : i32
      %dma_start3A_221 = tpu.memref_slice %arg8[%arg0, %add3A_139, %dma_start3A_220] : memref<2x10240x144xf32, #tpu.memory_space<hbm>> -> memref<1x40x144xf32, #tpu.memory_space<hbm>>
      %dma_start3A_222 = tpu.memref_squeeze %dma_start3A_221 : memref<1x40x144xf32, #tpu.memory_space<hbm>> -> memref<40x144xf32, #tpu.memory_space<hbm>>
      %dma_start3A_223 = arith.constant 0 : i32
      %dma_start3A_224 = tpu.memref_slice %arg8[%arg0, %add3A_139, %dma_start3A_223] : memref<2x10240x144xf32, #tpu.memory_space<hbm>> -> memref<1x40x144xf32, #tpu.memory_space<hbm>>
      %dma_start3A_225 = tpu.memref_squeeze %dma_start3A_224 : memref<1x40x144xf32, #tpu.memory_space<hbm>> -> memref<40x144xf32, #tpu.memory_space<hbm>>
      tpu.enqueue_dma source(%arg12 : memref<40x144xf32, #tpu.memory_space<vmem>>) target(%dma_start3A_225 : memref<40x144xf32, #tpu.memory_space<hbm>>) target_semaphore(%run_scoped3A : memref<!tpu.dma_semaphore, #tpu.memory_space<semaphore_mem>>)
      %dma_wait3A_226 = arith.constant 0 : i32
      %dma_wait3A_227 = tpu.memref_slice %arg8[%arg0, %add3A_139, %dma_wait3A_226] : memref<2x10240x144xf32, #tpu.memory_space<hbm>> -> memref<1x40x144xf32, #tpu.memory_space<hbm>>
      %dma_wait3A_228 = tpu.memref_squeeze %dma_wait3A_227 : memref<1x40x144xf32, #tpu.memory_space<hbm>> -> memref<40x144xf32, #tpu.memory_space<hbm>>
      %dma_wait3A_229 = arith.constant 0 : i32
      %dma_wait3A_230 = tpu.memref_slice %arg8[%arg0, %add3A_139, %dma_wait3A_229] : memref<2x10240x144xf32, #tpu.memory_space<hbm>> -> memref<1x40x144xf32, #tpu.memory_space<hbm>>
      %dma_wait3A_231 = tpu.memref_squeeze %dma_wait3A_230 : memref<1x40x144xf32, #tpu.memory_space<hbm>> -> memref<40x144xf32, #tpu.memory_space<hbm>>
      tpu.wait_dma2 semaphore(%run_scoped3A : memref<!tpu.dma_semaphore, #tpu.memory_space<semaphore_mem>>) src(%arg12 : memref<40x144xf32, #tpu.memory_space<vmem>>) dst(%dma_wait3A_231 : memref<40x144xf32, #tpu.memory_space<hbm>>)
      tpu.yield
    }) : () -> ()
    %mul3A_140 = arith.constant 640 : i32
    %mul3A_141 = arith.muli %arg1, %mul3A_140 : i32
    %add3A_142 = arith.constant 240 : i32
    %add3A_143 = arith.addi %mul3A_141, %add3A_142 : i32
    "tpu.region"() ({
      %run_scoped3A = tpu.sem_alloc : memref<!tpu.dma_semaphore, #tpu.memory_space<semaphore_mem>>
      %dma_start3A_220 = arith.constant 0 : i32
      %dma_start3A_221 = tpu.memref_slice %arg9[%add3A_143, %dma_start3A_220] : memref<10240x144xf32, #tpu.memory_space<vmem_shared>> -> memref<40x144xf32, #tpu.memory_space<vmem_shared>>
      %dma_start3A_222 = arith.constant 0 : i32
      %dma_start3A_223 = tpu.memref_slice %arg9[%add3A_143, %dma_start3A_222] : memref<10240x144xf32, #tpu.memory_space<vmem_shared>> -> memref<40x144xf32, #tpu.memory_space<vmem_shared>>
      tpu.enqueue_dma source(%dma_start3A_223 : memref<40x144xf32, #tpu.memory_space<vmem_shared>>) target(%arg12 : memref<40x144xf32, #tpu.memory_space<vmem>>) target_semaphore(%run_scoped3A : memref<!tpu.dma_semaphore, #tpu.memory_space<semaphore_mem>>)
      %dma_wait3A_224 = arith.constant 0 : i32
      %dma_wait3A_225 = tpu.memref_slice %arg9[%add3A_143, %dma_wait3A_224] : memref<10240x144xf32, #tpu.memory_space<vmem_shared>> -> memref<40x144xf32, #tpu.memory_space<vmem_shared>>
      %dma_wait3A_226 = arith.constant 0 : i32
      %dma_wait3A_227 = tpu.memref_slice %arg9[%add3A_143, %dma_wait3A_226] : memref<10240x144xf32, #tpu.memory_space<vmem_shared>> -> memref<40x144xf32, #tpu.memory_space<vmem_shared>>
      tpu.wait_dma2 semaphore(%run_scoped3A : memref<!tpu.dma_semaphore, #tpu.memory_space<semaphore_mem>>) src(%dma_wait3A_227 : memref<40x144xf32, #tpu.memory_space<vmem_shared>>) dst(%arg12 : memref<40x144xf32, #tpu.memory_space<vmem>>)
      tpu.yield
    }) : () -> ()
    %mul3A_144 = arith.constant 640 : i32
    %mul3A_145 = arith.muli %arg1, %mul3A_144 : i32
    %add3A_146 = arith.constant 240 : i32
    %add3A_147 = arith.addi %mul3A_145, %add3A_146 : i32
    "tpu.region"() ({
      %run_scoped3A = tpu.sem_alloc : memref<!tpu.dma_semaphore, #tpu.memory_space<semaphore_mem>>
      %dma_start3A_220 = arith.constant 0 : i32
      %dma_start3A_221 = tpu.memref_slice %arg8[%arg0, %add3A_147, %dma_start3A_220] : memref<2x10240x144xf32, #tpu.memory_space<hbm>> -> memref<1x40x144xf32, #tpu.memory_space<hbm>>
      %dma_start3A_222 = tpu.memref_squeeze %dma_start3A_221 : memref<1x40x144xf32, #tpu.memory_space<hbm>> -> memref<40x144xf32, #tpu.memory_space<hbm>>
      %dma_start3A_223 = arith.constant 0 : i32
      %dma_start3A_224 = tpu.memref_slice %arg8[%arg0, %add3A_147, %dma_start3A_223] : memref<2x10240x144xf32, #tpu.memory_space<hbm>> -> memref<1x40x144xf32, #tpu.memory_space<hbm>>
      %dma_start3A_225 = tpu.memref_squeeze %dma_start3A_224 : memref<1x40x144xf32, #tpu.memory_space<hbm>> -> memref<40x144xf32, #tpu.memory_space<hbm>>
      tpu.enqueue_dma source(%arg12 : memref<40x144xf32, #tpu.memory_space<vmem>>) target(%dma_start3A_225 : memref<40x144xf32, #tpu.memory_space<hbm>>) target_semaphore(%run_scoped3A : memref<!tpu.dma_semaphore, #tpu.memory_space<semaphore_mem>>)
      %dma_wait3A_226 = arith.constant 0 : i32
      %dma_wait3A_227 = tpu.memref_slice %arg8[%arg0, %add3A_147, %dma_wait3A_226] : memref<2x10240x144xf32, #tpu.memory_space<hbm>> -> memref<1x40x144xf32, #tpu.memory_space<hbm>>
      %dma_wait3A_228 = tpu.memref_squeeze %dma_wait3A_227 : memref<1x40x144xf32, #tpu.memory_space<hbm>> -> memref<40x144xf32, #tpu.memory_space<hbm>>
      %dma_wait3A_229 = arith.constant 0 : i32
      %dma_wait3A_230 = tpu.memref_slice %arg8[%arg0, %add3A_147, %dma_wait3A_229] : memref<2x10240x144xf32, #tpu.memory_space<hbm>> -> memref<1x40x144xf32, #tpu.memory_space<hbm>>
      %dma_wait3A_231 = tpu.memref_squeeze %dma_wait3A_230 : memref<1x40x144xf32, #tpu.memory_space<hbm>> -> memref<40x144xf32, #tpu.memory_space<hbm>>
      tpu.wait_dma2 semaphore(%run_scoped3A : memref<!tpu.dma_semaphore, #tpu.memory_space<semaphore_mem>>) src(%arg12 : memref<40x144xf32, #tpu.memory_space<vmem>>) dst(%dma_wait3A_231 : memref<40x144xf32, #tpu.memory_space<hbm>>)
      tpu.yield
    }) : () -> ()
    %mul3A_148 = arith.constant 640 : i32
    %mul3A_149 = arith.muli %arg1, %mul3A_148 : i32
    %add3A_150 = arith.constant 280 : i32
    %add3A_151 = arith.addi %mul3A_149, %add3A_150 : i32
    "tpu.region"() ({
      %run_scoped3A = tpu.sem_alloc : memref<!tpu.dma_semaphore, #tpu.memory_space<semaphore_mem>>
      %dma_start3A_220 = arith.constant 0 : i32
      %dma_start3A_221 = tpu.memref_slice %arg9[%add3A_151, %dma_start3A_220] : memref<10240x144xf32, #tpu.memory_space<vmem_shared>> -> memref<40x144xf32, #tpu.memory_space<vmem_shared>>
      %dma_start3A_222 = arith.constant 0 : i32
      %dma_start3A_223 = tpu.memref_slice %arg9[%add3A_151, %dma_start3A_222] : memref<10240x144xf32, #tpu.memory_space<vmem_shared>> -> memref<40x144xf32, #tpu.memory_space<vmem_shared>>
      tpu.enqueue_dma source(%dma_start3A_223 : memref<40x144xf32, #tpu.memory_space<vmem_shared>>) target(%arg12 : memref<40x144xf32, #tpu.memory_space<vmem>>) target_semaphore(%run_scoped3A : memref<!tpu.dma_semaphore, #tpu.memory_space<semaphore_mem>>)
      %dma_wait3A_224 = arith.constant 0 : i32
      %dma_wait3A_225 = tpu.memref_slice %arg9[%add3A_151, %dma_wait3A_224] : memref<10240x144xf32, #tpu.memory_space<vmem_shared>> -> memref<40x144xf32, #tpu.memory_space<vmem_shared>>
      %dma_wait3A_226 = arith.constant 0 : i32
      %dma_wait3A_227 = tpu.memref_slice %arg9[%add3A_151, %dma_wait3A_226] : memref<10240x144xf32, #tpu.memory_space<vmem_shared>> -> memref<40x144xf32, #tpu.memory_space<vmem_shared>>
      tpu.wait_dma2 semaphore(%run_scoped3A : memref<!tpu.dma_semaphore, #tpu.memory_space<semaphore_mem>>) src(%dma_wait3A_227 : memref<40x144xf32, #tpu.memory_space<vmem_shared>>) dst(%arg12 : memref<40x144xf32, #tpu.memory_space<vmem>>)
      tpu.yield
    }) : () -> ()
    %mul3A_152 = arith.constant 640 : i32
    %mul3A_153 = arith.muli %arg1, %mul3A_152 : i32
    %add3A_154 = arith.constant 280 : i32
    %add3A_155 = arith.addi %mul3A_153, %add3A_154 : i32
    "tpu.region"() ({
      %run_scoped3A = tpu.sem_alloc : memref<!tpu.dma_semaphore, #tpu.memory_space<semaphore_mem>>
      %dma_start3A_220 = arith.constant 0 : i32
      %dma_start3A_221 = tpu.memref_slice %arg8[%arg0, %add3A_155, %dma_start3A_220] : memref<2x10240x144xf32, #tpu.memory_space<hbm>> -> memref<1x40x144xf32, #tpu.memory_space<hbm>>
      %dma_start3A_222 = tpu.memref_squeeze %dma_start3A_221 : memref<1x40x144xf32, #tpu.memory_space<hbm>> -> memref<40x144xf32, #tpu.memory_space<hbm>>
      %dma_start3A_223 = arith.constant 0 : i32
      %dma_start3A_224 = tpu.memref_slice %arg8[%arg0, %add3A_155, %dma_start3A_223] : memref<2x10240x144xf32, #tpu.memory_space<hbm>> -> memref<1x40x144xf32, #tpu.memory_space<hbm>>
      %dma_start3A_225 = tpu.memref_squeeze %dma_start3A_224 : memref<1x40x144xf32, #tpu.memory_space<hbm>> -> memref<40x144xf32, #tpu.memory_space<hbm>>
      tpu.enqueue_dma source(%arg12 : memref<40x144xf32, #tpu.memory_space<vmem>>) target(%dma_start3A_225 : memref<40x144xf32, #tpu.memory_space<hbm>>) target_semaphore(%run_scoped3A : memref<!tpu.dma_semaphore, #tpu.memory_space<semaphore_mem>>)
      %dma_wait3A_226 = arith.constant 0 : i32
      %dma_wait3A_227 = tpu.memref_slice %arg8[%arg0, %add3A_155, %dma_wait3A_226] : memref<2x10240x144xf32, #tpu.memory_space<hbm>> -> memref<1x40x144xf32, #tpu.memory_space<hbm>>
      %dma_wait3A_228 = tpu.memref_squeeze %dma_wait3A_227 : memref<1x40x144xf32, #tpu.memory_space<hbm>> -> memref<40x144xf32, #tpu.memory_space<hbm>>
      %dma_wait3A_229 = arith.constant 0 : i32
      %dma_wait3A_230 = tpu.memref_slice %arg8[%arg0, %add3A_155, %dma_wait3A_229] : memref<2x10240x144xf32, #tpu.memory_space<hbm>> -> memref<1x40x144xf32, #tpu.memory_space<hbm>>
      %dma_wait3A_231 = tpu.memref_squeeze %dma_wait3A_230 : memref<1x40x144xf32, #tpu.memory_space<hbm>> -> memref<40x144xf32, #tpu.memory_space<hbm>>
      tpu.wait_dma2 semaphore(%run_scoped3A : memref<!tpu.dma_semaphore, #tpu.memory_space<semaphore_mem>>) src(%arg12 : memref<40x144xf32, #tpu.memory_space<vmem>>) dst(%dma_wait3A_231 : memref<40x144xf32, #tpu.memory_space<hbm>>)
      tpu.yield
    }) : () -> ()
    %mul3A_156 = arith.constant 640 : i32
    %mul3A_157 = arith.muli %arg1, %mul3A_156 : i32
    %add3A_158 = arith.constant 320 : i32
    %add3A_159 = arith.addi %mul3A_157, %add3A_158 : i32
    "tpu.region"() ({
      %run_scoped3A = tpu.sem_alloc : memref<!tpu.dma_semaphore, #tpu.memory_space<semaphore_mem>>
      %dma_start3A_220 = arith.constant 0 : i32
      %dma_start3A_221 = tpu.memref_slice %arg9[%add3A_159, %dma_start3A_220] : memref<10240x144xf32, #tpu.memory_space<vmem_shared>> -> memref<40x144xf32, #tpu.memory_space<vmem_shared>>
      %dma_start3A_222 = arith.constant 0 : i32
      %dma_start3A_223 = tpu.memref_slice %arg9[%add3A_159, %dma_start3A_222] : memref<10240x144xf32, #tpu.memory_space<vmem_shared>> -> memref<40x144xf32, #tpu.memory_space<vmem_shared>>
      tpu.enqueue_dma source(%dma_start3A_223 : memref<40x144xf32, #tpu.memory_space<vmem_shared>>) target(%arg12 : memref<40x144xf32, #tpu.memory_space<vmem>>) target_semaphore(%run_scoped3A : memref<!tpu.dma_semaphore, #tpu.memory_space<semaphore_mem>>)
      %dma_wait3A_224 = arith.constant 0 : i32
      %dma_wait3A_225 = tpu.memref_slice %arg9[%add3A_159, %dma_wait3A_224] : memref<10240x144xf32, #tpu.memory_space<vmem_shared>> -> memref<40x144xf32, #tpu.memory_space<vmem_shared>>
      %dma_wait3A_226 = arith.constant 0 : i32
      %dma_wait3A_227 = tpu.memref_slice %arg9[%add3A_159, %dma_wait3A_226] : memref<10240x144xf32, #tpu.memory_space<vmem_shared>> -> memref<40x144xf32, #tpu.memory_space<vmem_shared>>
      tpu.wait_dma2 semaphore(%run_scoped3A : memref<!tpu.dma_semaphore, #tpu.memory_space<semaphore_mem>>) src(%dma_wait3A_227 : memref<40x144xf32, #tpu.memory_space<vmem_shared>>) dst(%arg12 : memref<40x144xf32, #tpu.memory_space<vmem>>)
      tpu.yield
    }) : () -> ()
    %mul3A_160 = arith.constant 640 : i32
    %mul3A_161 = arith.muli %arg1, %mul3A_160 : i32
    %add3A_162 = arith.constant 320 : i32
    %add3A_163 = arith.addi %mul3A_161, %add3A_162 : i32
    "tpu.region"() ({
      %run_scoped3A = tpu.sem_alloc : memref<!tpu.dma_semaphore, #tpu.memory_space<semaphore_mem>>
      %dma_start3A_220 = arith.constant 0 : i32
      %dma_start3A_221 = tpu.memref_slice %arg8[%arg0, %add3A_163, %dma_start3A_220] : memref<2x10240x144xf32, #tpu.memory_space<hbm>> -> memref<1x40x144xf32, #tpu.memory_space<hbm>>
      %dma_start3A_222 = tpu.memref_squeeze %dma_start3A_221 : memref<1x40x144xf32, #tpu.memory_space<hbm>> -> memref<40x144xf32, #tpu.memory_space<hbm>>
      %dma_start3A_223 = arith.constant 0 : i32
      %dma_start3A_224 = tpu.memref_slice %arg8[%arg0, %add3A_163, %dma_start3A_223] : memref<2x10240x144xf32, #tpu.memory_space<hbm>> -> memref<1x40x144xf32, #tpu.memory_space<hbm>>
      %dma_start3A_225 = tpu.memref_squeeze %dma_start3A_224 : memref<1x40x144xf32, #tpu.memory_space<hbm>> -> memref<40x144xf32, #tpu.memory_space<hbm>>
      tpu.enqueue_dma source(%arg12 : memref<40x144xf32, #tpu.memory_space<vmem>>) target(%dma_start3A_225 : memref<40x144xf32, #tpu.memory_space<hbm>>) target_semaphore(%run_scoped3A : memref<!tpu.dma_semaphore, #tpu.memory_space<semaphore_mem>>)
      %dma_wait3A_226 = arith.constant 0 : i32
      %dma_wait3A_227 = tpu.memref_slice %arg8[%arg0, %add3A_163, %dma_wait3A_226] : memref<2x10240x144xf32, #tpu.memory_space<hbm>> -> memref<1x40x144xf32, #tpu.memory_space<hbm>>
      %dma_wait3A_228 = tpu.memref_squeeze %dma_wait3A_227 : memref<1x40x144xf32, #tpu.memory_space<hbm>> -> memref<40x144xf32, #tpu.memory_space<hbm>>
      %dma_wait3A_229 = arith.constant 0 : i32
      %dma_wait3A_230 = tpu.memref_slice %arg8[%arg0, %add3A_163, %dma_wait3A_229] : memref<2x10240x144xf32, #tpu.memory_space<hbm>> -> memref<1x40x144xf32, #tpu.memory_space<hbm>>
      %dma_wait3A_231 = tpu.memref_squeeze %dma_wait3A_230 : memref<1x40x144xf32, #tpu.memory_space<hbm>> -> memref<40x144xf32, #tpu.memory_space<hbm>>
      tpu.wait_dma2 semaphore(%run_scoped3A : memref<!tpu.dma_semaphore, #tpu.memory_space<semaphore_mem>>) src(%arg12 : memref<40x144xf32, #tpu.memory_space<vmem>>) dst(%dma_wait3A_231 : memref<40x144xf32, #tpu.memory_space<hbm>>)
      tpu.yield
    }) : () -> ()
    %mul3A_164 = arith.constant 640 : i32
    %mul3A_165 = arith.muli %arg1, %mul3A_164 : i32
    %add3A_166 = arith.constant 360 : i32
    %add3A_167 = arith.addi %mul3A_165, %add3A_166 : i32
    "tpu.region"() ({
      %run_scoped3A = tpu.sem_alloc : memref<!tpu.dma_semaphore, #tpu.memory_space<semaphore_mem>>
      %dma_start3A_220 = arith.constant 0 : i32
      %dma_start3A_221 = tpu.memref_slice %arg9[%add3A_167, %dma_start3A_220] : memref<10240x144xf32, #tpu.memory_space<vmem_shared>> -> memref<40x144xf32, #tpu.memory_space<vmem_shared>>
      %dma_start3A_222 = arith.constant 0 : i32
      %dma_start3A_223 = tpu.memref_slice %arg9[%add3A_167, %dma_start3A_222] : memref<10240x144xf32, #tpu.memory_space<vmem_shared>> -> memref<40x144xf32, #tpu.memory_space<vmem_shared>>
      tpu.enqueue_dma source(%dma_start3A_223 : memref<40x144xf32, #tpu.memory_space<vmem_shared>>) target(%arg12 : memref<40x144xf32, #tpu.memory_space<vmem>>) target_semaphore(%run_scoped3A : memref<!tpu.dma_semaphore, #tpu.memory_space<semaphore_mem>>)
      %dma_wait3A_224 = arith.constant 0 : i32
      %dma_wait3A_225 = tpu.memref_slice %arg9[%add3A_167, %dma_wait3A_224] : memref<10240x144xf32, #tpu.memory_space<vmem_shared>> -> memref<40x144xf32, #tpu.memory_space<vmem_shared>>
      %dma_wait3A_226 = arith.constant 0 : i32
      %dma_wait3A_227 = tpu.memref_slice %arg9[%add3A_167, %dma_wait3A_226] : memref<10240x144xf32, #tpu.memory_space<vmem_shared>> -> memref<40x144xf32, #tpu.memory_space<vmem_shared>>
      tpu.wait_dma2 semaphore(%run_scoped3A : memref<!tpu.dma_semaphore, #tpu.memory_space<semaphore_mem>>) src(%dma_wait3A_227 : memref<40x144xf32, #tpu.memory_space<vmem_shared>>) dst(%arg12 : memref<40x144xf32, #tpu.memory_space<vmem>>)
      tpu.yield
    }) : () -> ()
    %mul3A_168 = arith.constant 640 : i32
    %mul3A_169 = arith.muli %arg1, %mul3A_168 : i32
    %add3A_170 = arith.constant 360 : i32
    %add3A_171 = arith.addi %mul3A_169, %add3A_170 : i32
    "tpu.region"() ({
      %run_scoped3A = tpu.sem_alloc : memref<!tpu.dma_semaphore, #tpu.memory_space<semaphore_mem>>
      %dma_start3A_220 = arith.constant 0 : i32
      %dma_start3A_221 = tpu.memref_slice %arg8[%arg0, %add3A_171, %dma_start3A_220] : memref<2x10240x144xf32, #tpu.memory_space<hbm>> -> memref<1x40x144xf32, #tpu.memory_space<hbm>>
      %dma_start3A_222 = tpu.memref_squeeze %dma_start3A_221 : memref<1x40x144xf32, #tpu.memory_space<hbm>> -> memref<40x144xf32, #tpu.memory_space<hbm>>
      %dma_start3A_223 = arith.constant 0 : i32
      %dma_start3A_224 = tpu.memref_slice %arg8[%arg0, %add3A_171, %dma_start3A_223] : memref<2x10240x144xf32, #tpu.memory_space<hbm>> -> memref<1x40x144xf32, #tpu.memory_space<hbm>>
      %dma_start3A_225 = tpu.memref_squeeze %dma_start3A_224 : memref<1x40x144xf32, #tpu.memory_space<hbm>> -> memref<40x144xf32, #tpu.memory_space<hbm>>
      tpu.enqueue_dma source(%arg12 : memref<40x144xf32, #tpu.memory_space<vmem>>) target(%dma_start3A_225 : memref<40x144xf32, #tpu.memory_space<hbm>>) target_semaphore(%run_scoped3A : memref<!tpu.dma_semaphore, #tpu.memory_space<semaphore_mem>>)
      %dma_wait3A_226 = arith.constant 0 : i32
      %dma_wait3A_227 = tpu.memref_slice %arg8[%arg0, %add3A_171, %dma_wait3A_226] : memref<2x10240x144xf32, #tpu.memory_space<hbm>> -> memref<1x40x144xf32, #tpu.memory_space<hbm>>
      %dma_wait3A_228 = tpu.memref_squeeze %dma_wait3A_227 : memref<1x40x144xf32, #tpu.memory_space<hbm>> -> memref<40x144xf32, #tpu.memory_space<hbm>>
      %dma_wait3A_229 = arith.constant 0 : i32
      %dma_wait3A_230 = tpu.memref_slice %arg8[%arg0, %add3A_171, %dma_wait3A_229] : memref<2x10240x144xf32, #tpu.memory_space<hbm>> -> memref<1x40x144xf32, #tpu.memory_space<hbm>>
      %dma_wait3A_231 = tpu.memref_squeeze %dma_wait3A_230 : memref<1x40x144xf32, #tpu.memory_space<hbm>> -> memref<40x144xf32, #tpu.memory_space<hbm>>
      tpu.wait_dma2 semaphore(%run_scoped3A : memref<!tpu.dma_semaphore, #tpu.memory_space<semaphore_mem>>) src(%arg12 : memref<40x144xf32, #tpu.memory_space<vmem>>) dst(%dma_wait3A_231 : memref<40x144xf32, #tpu.memory_space<hbm>>)
      tpu.yield
    }) : () -> ()
    %mul3A_172 = arith.constant 640 : i32
    %mul3A_173 = arith.muli %arg1, %mul3A_172 : i32
    %add3A_174 = arith.constant 400 : i32
    %add3A_175 = arith.addi %mul3A_173, %add3A_174 : i32
    "tpu.region"() ({
      %run_scoped3A = tpu.sem_alloc : memref<!tpu.dma_semaphore, #tpu.memory_space<semaphore_mem>>
      %dma_start3A_220 = arith.constant 0 : i32
      %dma_start3A_221 = tpu.memref_slice %arg9[%add3A_175, %dma_start3A_220] : memref<10240x144xf32, #tpu.memory_space<vmem_shared>> -> memref<40x144xf32, #tpu.memory_space<vmem_shared>>
      %dma_start3A_222 = arith.constant 0 : i32
      %dma_start3A_223 = tpu.memref_slice %arg9[%add3A_175, %dma_start3A_222] : memref<10240x144xf32, #tpu.memory_space<vmem_shared>> -> memref<40x144xf32, #tpu.memory_space<vmem_shared>>
      tpu.enqueue_dma source(%dma_start3A_223 : memref<40x144xf32, #tpu.memory_space<vmem_shared>>) target(%arg12 : memref<40x144xf32, #tpu.memory_space<vmem>>) target_semaphore(%run_scoped3A : memref<!tpu.dma_semaphore, #tpu.memory_space<semaphore_mem>>)
      %dma_wait3A_224 = arith.constant 0 : i32
      %dma_wait3A_225 = tpu.memref_slice %arg9[%add3A_175, %dma_wait3A_224] : memref<10240x144xf32, #tpu.memory_space<vmem_shared>> -> memref<40x144xf32, #tpu.memory_space<vmem_shared>>
      %dma_wait3A_226 = arith.constant 0 : i32
      %dma_wait3A_227 = tpu.memref_slice %arg9[%add3A_175, %dma_wait3A_226] : memref<10240x144xf32, #tpu.memory_space<vmem_shared>> -> memref<40x144xf32, #tpu.memory_space<vmem_shared>>
      tpu.wait_dma2 semaphore(%run_scoped3A : memref<!tpu.dma_semaphore, #tpu.memory_space<semaphore_mem>>) src(%dma_wait3A_227 : memref<40x144xf32, #tpu.memory_space<vmem_shared>>) dst(%arg12 : memref<40x144xf32, #tpu.memory_space<vmem>>)
      tpu.yield
    }) : () -> ()
    %mul3A_176 = arith.constant 640 : i32
    %mul3A_177 = arith.muli %arg1, %mul3A_176 : i32
    %add3A_178 = arith.constant 400 : i32
    %add3A_179 = arith.addi %mul3A_177, %add3A_178 : i32
    "tpu.region"() ({
      %run_scoped3A = tpu.sem_alloc : memref<!tpu.dma_semaphore, #tpu.memory_space<semaphore_mem>>
      %dma_start3A_220 = arith.constant 0 : i32
      %dma_start3A_221 = tpu.memref_slice %arg8[%arg0, %add3A_179, %dma_start3A_220] : memref<2x10240x144xf32, #tpu.memory_space<hbm>> -> memref<1x40x144xf32, #tpu.memory_space<hbm>>
      %dma_start3A_222 = tpu.memref_squeeze %dma_start3A_221 : memref<1x40x144xf32, #tpu.memory_space<hbm>> -> memref<40x144xf32, #tpu.memory_space<hbm>>
      %dma_start3A_223 = arith.constant 0 : i32
      %dma_start3A_224 = tpu.memref_slice %arg8[%arg0, %add3A_179, %dma_start3A_223] : memref<2x10240x144xf32, #tpu.memory_space<hbm>> -> memref<1x40x144xf32, #tpu.memory_space<hbm>>
      %dma_start3A_225 = tpu.memref_squeeze %dma_start3A_224 : memref<1x40x144xf32, #tpu.memory_space<hbm>> -> memref<40x144xf32, #tpu.memory_space<hbm>>
      tpu.enqueue_dma source(%arg12 : memref<40x144xf32, #tpu.memory_space<vmem>>) target(%dma_start3A_225 : memref<40x144xf32, #tpu.memory_space<hbm>>) target_semaphore(%run_scoped3A : memref<!tpu.dma_semaphore, #tpu.memory_space<semaphore_mem>>)
      %dma_wait3A_226 = arith.constant 0 : i32
      %dma_wait3A_227 = tpu.memref_slice %arg8[%arg0, %add3A_179, %dma_wait3A_226] : memref<2x10240x144xf32, #tpu.memory_space<hbm>> -> memref<1x40x144xf32, #tpu.memory_space<hbm>>
      %dma_wait3A_228 = tpu.memref_squeeze %dma_wait3A_227 : memref<1x40x144xf32, #tpu.memory_space<hbm>> -> memref<40x144xf32, #tpu.memory_space<hbm>>
      %dma_wait3A_229 = arith.constant 0 : i32
      %dma_wait3A_230 = tpu.memref_slice %arg8[%arg0, %add3A_179, %dma_wait3A_229] : memref<2x10240x144xf32, #tpu.memory_space<hbm>> -> memref<1x40x144xf32, #tpu.memory_space<hbm>>
      %dma_wait3A_231 = tpu.memref_squeeze %dma_wait3A_230 : memref<1x40x144xf32, #tpu.memory_space<hbm>> -> memref<40x144xf32, #tpu.memory_space<hbm>>
      tpu.wait_dma2 semaphore(%run_scoped3A : memref<!tpu.dma_semaphore, #tpu.memory_space<semaphore_mem>>) src(%arg12 : memref<40x144xf32, #tpu.memory_space<vmem>>) dst(%dma_wait3A_231 : memref<40x144xf32, #tpu.memory_space<hbm>>)
      tpu.yield
    }) : () -> ()
    %mul3A_180 = arith.constant 640 : i32
    %mul3A_181 = arith.muli %arg1, %mul3A_180 : i32
    %add3A_182 = arith.constant 440 : i32
    %add3A_183 = arith.addi %mul3A_181, %add3A_182 : i32
    "tpu.region"() ({
      %run_scoped3A = tpu.sem_alloc : memref<!tpu.dma_semaphore, #tpu.memory_space<semaphore_mem>>
      %dma_start3A_220 = arith.constant 0 : i32
      %dma_start3A_221 = tpu.memref_slice %arg9[%add3A_183, %dma_start3A_220] : memref<10240x144xf32, #tpu.memory_space<vmem_shared>> -> memref<40x144xf32, #tpu.memory_space<vmem_shared>>
      %dma_start3A_222 = arith.constant 0 : i32
      %dma_start3A_223 = tpu.memref_slice %arg9[%add3A_183, %dma_start3A_222] : memref<10240x144xf32, #tpu.memory_space<vmem_shared>> -> memref<40x144xf32, #tpu.memory_space<vmem_shared>>
      tpu.enqueue_dma source(%dma_start3A_223 : memref<40x144xf32, #tpu.memory_space<vmem_shared>>) target(%arg12 : memref<40x144xf32, #tpu.memory_space<vmem>>) target_semaphore(%run_scoped3A : memref<!tpu.dma_semaphore, #tpu.memory_space<semaphore_mem>>)
      %dma_wait3A_224 = arith.constant 0 : i32
      %dma_wait3A_225 = tpu.memref_slice %arg9[%add3A_183, %dma_wait3A_224] : memref<10240x144xf32, #tpu.memory_space<vmem_shared>> -> memref<40x144xf32, #tpu.memory_space<vmem_shared>>
      %dma_wait3A_226 = arith.constant 0 : i32
      %dma_wait3A_227 = tpu.memref_slice %arg9[%add3A_183, %dma_wait3A_226] : memref<10240x144xf32, #tpu.memory_space<vmem_shared>> -> memref<40x144xf32, #tpu.memory_space<vmem_shared>>
      tpu.wait_dma2 semaphore(%run_scoped3A : memref<!tpu.dma_semaphore, #tpu.memory_space<semaphore_mem>>) src(%dma_wait3A_227 : memref<40x144xf32, #tpu.memory_space<vmem_shared>>) dst(%arg12 : memref<40x144xf32, #tpu.memory_space<vmem>>)
      tpu.yield
    }) : () -> ()
    %mul3A_184 = arith.constant 640 : i32
    %mul3A_185 = arith.muli %arg1, %mul3A_184 : i32
    %add3A_186 = arith.constant 440 : i32
    %add3A_187 = arith.addi %mul3A_185, %add3A_186 : i32
    "tpu.region"() ({
      %run_scoped3A = tpu.sem_alloc : memref<!tpu.dma_semaphore, #tpu.memory_space<semaphore_mem>>
      %dma_start3A_220 = arith.constant 0 : i32
      %dma_start3A_221 = tpu.memref_slice %arg8[%arg0, %add3A_187, %dma_start3A_220] : memref<2x10240x144xf32, #tpu.memory_space<hbm>> -> memref<1x40x144xf32, #tpu.memory_space<hbm>>
      %dma_start3A_222 = tpu.memref_squeeze %dma_start3A_221 : memref<1x40x144xf32, #tpu.memory_space<hbm>> -> memref<40x144xf32, #tpu.memory_space<hbm>>
      %dma_start3A_223 = arith.constant 0 : i32
      %dma_start3A_224 = tpu.memref_slice %arg8[%arg0, %add3A_187, %dma_start3A_223] : memref<2x10240x144xf32, #tpu.memory_space<hbm>> -> memref<1x40x144xf32, #tpu.memory_space<hbm>>
      %dma_start3A_225 = tpu.memref_squeeze %dma_start3A_224 : memref<1x40x144xf32, #tpu.memory_space<hbm>> -> memref<40x144xf32, #tpu.memory_space<hbm>>
      tpu.enqueue_dma source(%arg12 : memref<40x144xf32, #tpu.memory_space<vmem>>) target(%dma_start3A_225 : memref<40x144xf32, #tpu.memory_space<hbm>>) target_semaphore(%run_scoped3A : memref<!tpu.dma_semaphore, #tpu.memory_space<semaphore_mem>>)
      %dma_wait3A_226 = arith.constant 0 : i32
      %dma_wait3A_227 = tpu.memref_slice %arg8[%arg0, %add3A_187, %dma_wait3A_226] : memref<2x10240x144xf32, #tpu.memory_space<hbm>> -> memref<1x40x144xf32, #tpu.memory_space<hbm>>
      %dma_wait3A_228 = tpu.memref_squeeze %dma_wait3A_227 : memref<1x40x144xf32, #tpu.memory_space<hbm>> -> memref<40x144xf32, #tpu.memory_space<hbm>>
      %dma_wait3A_229 = arith.constant 0 : i32
      %dma_wait3A_230 = tpu.memref_slice %arg8[%arg0, %add3A_187, %dma_wait3A_229] : memref<2x10240x144xf32, #tpu.memory_space<hbm>> -> memref<1x40x144xf32, #tpu.memory_space<hbm>>
      %dma_wait3A_231 = tpu.memref_squeeze %dma_wait3A_230 : memref<1x40x144xf32, #tpu.memory_space<hbm>> -> memref<40x144xf32, #tpu.memory_space<hbm>>
      tpu.wait_dma2 semaphore(%run_scoped3A : memref<!tpu.dma_semaphore, #tpu.memory_space<semaphore_mem>>) src(%arg12 : memref<40x144xf32, #tpu.memory_space<vmem>>) dst(%dma_wait3A_231 : memref<40x144xf32, #tpu.memory_space<hbm>>)
      tpu.yield
    }) : () -> ()
    %mul3A_188 = arith.constant 640 : i32
    %mul3A_189 = arith.muli %arg1, %mul3A_188 : i32
    %add3A_190 = arith.constant 480 : i32
    %add3A_191 = arith.addi %mul3A_189, %add3A_190 : i32
    "tpu.region"() ({
      %run_scoped3A = tpu.sem_alloc : memref<!tpu.dma_semaphore, #tpu.memory_space<semaphore_mem>>
      %dma_start3A_220 = arith.constant 0 : i32
      %dma_start3A_221 = tpu.memref_slice %arg9[%add3A_191, %dma_start3A_220] : memref<10240x144xf32, #tpu.memory_space<vmem_shared>> -> memref<40x144xf32, #tpu.memory_space<vmem_shared>>
      %dma_start3A_222 = arith.constant 0 : i32
      %dma_start3A_223 = tpu.memref_slice %arg9[%add3A_191, %dma_start3A_222] : memref<10240x144xf32, #tpu.memory_space<vmem_shared>> -> memref<40x144xf32, #tpu.memory_space<vmem_shared>>
      tpu.enqueue_dma source(%dma_start3A_223 : memref<40x144xf32, #tpu.memory_space<vmem_shared>>) target(%arg12 : memref<40x144xf32, #tpu.memory_space<vmem>>) target_semaphore(%run_scoped3A : memref<!tpu.dma_semaphore, #tpu.memory_space<semaphore_mem>>)
      %dma_wait3A_224 = arith.constant 0 : i32
      %dma_wait3A_225 = tpu.memref_slice %arg9[%add3A_191, %dma_wait3A_224] : memref<10240x144xf32, #tpu.memory_space<vmem_shared>> -> memref<40x144xf32, #tpu.memory_space<vmem_shared>>
      %dma_wait3A_226 = arith.constant 0 : i32
      %dma_wait3A_227 = tpu.memref_slice %arg9[%add3A_191, %dma_wait3A_226] : memref<10240x144xf32, #tpu.memory_space<vmem_shared>> -> memref<40x144xf32, #tpu.memory_space<vmem_shared>>
      tpu.wait_dma2 semaphore(%run_scoped3A : memref<!tpu.dma_semaphore, #tpu.memory_space<semaphore_mem>>) src(%dma_wait3A_227 : memref<40x144xf32, #tpu.memory_space<vmem_shared>>) dst(%arg12 : memref<40x144xf32, #tpu.memory_space<vmem>>)
      tpu.yield
    }) : () -> ()
    %mul3A_192 = arith.constant 640 : i32
    %mul3A_193 = arith.muli %arg1, %mul3A_192 : i32
    %add3A_194 = arith.constant 480 : i32
    %add3A_195 = arith.addi %mul3A_193, %add3A_194 : i32
    "tpu.region"() ({
      %run_scoped3A = tpu.sem_alloc : memref<!tpu.dma_semaphore, #tpu.memory_space<semaphore_mem>>
      %dma_start3A_220 = arith.constant 0 : i32
      %dma_start3A_221 = tpu.memref_slice %arg8[%arg0, %add3A_195, %dma_start3A_220] : memref<2x10240x144xf32, #tpu.memory_space<hbm>> -> memref<1x40x144xf32, #tpu.memory_space<hbm>>
      %dma_start3A_222 = tpu.memref_squeeze %dma_start3A_221 : memref<1x40x144xf32, #tpu.memory_space<hbm>> -> memref<40x144xf32, #tpu.memory_space<hbm>>
      %dma_start3A_223 = arith.constant 0 : i32
      %dma_start3A_224 = tpu.memref_slice %arg8[%arg0, %add3A_195, %dma_start3A_223] : memref<2x10240x144xf32, #tpu.memory_space<hbm>> -> memref<1x40x144xf32, #tpu.memory_space<hbm>>
      %dma_start3A_225 = tpu.memref_squeeze %dma_start3A_224 : memref<1x40x144xf32, #tpu.memory_space<hbm>> -> memref<40x144xf32, #tpu.memory_space<hbm>>
      tpu.enqueue_dma source(%arg12 : memref<40x144xf32, #tpu.memory_space<vmem>>) target(%dma_start3A_225 : memref<40x144xf32, #tpu.memory_space<hbm>>) target_semaphore(%run_scoped3A : memref<!tpu.dma_semaphore, #tpu.memory_space<semaphore_mem>>)
      %dma_wait3A_226 = arith.constant 0 : i32
      %dma_wait3A_227 = tpu.memref_slice %arg8[%arg0, %add3A_195, %dma_wait3A_226] : memref<2x10240x144xf32, #tpu.memory_space<hbm>> -> memref<1x40x144xf32, #tpu.memory_space<hbm>>
      %dma_wait3A_228 = tpu.memref_squeeze %dma_wait3A_227 : memref<1x40x144xf32, #tpu.memory_space<hbm>> -> memref<40x144xf32, #tpu.memory_space<hbm>>
      %dma_wait3A_229 = arith.constant 0 : i32
      %dma_wait3A_230 = tpu.memref_slice %arg8[%arg0, %add3A_195, %dma_wait3A_229] : memref<2x10240x144xf32, #tpu.memory_space<hbm>> -> memref<1x40x144xf32, #tpu.memory_space<hbm>>
      %dma_wait3A_231 = tpu.memref_squeeze %dma_wait3A_230 : memref<1x40x144xf32, #tpu.memory_space<hbm>> -> memref<40x144xf32, #tpu.memory_space<hbm>>
      tpu.wait_dma2 semaphore(%run_scoped3A : memref<!tpu.dma_semaphore, #tpu.memory_space<semaphore_mem>>) src(%arg12 : memref<40x144xf32, #tpu.memory_space<vmem>>) dst(%dma_wait3A_231 : memref<40x144xf32, #tpu.memory_space<hbm>>)
      tpu.yield
    }) : () -> ()
    %mul3A_196 = arith.constant 640 : i32
    %mul3A_197 = arith.muli %arg1, %mul3A_196 : i32
    %add3A_198 = arith.constant 520 : i32
    %add3A_199 = arith.addi %mul3A_197, %add3A_198 : i32
    "tpu.region"() ({
      %run_scoped3A = tpu.sem_alloc : memref<!tpu.dma_semaphore, #tpu.memory_space<semaphore_mem>>
      %dma_start3A_220 = arith.constant 0 : i32
      %dma_start3A_221 = tpu.memref_slice %arg9[%add3A_199, %dma_start3A_220] : memref<10240x144xf32, #tpu.memory_space<vmem_shared>> -> memref<40x144xf32, #tpu.memory_space<vmem_shared>>
      %dma_start3A_222 = arith.constant 0 : i32
      %dma_start3A_223 = tpu.memref_slice %arg9[%add3A_199, %dma_start3A_222] : memref<10240x144xf32, #tpu.memory_space<vmem_shared>> -> memref<40x144xf32, #tpu.memory_space<vmem_shared>>
      tpu.enqueue_dma source(%dma_start3A_223 : memref<40x144xf32, #tpu.memory_space<vmem_shared>>) target(%arg12 : memref<40x144xf32, #tpu.memory_space<vmem>>) target_semaphore(%run_scoped3A : memref<!tpu.dma_semaphore, #tpu.memory_space<semaphore_mem>>)
      %dma_wait3A_224 = arith.constant 0 : i32
      %dma_wait3A_225 = tpu.memref_slice %arg9[%add3A_199, %dma_wait3A_224] : memref<10240x144xf32, #tpu.memory_space<vmem_shared>> -> memref<40x144xf32, #tpu.memory_space<vmem_shared>>
      %dma_wait3A_226 = arith.constant 0 : i32
      %dma_wait3A_227 = tpu.memref_slice %arg9[%add3A_199, %dma_wait3A_226] : memref<10240x144xf32, #tpu.memory_space<vmem_shared>> -> memref<40x144xf32, #tpu.memory_space<vmem_shared>>
      tpu.wait_dma2 semaphore(%run_scoped3A : memref<!tpu.dma_semaphore, #tpu.memory_space<semaphore_mem>>) src(%dma_wait3A_227 : memref<40x144xf32, #tpu.memory_space<vmem_shared>>) dst(%arg12 : memref<40x144xf32, #tpu.memory_space<vmem>>)
      tpu.yield
    }) : () -> ()
    %mul3A_200 = arith.constant 640 : i32
    %mul3A_201 = arith.muli %arg1, %mul3A_200 : i32
    %add3A_202 = arith.constant 520 : i32
    %add3A_203 = arith.addi %mul3A_201, %add3A_202 : i32
    "tpu.region"() ({
      %run_scoped3A = tpu.sem_alloc : memref<!tpu.dma_semaphore, #tpu.memory_space<semaphore_mem>>
      %dma_start3A_220 = arith.constant 0 : i32
      %dma_start3A_221 = tpu.memref_slice %arg8[%arg0, %add3A_203, %dma_start3A_220] : memref<2x10240x144xf32, #tpu.memory_space<hbm>> -> memref<1x40x144xf32, #tpu.memory_space<hbm>>
      %dma_start3A_222 = tpu.memref_squeeze %dma_start3A_221 : memref<1x40x144xf32, #tpu.memory_space<hbm>> -> memref<40x144xf32, #tpu.memory_space<hbm>>
      %dma_start3A_223 = arith.constant 0 : i32
      %dma_start3A_224 = tpu.memref_slice %arg8[%arg0, %add3A_203, %dma_start3A_223] : memref<2x10240x144xf32, #tpu.memory_space<hbm>> -> memref<1x40x144xf32, #tpu.memory_space<hbm>>
      %dma_start3A_225 = tpu.memref_squeeze %dma_start3A_224 : memref<1x40x144xf32, #tpu.memory_space<hbm>> -> memref<40x144xf32, #tpu.memory_space<hbm>>
      tpu.enqueue_dma source(%arg12 : memref<40x144xf32, #tpu.memory_space<vmem>>) target(%dma_start3A_225 : memref<40x144xf32, #tpu.memory_space<hbm>>) target_semaphore(%run_scoped3A : memref<!tpu.dma_semaphore, #tpu.memory_space<semaphore_mem>>)
      %dma_wait3A_226 = arith.constant 0 : i32
      %dma_wait3A_227 = tpu.memref_slice %arg8[%arg0, %add3A_203, %dma_wait3A_226] : memref<2x10240x144xf32, #tpu.memory_space<hbm>> -> memref<1x40x144xf32, #tpu.memory_space<hbm>>
      %dma_wait3A_228 = tpu.memref_squeeze %dma_wait3A_227 : memref<1x40x144xf32, #tpu.memory_space<hbm>> -> memref<40x144xf32, #tpu.memory_space<hbm>>
      %dma_wait3A_229 = arith.constant 0 : i32
      %dma_wait3A_230 = tpu.memref_slice %arg8[%arg0, %add3A_203, %dma_wait3A_229] : memref<2x10240x144xf32, #tpu.memory_space<hbm>> -> memref<1x40x144xf32, #tpu.memory_space<hbm>>
      %dma_wait3A_231 = tpu.memref_squeeze %dma_wait3A_230 : memref<1x40x144xf32, #tpu.memory_space<hbm>> -> memref<40x144xf32, #tpu.memory_space<hbm>>
      tpu.wait_dma2 semaphore(%run_scoped3A : memref<!tpu.dma_semaphore, #tpu.memory_space<semaphore_mem>>) src(%arg12 : memref<40x144xf32, #tpu.memory_space<vmem>>) dst(%dma_wait3A_231 : memref<40x144xf32, #tpu.memory_space<hbm>>)
      tpu.yield
    }) : () -> ()
    %mul3A_204 = arith.constant 640 : i32
    %mul3A_205 = arith.muli %arg1, %mul3A_204 : i32
    %add3A_206 = arith.constant 560 : i32
    %add3A_207 = arith.addi %mul3A_205, %add3A_206 : i32
    "tpu.region"() ({
      %run_scoped3A = tpu.sem_alloc : memref<!tpu.dma_semaphore, #tpu.memory_space<semaphore_mem>>
      %dma_start3A_220 = arith.constant 0 : i32
      %dma_start3A_221 = tpu.memref_slice %arg9[%add3A_207, %dma_start3A_220] : memref<10240x144xf32, #tpu.memory_space<vmem_shared>> -> memref<40x144xf32, #tpu.memory_space<vmem_shared>>
      %dma_start3A_222 = arith.constant 0 : i32
      %dma_start3A_223 = tpu.memref_slice %arg9[%add3A_207, %dma_start3A_222] : memref<10240x144xf32, #tpu.memory_space<vmem_shared>> -> memref<40x144xf32, #tpu.memory_space<vmem_shared>>
      tpu.enqueue_dma source(%dma_start3A_223 : memref<40x144xf32, #tpu.memory_space<vmem_shared>>) target(%arg12 : memref<40x144xf32, #tpu.memory_space<vmem>>) target_semaphore(%run_scoped3A : memref<!tpu.dma_semaphore, #tpu.memory_space<semaphore_mem>>)
      %dma_wait3A_224 = arith.constant 0 : i32
      %dma_wait3A_225 = tpu.memref_slice %arg9[%add3A_207, %dma_wait3A_224] : memref<10240x144xf32, #tpu.memory_space<vmem_shared>> -> memref<40x144xf32, #tpu.memory_space<vmem_shared>>
      %dma_wait3A_226 = arith.constant 0 : i32
      %dma_wait3A_227 = tpu.memref_slice %arg9[%add3A_207, %dma_wait3A_226] : memref<10240x144xf32, #tpu.memory_space<vmem_shared>> -> memref<40x144xf32, #tpu.memory_space<vmem_shared>>
      tpu.wait_dma2 semaphore(%run_scoped3A : memref<!tpu.dma_semaphore, #tpu.memory_space<semaphore_mem>>) src(%dma_wait3A_227 : memref<40x144xf32, #tpu.memory_space<vmem_shared>>) dst(%arg12 : memref<40x144xf32, #tpu.memory_space<vmem>>)
      tpu.yield
    }) : () -> ()
    %mul3A_208 = arith.constant 640 : i32
    %mul3A_209 = arith.muli %arg1, %mul3A_208 : i32
    %add3A_210 = arith.constant 560 : i32
    %add3A_211 = arith.addi %mul3A_209, %add3A_210 : i32
    "tpu.region"() ({
      %run_scoped3A = tpu.sem_alloc : memref<!tpu.dma_semaphore, #tpu.memory_space<semaphore_mem>>
      %dma_start3A_220 = arith.constant 0 : i32
      %dma_start3A_221 = tpu.memref_slice %arg8[%arg0, %add3A_211, %dma_start3A_220] : memref<2x10240x144xf32, #tpu.memory_space<hbm>> -> memref<1x40x144xf32, #tpu.memory_space<hbm>>
      %dma_start3A_222 = tpu.memref_squeeze %dma_start3A_221 : memref<1x40x144xf32, #tpu.memory_space<hbm>> -> memref<40x144xf32, #tpu.memory_space<hbm>>
      %dma_start3A_223 = arith.constant 0 : i32
      %dma_start3A_224 = tpu.memref_slice %arg8[%arg0, %add3A_211, %dma_start3A_223] : memref<2x10240x144xf32, #tpu.memory_space<hbm>> -> memref<1x40x144xf32, #tpu.memory_space<hbm>>
      %dma_start3A_225 = tpu.memref_squeeze %dma_start3A_224 : memref<1x40x144xf32, #tpu.memory_space<hbm>> -> memref<40x144xf32, #tpu.memory_space<hbm>>
      tpu.enqueue_dma source(%arg12 : memref<40x144xf32, #tpu.memory_space<vmem>>) target(%dma_start3A_225 : memref<40x144xf32, #tpu.memory_space<hbm>>) target_semaphore(%run_scoped3A : memref<!tpu.dma_semaphore, #tpu.memory_space<semaphore_mem>>)
      %dma_wait3A_226 = arith.constant 0 : i32
      %dma_wait3A_227 = tpu.memref_slice %arg8[%arg0, %add3A_211, %dma_wait3A_226] : memref<2x10240x144xf32, #tpu.memory_space<hbm>> -> memref<1x40x144xf32, #tpu.memory_space<hbm>>
      %dma_wait3A_228 = tpu.memref_squeeze %dma_wait3A_227 : memref<1x40x144xf32, #tpu.memory_space<hbm>> -> memref<40x144xf32, #tpu.memory_space<hbm>>
      %dma_wait3A_229 = arith.constant 0 : i32
      %dma_wait3A_230 = tpu.memref_slice %arg8[%arg0, %add3A_211, %dma_wait3A_229] : memref<2x10240x144xf32, #tpu.memory_space<hbm>> -> memref<1x40x144xf32, #tpu.memory_space<hbm>>
      %dma_wait3A_231 = tpu.memref_squeeze %dma_wait3A_230 : memref<1x40x144xf32, #tpu.memory_space<hbm>> -> memref<40x144xf32, #tpu.memory_space<hbm>>
      tpu.wait_dma2 semaphore(%run_scoped3A : memref<!tpu.dma_semaphore, #tpu.memory_space<semaphore_mem>>) src(%arg12 : memref<40x144xf32, #tpu.memory_space<vmem>>) dst(%dma_wait3A_231 : memref<40x144xf32, #tpu.memory_space<hbm>>)
      tpu.yield
    }) : () -> ()
    %mul3A_212 = arith.constant 640 : i32
    %mul3A_213 = arith.muli %arg1, %mul3A_212 : i32
    %add3A_214 = arith.constant 600 : i32
    %add3A_215 = arith.addi %mul3A_213, %add3A_214 : i32
    "tpu.region"() ({
      %run_scoped3A = tpu.sem_alloc : memref<!tpu.dma_semaphore, #tpu.memory_space<semaphore_mem>>
      %dma_start3A_220 = arith.constant 0 : i32
      %dma_start3A_221 = tpu.memref_slice %arg9[%add3A_215, %dma_start3A_220] : memref<10240x144xf32, #tpu.memory_space<vmem_shared>> -> memref<40x144xf32, #tpu.memory_space<vmem_shared>>
      %dma_start3A_222 = arith.constant 0 : i32
      %dma_start3A_223 = tpu.memref_slice %arg9[%add3A_215, %dma_start3A_222] : memref<10240x144xf32, #tpu.memory_space<vmem_shared>> -> memref<40x144xf32, #tpu.memory_space<vmem_shared>>
      tpu.enqueue_dma source(%dma_start3A_223 : memref<40x144xf32, #tpu.memory_space<vmem_shared>>) target(%arg12 : memref<40x144xf32, #tpu.memory_space<vmem>>) target_semaphore(%run_scoped3A : memref<!tpu.dma_semaphore, #tpu.memory_space<semaphore_mem>>)
      %dma_wait3A_224 = arith.constant 0 : i32
      %dma_wait3A_225 = tpu.memref_slice %arg9[%add3A_215, %dma_wait3A_224] : memref<10240x144xf32, #tpu.memory_space<vmem_shared>> -> memref<40x144xf32, #tpu.memory_space<vmem_shared>>
      %dma_wait3A_226 = arith.constant 0 : i32
      %dma_wait3A_227 = tpu.memref_slice %arg9[%add3A_215, %dma_wait3A_226] : memref<10240x144xf32, #tpu.memory_space<vmem_shared>> -> memref<40x144xf32, #tpu.memory_space<vmem_shared>>
      tpu.wait_dma2 semaphore(%run_scoped3A : memref<!tpu.dma_semaphore, #tpu.memory_space<semaphore_mem>>) src(%dma_wait3A_227 : memref<40x144xf32, #tpu.memory_space<vmem_shared>>) dst(%arg12 : memref<40x144xf32, #tpu.memory_space<vmem>>)
      tpu.yield
    }) : () -> ()
    %mul3A_216 = arith.constant 640 : i32
    %mul3A_217 = arith.muli %arg1, %mul3A_216 : i32
    %add3A_218 = arith.constant 600 : i32
    %add3A_219 = arith.addi %mul3A_217, %add3A_218 : i32
    "tpu.region"() ({
      %run_scoped3A = tpu.sem_alloc : memref<!tpu.dma_semaphore, #tpu.memory_space<semaphore_mem>>
      %dma_start3A_220 = arith.constant 0 : i32
      %dma_start3A_221 = tpu.memref_slice %arg8[%arg0, %add3A_219, %dma_start3A_220] : memref<2x10240x144xf32, #tpu.memory_space<hbm>> -> memref<1x40x144xf32, #tpu.memory_space<hbm>>
      %dma_start3A_222 = tpu.memref_squeeze %dma_start3A_221 : memref<1x40x144xf32, #tpu.memory_space<hbm>> -> memref<40x144xf32, #tpu.memory_space<hbm>>
      %dma_start3A_223 = arith.constant 0 : i32
      %dma_start3A_224 = tpu.memref_slice %arg8[%arg0, %add3A_219, %dma_start3A_223] : memref<2x10240x144xf32, #tpu.memory_space<hbm>> -> memref<1x40x144xf32, #tpu.memory_space<hbm>>
      %dma_start3A_225 = tpu.memref_squeeze %dma_start3A_224 : memref<1x40x144xf32, #tpu.memory_space<hbm>> -> memref<40x144xf32, #tpu.memory_space<hbm>>
      tpu.enqueue_dma source(%arg12 : memref<40x144xf32, #tpu.memory_space<vmem>>) target(%dma_start3A_225 : memref<40x144xf32, #tpu.memory_space<hbm>>) target_semaphore(%run_scoped3A : memref<!tpu.dma_semaphore, #tpu.memory_space<semaphore_mem>>)
      %dma_wait3A_226 = arith.constant 0 : i32
      %dma_wait3A_227 = tpu.memref_slice %arg8[%arg0, %add3A_219, %dma_wait3A_226] : memref<2x10240x144xf32, #tpu.memory_space<hbm>> -> memref<1x40x144xf32, #tpu.memory_space<hbm>>
      %dma_wait3A_228 = tpu.memref_squeeze %dma_wait3A_227 : memref<1x40x144xf32, #tpu.memory_space<hbm>> -> memref<40x144xf32, #tpu.memory_space<hbm>>
      %dma_wait3A_229 = arith.constant 0 : i32
      %dma_wait3A_230 = tpu.memref_slice %arg8[%arg0, %add3A_219, %dma_wait3A_229] : memref<2x10240x144xf32, #tpu.memory_space<hbm>> -> memref<1x40x144xf32, #tpu.memory_space<hbm>>
      %dma_wait3A_231 = tpu.memref_squeeze %dma_wait3A_230 : memref<1x40x144xf32, #tpu.memory_space<hbm>> -> memref<40x144xf32, #tpu.memory_space<hbm>>
      tpu.wait_dma2 semaphore(%run_scoped3A : memref<!tpu.dma_semaphore, #tpu.memory_space<semaphore_mem>>) src(%arg12 : memref<40x144xf32, #tpu.memory_space<vmem>>) dst(%dma_wait3A_231 : memref<40x144xf32, #tpu.memory_space<hbm>>)
      tpu.yield
    }) : () -> ()
    return
  }
}

module attributes {stable_mosaic.version = 14 : i64} {
  func.func @_qkv_body(%arg0: i32, %arg1: memref<1024x128xf32, #tpu.memory_space<vmem>>, %arg2: memref<128x384xf32, #tpu.memory_space<vmem>>, %arg3: memref<1024x128xf32, #tpu.memory_space<vmem>>, %arg4: memref<1024x128xf32, #tpu.memory_space<vmem>>, %arg5: memref<1024x144xf32, #tpu.memory_space<vmem>>) attributes {dimension_semantics = [#tpu.dimension_semantics<arbitrary>], iteration_bounds = array<i64: 10>, scalar_prefetch = 0 : i64, scratch_operands = 0 : i64, tpu.core_type = #tpu.core_type<tc>, window_params = [{transform_indices = @transform_0, window_bounds = array<i64: 1024, 128>}, {pipeline_mode = #tpu.pipeline_mode<synchronous>, transform_indices = @transform_1, window_bounds = array<i64: 128, 384>}, {transform_indices = @transform_2, window_bounds = array<i64: 1024, 128>}, {transform_indices = @transform_3, window_bounds = array<i64: 1024, 128>}, {transform_indices = @transform_4, window_bounds = array<i64: 1024, 144>}]} {
    %get3A = arith.constant 0 : index
    %get3A_0 = arith.constant 0 : index
    %get3A_1 = vector.load %arg1[%get3A, %get3A_0] : memref<1024x128xf32, #tpu.memory_space<vmem>>, vector<1024x128xf32>
    %get3A_2 = arith.constant 0 : index
    %get3A_3 = arith.constant 0 : index
    %get3A_4 = vector.load %arg2[%get3A_2, %get3A_3] : memref<128x384xf32, #tpu.memory_space<vmem>>, vector<128x384xf32>
    %slice3A = vector.extract_strided_slice %get3A_4 {offsets = [0, 0], sizes = [128, 128], strides = [1, 1]} : vector<128x384xf32> to vector<128x128xf32>
    %dot_general3A = arith.constant dense<0.000000e+00> : vector<1024x128xf32>
    %dot_general3A_5 = tpu.matmul %get3A_1, %slice3A, %dot_general3A {dimension_numbers = #tpu.dot_dimension_numbers<[1], [0], [0], [1], [0, 0, 1, 1], [], []>, transpose_lhs_hint = false} : vector<1024x128xf32>, vector<128x128xf32>, vector<1024x128xf32> -> vector<1024x128xf32>
    %swap3A = arith.constant 0 : index
    %swap3A_6 = arith.constant 0 : index
    %swap3A_7 = vector.load %arg3[%swap3A, %swap3A_6] : memref<1024x128xf32, #tpu.memory_space<vmem>>, vector<1024x128xf32>
    tpu.vector_store %arg3[%swap3A, %swap3A_6], %dot_general3A_5 {strides = array<i32>} : memref<1024x128xf32, #tpu.memory_space<vmem>>, vector<1024x128xf32>,
    %slice3A_8 = vector.extract_strided_slice %get3A_4 {offsets = [0, 128], sizes = [128, 128], strides = [1, 1]} : vector<128x384xf32> to vector<128x128xf32>
    %dot_general3A_9 = arith.constant dense<0.000000e+00> : vector<1024x128xf32>
    %dot_general3A_10 = tpu.matmul %get3A_1, %slice3A_8, %dot_general3A_9 {dimension_numbers = #tpu.dot_dimension_numbers<[1], [0], [0], [1], [0, 0, 1, 1], [], []>, transpose_lhs_hint = false} : vector<1024x128xf32>, vector<128x128xf32>, vector<1024x128xf32> -> vector<1024x128xf32>
    %swap3A_11 = arith.constant 0 : index
    %swap3A_12 = arith.constant 0 : index
    %swap3A_13 = vector.load %arg4[%swap3A_11, %swap3A_12] : memref<1024x128xf32, #tpu.memory_space<vmem>>, vector<1024x128xf32>
    tpu.vector_store %arg4[%swap3A_11, %swap3A_12], %dot_general3A_10 {strides = array<i32>} : memref<1024x128xf32, #tpu.memory_space<vmem>>, vector<1024x128xf32>,
    %broadcast_in_dim3A = arith.constant 0.000000e+00 : f32
    %broadcast_in_dim3A_14 = vector.broadcast %broadcast_in_dim3A : f32 to vector<1024x16xf32>
    %slice3A_15 = vector.extract_strided_slice %get3A_4 {offsets = [0, 256], sizes = [128, 128], strides = [1, 1]} : vector<128x384xf32> to vector<128x128xf32>
    %dot_general3A_16 = arith.constant dense<0.000000e+00> : vector<1024x128xf32>
    %dot_general3A_17 = tpu.matmul %get3A_1, %slice3A_15, %dot_general3A_16 {dimension_numbers = #tpu.dot_dimension_numbers<[1], [0], [0], [1], [0, 0, 1, 1], [], []>, transpose_lhs_hint = false} : vector<1024x128xf32>, vector<128x128xf32>, vector<1024x128xf32> -> vector<1024x128xf32>
    %concatenate3A = tpu.concatenate %dot_general3A_17, %broadcast_in_dim3A_14 in 1 : vector<1024x128xf32>, vector<1024x16xf32> -> vector<1024x144xf32>
    %swap3A_18 = arith.constant 0 : index
    %swap3A_19 = arith.constant 0 : index
    %swap3A_20 = vector.load %arg5[%swap3A_18, %swap3A_19] : memref<1024x144xf32, #tpu.memory_space<vmem>>, vector<1024x144xf32>
    tpu.vector_store %arg5[%swap3A_18, %swap3A_19], %concatenate3A {strides = array<i32>} : memref<1024x144xf32, #tpu.memory_space<vmem>>, vector<1024x144xf32>,
    return
  }
  func.func @transform_0(%arg0: i32) -> (i32, i32) {
    %c0_i32 = arith.constant 0 : i32
    %c0_i32_0 = arith.constant 0 : i32
    return %arg0, %c0_i32 : i32, i32
  }
  func.func @transform_1(%arg0: i32) -> (i32, i32) {
    %c0_i32 = arith.constant 0 : i32
    %c0_i32_0 = arith.constant 0 : i32
    %c0_i32_1 = arith.constant 0 : i32
    return %c0_i32, %c0_i32_0 : i32, i32
  }
  func.func @transform_2(%arg0: i32) -> (i32, i32) {
    %c0_i32 = arith.constant 0 : i32
    %c0_i32_0 = arith.constant 0 : i32
    return %arg0, %c0_i32 : i32, i32
  }
  func.func @transform_3(%arg0: i32) -> (i32, i32) {
    %c0_i32 = arith.constant 0 : i32
    %c0_i32_0 = arith.constant 0 : i32
    return %arg0, %c0_i32 : i32, i32
  }
  func.func @transform_4(%arg0: i32) -> (i32, i32) {
    %c0_i32 = arith.constant 0 : i32
    %c0_i32_0 = arith.constant 0 : i32
    return %arg0, %c0_i32 : i32, i32
  }
}

module attributes {stable_mosaic.version = 14 : i64} {
  func.func @_post_body(%arg0: i32, %arg1: memref<2x1024x144xf32, #tpu.memory_space<vmem>>, %arg2: memref<1024x128xf32, #tpu.memory_space<vmem>>, %arg3: memref<128x128xf32, #tpu.memory_space<vmem>>, %arg4: memref<128x128xf32, #tpu.memory_space<vmem>>, %arg5: memref<128x1xf32, #tpu.memory_space<vmem>>, %arg6: memref<128x1xf32, #tpu.memory_space<vmem>>, %arg7: memref<8x128xf32, #tpu.memory_space<vmem>>, %arg8: memref<1x128xf32, #tpu.memory_space<vmem>>, %arg9: memref<1x128xf32, #tpu.memory_space<vmem>>, %arg10: memref<1x128xf32, #tpu.memory_space<vmem>>, %arg11: memref<1x128xf32, #tpu.memory_space<vmem>>, %arg12: memref<128x128xf32, #tpu.memory_space<vmem>>, %arg13: memref<128x128xf32, #tpu.memory_space<vmem>>, %arg14: memref<1024x128xf32, #tpu.memory_space<vmem>>) attributes {dimension_semantics = [#tpu.dimension_semantics<arbitrary>], iteration_bounds = array<i64: 10>, scalar_prefetch = 0 : i64, scratch_operands = 0 : i64, tpu.core_type = #tpu.core_type<tc>, window_params = [{transform_indices = @transform_0, window_bounds = array<i64: 2, 1024, 144>}, {transform_indices = @transform_1, window_bounds = array<i64: 1024, 128>}, {pipeline_mode = #tpu.pipeline_mode<synchronous>, transform_indices = @transform_2, window_bounds = array<i64: 128, 128>}, {pipeline_mode = #tpu.pipeline_mode<synchronous>, transform_indices = @transform_3, window_bounds = array<i64: 128, 128>}, {pipeline_mode = #tpu.pipeline_mode<synchronous>, transform_indices = @transform_4, window_bounds = array<i64: 128, 1>}, {pipeline_mode = #tpu.pipeline_mode<synchronous>, transform_indices = @transform_5, window_bounds = array<i64: 128, 1>}, {pipeline_mode = #tpu.pipeline_mode<synchronous>, transform_indices = @transform_6, window_bounds = array<i64: 8, 128>}, {pipeline_mode = #tpu.pipeline_mode<synchronous>, transform_indices = @transform_7, window_bounds = array<i64: 1, 128>}, {pipeline_mode = #tpu.pipeline_mode<synchronous>, transform_indices = @transform_8, window_bounds = array<i64: 1, 128>}, {pipeline_mode = #tpu.pipeline_mode<synchronous>, transform_indices = @transform_9, window_bounds = array<i64: 1, 128>}, {pipeline_mode = #tpu.pipeline_mode<synchronous>, transform_indices = @transform_10, window_bounds = array<i64: 1, 128>}, {pipeline_mode = #tpu.pipeline_mode<synchronous>, transform_indices = @transform_11, window_bounds = array<i64: 128, 128>}, {pipeline_mode = #tpu.pipeline_mode<synchronous>, transform_indices = @transform_12, window_bounds = array<i64: 128, 128>}, {transform_indices = @transform_13, window_bounds = array<i64: 1024, 128>}]} {
    %get3A = arith.constant 0 : index
    %get3A_0 = arith.constant 0 : index
    %get3A_1 = arith.constant 0 : index
    %get3A_2 = vector.load %arg1[%get3A, %get3A_0, %get3A_1] : memref<2x1024x144xf32, #tpu.memory_space<vmem>>, vector<1x1024x144xf32>
    %get3A_3 = vector.shape_cast %get3A_2 : vector<1x1024x144xf32> to vector<1024x144xf32>
    %get3A_4 = arith.constant 1 : index
    %get3A_5 = arith.constant 0 : index
    %get3A_6 = arith.constant 0 : index
    %get3A_7 = vector.load %arg1[%get3A_4, %get3A_5, %get3A_6] : memref<2x1024x144xf32, #tpu.memory_space<vmem>>, vector<1x1024x144xf32>
    %get3A_8 = vector.shape_cast %get3A_7 : vector<1x1024x144xf32> to vector<1024x144xf32>
    %add3A = arith.addf %get3A_3, %get3A_8 : vector<1024x144xf32>
    %slice3A = vector.extract_strided_slice %add3A {offsets = [0, 0], sizes = [1024, 128], strides = [1, 1]} : vector<1024x144xf32> to vector<1024x128xf32>
    %slice3A_9 = vector.extract_strided_slice %add3A {offsets = [0, 128], sizes = [1024, 8], strides = [1, 1]} : vector<1024x144xf32> to vector<1024x8xf32>
    %get3A_10 = arith.constant 0 : index
    %get3A_11 = arith.constant 0 : index
    %get3A_12 = vector.load %arg7[%get3A_10, %get3A_11] : memref<8x128xf32, #tpu.memory_space<vmem>>, vector<8x128xf32>
    %dot_general3A = arith.constant dense<0.000000e+00> : vector<1024x128xf32>
    %dot_general3A_13 = tpu.matmul %slice3A_9, %get3A_12, %dot_general3A {dimension_numbers = #tpu.dot_dimension_numbers<[1], [0], [0], [1], [0, 0, 1, 1], [], []>, transpose_lhs_hint = false} : vector<1024x8xf32>, vector<8x128xf32>, vector<1024x128xf32> -> vector<1024x128xf32>
    %gt3A = arith.constant 0.000000e+00 : f32
    %gt3A_14 = vector.broadcast %gt3A : f32 to vector<1024x128xf32>
    %gt3A_15 = arith.cmpf ogt, %dot_general3A_13, %gt3A_14 : vector<1024x128xf32>
    %max3A = arith.constant 1.000000e-30 : f32
    %max3A_16 = vector.broadcast %max3A : f32 to vector<1024x128xf32>
    %max3A_17 = arith.maximumf %dot_general3A_13, %max3A_16 : vector<1024x128xf32>
    %div3A = arith.divf %slice3A, %max3A_17 : vector<1024x128xf32>
    %jit3A = arith.constant 0.000000e+00 : f32
    %broadcast_in_dim3A = vector.broadcast %jit3A : f32 to vector<1024x128xf32>
    %select_n3A = arith.select %gt3A_15, %div3A, %broadcast_in_dim3A : vector<1024x128xi1>, vector<1024x128xf32>
    %get3A_18 = arith.constant 0 : index
    %get3A_19 = arith.constant 0 : index
    %get3A_20 = vector.load %arg3[%get3A_18, %get3A_19] : memref<128x128xf32, #tpu.memory_space<vmem>>, vector<128x128xf32>
    %dot_general3A_21 = arith.constant dense<0.000000e+00> : vector<1024x128xf32>
    %dot_general3A_22 = tpu.matmul %select_n3A, %get3A_20, %dot_general3A_21 {dimension_numbers = #tpu.dot_dimension_numbers<[1], [0], [0], [1], [0, 0, 1, 1], [], []>, transpose_lhs_hint = false} : vector<1024x128xf32>, vector<128x128xf32>, vector<1024x128xf32> -> vector<1024x128xf32>
    %get3A_23 = arith.constant 0 : index
    %get3A_24 = arith.constant 0 : index
    %get3A_25 = vector.load %arg2[%get3A_23, %get3A_24] : memref<1024x128xf32, #tpu.memory_space<vmem>>, vector<1024x128xf32>
    %get3A_26 = arith.constant 0 : index
    %get3A_27 = arith.constant 0 : index
    %get3A_28 = vector.load %arg4[%get3A_26, %get3A_27] : memref<128x128xf32, #tpu.memory_space<vmem>>, vector<128x128xf32>
    %dot_general3A_29 = arith.constant dense<0.000000e+00> : vector<1024x128xf32>
    %dot_general3A_30 = tpu.matmul %get3A_25, %get3A_28, %dot_general3A_29 {dimension_numbers = #tpu.dot_dimension_numbers<[1], [0], [0], [1], [0, 0, 1, 1], [], []>, transpose_lhs_hint = false} : vector<1024x128xf32>, vector<128x128xf32>, vector<1024x128xf32> -> vector<1024x128xf32>
    %get3A_31 = arith.constant 0 : index
    %get3A_32 = arith.constant 0 : index
    %get3A_33 = vector.load %arg5[%get3A_31, %get3A_32] : memref<128x1xf32, #tpu.memory_space<vmem>>, vector<128x1xf32>
    %dot_general3A_34 = arith.constant dense<0.000000e+00> : vector<1024x1xf32>
    %dot_general3A_35 = tpu.matmul %dot_general3A_22, %get3A_33, %dot_general3A_34 {dimension_numbers = #tpu.dot_dimension_numbers<[1], [0], [0], [1], [0, 0, 1, 1], [], []>, transpose_lhs_hint = false} : vector<1024x128xf32>, vector<128x1xf32>, vector<1024x1xf32> -> vector<1024x1xf32>
    %get3A_36 = arith.constant 0 : index
    %get3A_37 = arith.constant 0 : index
    %get3A_38 = vector.load %arg6[%get3A_36, %get3A_37] : memref<128x1xf32, #tpu.memory_space<vmem>>, vector<128x1xf32>
    %dot_general3A_39 = arith.constant dense<0.000000e+00> : vector<1024x1xf32>
    %dot_general3A_40 = tpu.matmul %dot_general3A_30, %get3A_38, %dot_general3A_39 {dimension_numbers = #tpu.dot_dimension_numbers<[1], [0], [0], [1], [0, 0, 1, 1], [], []>, transpose_lhs_hint = false} : vector<1024x128xf32>, vector<128x1xf32>, vector<1024x1xf32> -> vector<1024x1xf32>
    %add3A_41 = arith.addf %dot_general3A_35, %dot_general3A_40 : vector<1024x1xf32>
    %logistic3A = arith.negf %add3A_41 : vector<1024x1xf32>
    %logistic3A_42 = math.exp %logistic3A : vector<1024x1xf32>
    %logistic3A_43 = arith.constant 1.000000e+00 : f32
    %logistic3A_44 = vector.broadcast %logistic3A_43 : f32 to vector<1024x1xf32>
    %logistic3A_45 = arith.addf %logistic3A_44, %logistic3A_42 : vector<1024x1xf32>
    %logistic3A_46 = arith.divf %logistic3A_44, %logistic3A_45 : vector<1024x1xf32>
    %mul3A = vector.broadcast %logistic3A_46 : vector<1024x1xf32> to vector<1024x128xf32>
    %mul3A_47 = arith.mulf %dot_general3A_22, %mul3A : vector<1024x128xf32>
    %sub3A = arith.constant 1.000000e+00 : f32
    %sub3A_48 = vector.broadcast %sub3A : f32 to vector<1024x1xf32>
    %sub3A_49 = arith.subf %sub3A_48, %logistic3A_46 : vector<1024x1xf32>
    %mul3A_50 = vector.broadcast %sub3A_49 : vector<1024x1xf32> to vector<1024x128xf32>
    %mul3A_51 = arith.mulf %dot_general3A_30, %mul3A_50 : vector<1024x128xf32>
    %add3A_52 = arith.addf %mul3A_47, %mul3A_51 : vector<1024x128xf32>
    %reduce_sum3A = arith.constant dense<0.000000e+00> : vector<1024xf32>
    %reduce_sum3A_53 = vector.multi_reduction <add>, %add3A_52, %reduce_sum3A [1] : vector<1024x128xf32> to vector<1024xf32>
    %broadcast_in_dim3A_54 = vector.shape_cast %reduce_sum3A_53 : vector<1024xf32> to vector<1024x1xf32>
    %div3A_55 = arith.constant 1.280000e+02 : f32
    %div3A_56 = vector.broadcast %div3A_55 : f32 to vector<1024x1xf32>
    %div3A_57 = arith.divf %broadcast_in_dim3A_54, %div3A_56 : vector<1024x1xf32>
    %sub3A_58 = vector.broadcast %div3A_57 : vector<1024x1xf32> to vector<1024x128xf32>
    %sub3A_59 = arith.subf %add3A_52, %sub3A_58 : vector<1024x128xf32>
    %integer_pow3A = arith.mulf %sub3A_59, %sub3A_59 : vector<1024x128xf32>
    %reduce_sum3A_60 = arith.constant dense<0.000000e+00> : vector<1024xf32>
    %reduce_sum3A_61 = vector.multi_reduction <add>, %integer_pow3A, %reduce_sum3A_60 [1] : vector<1024x128xf32> to vector<1024xf32>
    %broadcast_in_dim3A_62 = vector.shape_cast %reduce_sum3A_61 : vector<1024xf32> to vector<1024x1xf32>
    %div3A_63 = arith.constant 1.280000e+02 : f32
    %div3A_64 = vector.broadcast %div3A_63 : f32 to vector<1024x1xf32>
    %div3A_65 = arith.divf %broadcast_in_dim3A_62, %div3A_64 : vector<1024x1xf32>
    %sub3A_66 = vector.broadcast %div3A_57 : vector<1024x1xf32> to vector<1024x128xf32>
    %sub3A_67 = arith.subf %add3A_52, %sub3A_66 : vector<1024x128xf32>
    %add3A_68 = arith.constant 9.99999974E-6 : f32
    %add3A_69 = vector.broadcast %add3A_68 : f32 to vector<1024x1xf32>
    %add3A_70 = arith.addf %div3A_65, %add3A_69 : vector<1024x1xf32>
    %sqrt3A = math.sqrt %add3A_70 : vector<1024x1xf32>
    %div3A_71 = vector.broadcast %sqrt3A : vector<1024x1xf32> to vector<1024x128xf32>
    %div3A_72 = arith.divf %sub3A_67, %div3A_71 : vector<1024x128xf32>
    %get3A_73 = arith.constant 0 : index
    %get3A_74 = arith.constant 0 : index
    %get3A_75 = vector.load %arg8[%get3A_73, %get3A_74] : memref<1x128xf32, #tpu.memory_space<vmem>>, vector<1x128xf32>
    %mul3A_76 = vector.broadcast %get3A_75 : vector<1x128xf32> to vector<1024x128xf32>
    %mul3A_77 = arith.mulf %div3A_72, %mul3A_76 : vector<1024x128xf32>
    %get3A_78 = arith.constant 0 : index
    %get3A_79 = arith.constant 0 : index
    %get3A_80 = vector.load %arg9[%get3A_78, %get3A_79] : memref<1x128xf32, #tpu.memory_space<vmem>>, vector<1x128xf32>
    %add3A_81 = vector.broadcast %get3A_80 : vector<1x128xf32> to vector<1024x128xf32>
    %add3A_82 = arith.addf %mul3A_77, %add3A_81 : vector<1024x128xf32>
    %reduce_sum3A_83 = arith.constant dense<0.000000e+00> : vector<1024xf32>
    %reduce_sum3A_84 = vector.multi_reduction <add>, %add3A_82, %reduce_sum3A_83 [1] : vector<1024x128xf32> to vector<1024xf32>
    %broadcast_in_dim3A_85 = vector.shape_cast %reduce_sum3A_84 : vector<1024xf32> to vector<1024x1xf32>
    %div3A_86 = arith.constant 1.280000e+02 : f32
    %div3A_87 = vector.broadcast %div3A_86 : f32 to vector<1024x1xf32>
    %div3A_88 = arith.divf %broadcast_in_dim3A_85, %div3A_87 : vector<1024x1xf32>
    %sub3A_89 = vector.broadcast %div3A_88 : vector<1024x1xf32> to vector<1024x128xf32>
    %sub3A_90 = arith.subf %add3A_82, %sub3A_89 : vector<1024x128xf32>
    %integer_pow3A_91 = arith.mulf %sub3A_90, %sub3A_90 : vector<1024x128xf32>
    %reduce_sum3A_92 = arith.constant dense<0.000000e+00> : vector<1024xf32>
    %reduce_sum3A_93 = vector.multi_reduction <add>, %integer_pow3A_91, %reduce_sum3A_92 [1] : vector<1024x128xf32> to vector<1024xf32>
    %broadcast_in_dim3A_94 = vector.shape_cast %reduce_sum3A_93 : vector<1024xf32> to vector<1024x1xf32>
    %div3A_95 = arith.constant 1.280000e+02 : f32
    %div3A_96 = vector.broadcast %div3A_95 : f32 to vector<1024x1xf32>
    %div3A_97 = arith.divf %broadcast_in_dim3A_94, %div3A_96 : vector<1024x1xf32>
    %sub3A_98 = vector.broadcast %div3A_88 : vector<1024x1xf32> to vector<1024x128xf32>
    %sub3A_99 = arith.subf %add3A_82, %sub3A_98 : vector<1024x128xf32>
    %add3A_100 = arith.constant 9.99999974E-6 : f32
    %add3A_101 = vector.broadcast %add3A_100 : f32 to vector<1024x1xf32>
    %add3A_102 = arith.addf %div3A_97, %add3A_101 : vector<1024x1xf32>
    %sqrt3A_103 = math.sqrt %add3A_102 : vector<1024x1xf32>
    %div3A_104 = vector.broadcast %sqrt3A_103 : vector<1024x1xf32> to vector<1024x128xf32>
    %div3A_105 = arith.divf %sub3A_99, %div3A_104 : vector<1024x128xf32>
    %get3A_106 = arith.constant 0 : index
    %get3A_107 = arith.constant 0 : index
    %get3A_108 = vector.load %arg10[%get3A_106, %get3A_107] : memref<1x128xf32, #tpu.memory_space<vmem>>, vector<1x128xf32>
    %mul3A_109 = vector.broadcast %get3A_108 : vector<1x128xf32> to vector<1024x128xf32>
    %mul3A_110 = arith.mulf %div3A_105, %mul3A_109 : vector<1024x128xf32>
    %get3A_111 = arith.constant 0 : index
    %get3A_112 = arith.constant 0 : index
    %get3A_113 = vector.load %arg11[%get3A_111, %get3A_112] : memref<1x128xf32, #tpu.memory_space<vmem>>, vector<1x128xf32>
    %add3A_114 = vector.broadcast %get3A_113 : vector<1x128xf32> to vector<1024x128xf32>
    %add3A_115 = arith.addf %mul3A_110, %add3A_114 : vector<1024x128xf32>
    %get3A_116 = arith.constant 0 : index
    %get3A_117 = arith.constant 0 : index
    %get3A_118 = vector.load %arg12[%get3A_116, %get3A_117] : memref<128x128xf32, #tpu.memory_space<vmem>>, vector<128x128xf32>
    %dot_general3A_119 = arith.constant dense<0.000000e+00> : vector<1024x128xf32>
    %dot_general3A_120 = tpu.matmul %add3A_115, %get3A_118, %dot_general3A_119 {dimension_numbers = #tpu.dot_dimension_numbers<[1], [0], [0], [1], [0, 0, 1, 1], [], []>, transpose_lhs_hint = false} : vector<1024x128xf32>, vector<128x128xf32>, vector<1024x128xf32> -> vector<1024x128xf32>
    %max3A_121 = arith.constant 0.000000e+00 : f32
    %max3A_122 = vector.broadcast %max3A_121 : f32 to vector<1024x128xf32>
    %max3A_123 = arith.maximumf %dot_general3A_120, %max3A_122 : vector<1024x128xf32>
    %get3A_124 = arith.constant 0 : index
    %get3A_125 = arith.constant 0 : index
    %get3A_126 = vector.load %arg13[%get3A_124, %get3A_125] : memref<128x128xf32, #tpu.memory_space<vmem>>, vector<128x128xf32>
    %dot_general3A_127 = arith.constant dense<0.000000e+00> : vector<1024x128xf32>
    %dot_general3A_128 = tpu.matmul %max3A_123, %get3A_126, %dot_general3A_127 {dimension_numbers = #tpu.dot_dimension_numbers<[1], [0], [0], [1], [0, 0, 1, 1], [], []>, transpose_lhs_hint = false} : vector<1024x128xf32>, vector<128x128xf32>, vector<1024x128xf32> -> vector<1024x128xf32>
    %add3A_129 = arith.addf %add3A_82, %dot_general3A_128 : vector<1024x128xf32>
    %swap3A = arith.constant 0 : index
    %swap3A_130 = arith.constant 0 : index
    %swap3A_131 = vector.load %arg14[%swap3A, %swap3A_130] : memref<1024x128xf32, #tpu.memory_space<vmem>>, vector<1024x128xf32>
    tpu.vector_store %arg14[%swap3A, %swap3A_130], %add3A_129 {strides = array<i32>} : memref<1024x128xf32, #tpu.memory_space<vmem>>, vector<1024x128xf32>,
    return
  }
  func.func @transform_0(%arg0: i32) -> (i32, i32, i32) {
    %c0_i32 = arith.constant 0 : i32
    %c0_i32_0 = arith.constant 0 : i32
    %c0_i32_1 = arith.constant 0 : i32
    return %c0_i32, %arg0, %c0_i32_0 : i32, i32, i32
  }
  func.func @transform_1(%arg0: i32) -> (i32, i32) {
    %c0_i32 = arith.constant 0 : i32
    %c0_i32_0 = arith.constant 0 : i32
    return %arg0, %c0_i32 : i32, i32
  }
  func.func @transform_2(%arg0: i32) -> (i32, i32) {
    %c0_i32 = arith.constant 0 : i32
    %c0_i32_0 = arith.constant 0 : i32
    %c0_i32_1 = arith.constant 0 : i32
    return %c0_i32, %c0_i32_0 : i32, i32
  }
  func.func @transform_3(%arg0: i32) -> (i32, i32) {
    %c0_i32 = arith.constant 0 : i32
    %c0_i32_0 = arith.constant 0 : i32
    %c0_i32_1 = arith.constant 0 : i32
    return %c0_i32, %c0_i32_0 : i32, i32
  }
  func.func @transform_4(%arg0: i32) -> (i32, i32) {
    %c0_i32 = arith.constant 0 : i32
    %c0_i32_0 = arith.constant 0 : i32
    %c0_i32_1 = arith.constant 0 : i32
    return %c0_i32, %c0_i32_0 : i32, i32
  }
  func.func @transform_5(%arg0: i32) -> (i32, i32) {
    %c0_i32 = arith.constant 0 : i32
    %c0_i32_0 = arith.constant 0 : i32
    %c0_i32_1 = arith.constant 0 : i32
    return %c0_i32, %c0_i32_0 : i32, i32
  }
  func.func @transform_6(%arg0: i32) -> (i32, i32) {
    %c0_i32 = arith.constant 0 : i32
    %c0_i32_0 = arith.constant 0 : i32
    %c0_i32_1 = arith.constant 0 : i32
    return %c0_i32, %c0_i32_0 : i32, i32
  }
  func.func @transform_7(%arg0: i32) -> (i32, i32) {
    %c0_i32 = arith.constant 0 : i32
    %c0_i32_0 = arith.constant 0 : i32
    %c0_i32_1 = arith.constant 0 : i32
    return %c0_i32, %c0_i32_0 : i32, i32
  }
  func.func @transform_8(%arg0: i32) -> (i32, i32) {
    %c0_i32 = arith.constant 0 : i32
    %c0_i32_0 = arith.constant 0 : i32
    %c0_i32_1 = arith.constant 0 : i32
    return %c0_i32, %c0_i32_0 : i32, i32
  }
  func.func @transform_9(%arg0: i32) -> (i32, i32) {
    %c0_i32 = arith.constant 0 : i32
    %c0_i32_0 = arith.constant 0 : i32
    %c0_i32_1 = arith.constant 0 : i32
    return %c0_i32, %c0_i32_0 : i32, i32
  }
  func.func @transform_10(%arg0: i32) -> (i32, i32) {
    %c0_i32 = arith.constant 0 : i32
    %c0_i32_0 = arith.constant 0 : i32
    %c0_i32_1 = arith.constant 0 : i32
    return %c0_i32, %c0_i32_0 : i32, i32
  }
  func.func @transform_11(%arg0: i32) -> (i32, i32) {
    %c0_i32 = arith.constant 0 : i32
    %c0_i32_0 = arith.constant 0 : i32
    %c0_i32_1 = arith.constant 0 : i32
    return %c0_i32, %c0_i32_0 : i32, i32
  }
  func.func @transform_12(%arg0: i32) -> (i32, i32) {
    %c0_i32 = arith.constant 0 : i32
    %c0_i32_0 = arith.constant 0 : i32
    %c0_i32_1 = arith.constant 0 : i32
    return %c0_i32, %c0_i32_0 : i32, i32
  }
  func.func @transform_13(%arg0: i32) -> (i32, i32) {
    %c0_i32 = arith.constant 0 : i32
    %c0_i32_0 = arith.constant 0 : i32
    return %arg0, %c0_i32 : i32, i32
  }
}

</mosaic_0001>

<sc_bundles>
// kernel: kernel.5.cloned.1.call-start
scs
__scs_entry_jumppad:
0x0: {  	(pc) =	sbr.rel $0x88, $3  }
0x1: {  	(tag) =	ssettag $0x0;
	lr =	simm.s32 $0x1  }
0x2: {  	[smem:$0x3F93] =	sst lr;
	_ =	strace $0xD0000000  }
0x3: {  	_ = 	snop  }
0x4: {  	_ = 	snop  }
0x5: {  	_ = 	snop  }
0x6: {  	_ = 	snop  }
0x7: {  	_ = 	snop  }
__scs_overlays_trampoline_lowered:
0x8: {  	[smem:$0x3FA2] =	sst s0  }
0x9: {  	[smem:$0x3FA3] =	sst s1  }
0xa: {  	[smem:$0x3FA4] =	sst s2  }
0xb: {  	[smem:$0x3FA5] =	sst s3  }
0xc: {  	[smem:$0x3FA6] =	sst s4  }
0xd: {  	[smem:$0x3FA7] =	sst s5  }
0xe: {  	[smem:$0x3FA8] =	sst s6  }
0xf: {  	[smem:$0x3FA9] =	sst s7  }
0x10: {  	[smem:$0x3FAA] =	sst s8  }
0x11: {  	[smem:$0x3FAB] =	sst s9;
	s0 =	simm.s32 @!p0 $0x0  }
0x12: {  	s1 =	sld [smem:$0x3F91];
	s0 =	simm.s32 @p0 $0x1  }
0x13: {  	[smem:$0x3FAC] =	sst s0;
	s0 =	simm.s32 @!p1 $0x0  }
0x14: {  	s2 =	sld [smem:$0x3F90];
	s0 =	simm.s32 @p1 $0x1  }
0x15: {  	[smem:$0x3FAD] =	sst s0;
	s0 =	simm.s32 @!p2 $0x0  }
0x16: {  	s3 =	sld [smem:$0x3FDB];
	s0 =	simm.s32 @p2 $0x1  }
0x17: {  	s4 =	simm.s32 $0x1BF5;
	[smem:$0x3FAF] =	sst s0  }
0x18: {  	s0 =	sld [smem:$0x3F92];
	_ =	swait.ge [sflag:s4], $0x0  }
0x19: {  	s7 =	sld [smem:$0x3F93]  }
0x1a: {  	s8 =	sadd.s32 $0xFFFFE003, lr  }
0x1b: {  	s9 =	sadd.s32 $0xFFFFFEF7, lr;
	s5 =	simm.s32 $0xFFFFFFFF;
	p2 =	slt.u32 s8, $0xFFFFF086  }
0x1c: {  	p1 =	slt.u32 s9, $0xF7A;
	s5 =	simm.s32 @!p2 $0x0  }
0x1d: {  	s5 =	simm.s32 @p1 $0x1;
	p0 =	seq.s32 s7, s2  }
0x1e: {  	s7 =	smul.u32 @!p0 $0xF7A, s2;
	p2 =	seq.s32 @!p0 s5, $0x0  }
0x1f: {  	s9 =	smul.u32 $0xF7A, s1;
	s8 =	simm.s32 @!p0 $0x1BF5;
	p2 =	por !p2, p0  }
0x20: {  	[sflag:s8] =	ssyncset.s32 @!p0 $0xFFFFF086;
	s6 =	sadd.s32 @!p0 s3, s7;
	s7 =	simm.s32 @!p0 $0x108  }
0x21: {  	s3 =	sadd.s32 s3, s9;
	s6 =	sadd.s32 @!p0 $0x88, s6;
	s7 =	simm.s32 @p2 $0x1082  }
0x22: {  	[simem:s7], [sflag:s8] =	dma.local @!p0 [hbm:s6], $0xF7A  }
0x23: {  	s9 =	sor.u32 $0xD0000000, s2;
	s6 =	simm.s32 $0x108;
	_ =	swait.ge @!p0 [sflag:s8], $0x0  }
0x24: {  	s3 =	sadd.s32 $0x88, s3;
	s6 =	simm.s32 @!p1 $0x1082;
	[sflag:s4] =	ssyncset.s32 $0xFFFFF086  }
0x25: {  	[simem:s6], [sflag:s4] =	dma.local [hbm:s3], $0xF7A  }
0x26: {  	[smem:$0x3F93] =	sst s1;
	(tag) =	ssettag s2;
	_ =	strace s9  }
0x27: {  	s1 =	sld [smem:$0x3FA3]  }
0x28: {  	s2 =	sld [smem:$0x3FA4]  }
0x29: {  	s4 =	sld [smem:$0x3FA6]  }
0x2a: {  	p0 =	seq.s32 s5, $0x0;
	s5 =	sld [smem:$0x3FA7]  }
0x2b: {  	s6 =	sld [smem:$0x3FA8]  }
0x2c: {  	s7 =	sld [smem:$0x3FA9]  }
0x2d: {  	s3 =	simm.s32 $0x108;
	s8 =	sld [smem:$0x3FAA]  }
0x2e: {  	s3 =	simm.s32 @!p0 $0x1082;
	s9 =	sld [smem:$0x3FAB]  }
0x2f: {  	lr =	sadd.s32 s0, s3;
	s0 =	sld [smem:$0x3FA2]  }
0x30: {  	s3 =	sld [smem:$0x3FA5]  }
0x31: {  	[smem:$0x3FAE] =	sst s10  }
0x32: {  	s10 =	sld [smem:$0x3FAC];
	_ =	sdelay $0x3  }
0x33: {  	p0 =	seq.s32 s10, $0x1;
	s10 =	sld [smem:$0x3FAE];
	_ =	sdelay $0x3  }
0x34: {  	[smem:$0x3FAE] =	sst s10  }
0x35: {  	s10 =	sld [smem:$0x3FAD];
	_ =	sdelay $0x3  }
0x36: {  	p1 =	seq.s32 s10, $0x1;
	s10 =	sld [smem:$0x3FAE];
	_ =	sdelay $0x3  }
0x37: {  	[smem:$0x3FAE] =	sst s10  }
0x38: {  	s10 =	sld [smem:$0x3FAF]  }
0x39: {  	_ = 	snop;
	(pc) =	sbr.ind lr, $3  }
0x3a: {  	_ = 	snop  }
0x3b: {  	_ = 	snop  }
0x3c: {  	p2 =	seq.s32 s10, $0x1;
	s10 =	sld [smem:$0x3FAE]  }
0x3d: {  	_ =	shalt  }
0x3e: {  	_ =	shalt  }
0x3f: {  	_ =	shalt  }
0x40: {  	_ =	shalt  }
0x41: {  	_ =	shalt  }
0x42: {  	_ =	shalt  }
0x43: {  	_ =	shalt  }
0x44: {  	_ =	shalt  }
0x45: {  	_ =	shalt  }
0x46: {  	_ =	shalt  }
0x47: {  	_ =	shalt  }
0x48: {  	_ =	shalt  }
0x49: {  	_ =	shalt  }
0x4a: {  	_ =	shalt  }
0x4b: {  	_ =	shalt  }
0x4c: {  	_ =	shalt  }
0x4d: {  	_ =	shalt  }
0x4e: {  	_ =	shalt  }
0x4f: {  	_ =	shalt  }
0x50: {  	_ =	shalt  }
0x51: {  	_ =	shalt  }
0x52: {  	_ =	shalt  }
0x53: {  	_ =	shalt  }
0x54: {  	_ =	shalt  }
0x55: {  	_ =	shalt  }
0x56: {  	_ =	shalt  }
0x57: {  	_ =	shalt  }
0x58: {  	_ =	shalt  }
0x59: {  	_ =	shalt  }
0x5a: {  	_ =	shalt  }
0x5b: {  	_ =	shalt  }
0x5c: {  	_ =	shalt  }
0x5d: {  	_ =	shalt  }
0x5e: {  	_ =	shalt  }
0x5f: {  	_ =	shalt  }
0x60: {  	_ =	shalt  }
0x61: {  	_ =	shalt  }
0x62: {  	_ =	shalt  }
0x63: {  	_ =	shalt  }
0x64: {  	_ =	shalt  }
0x65: {  	_ =	shalt  }
0x66: {  	_ =	shalt  }
0x67: {  	_ =	shalt  }
0x68: {  	_ =	shalt  }
0x69: {  	_ =	shalt  }
0x6a: {  	_ =	shalt  }
0x6b: {  	_ =	shalt  }
0x6c: {  	_ =	shalt  }
0x6d: {  	_ =	shalt  }
0x6e: {  	_ =	shalt  }
0x6f: {  	_ =	shalt  }
0x70: {  	_ =	shalt  }
0x71: {  	_ =	shalt  }
0x72: {  	_ =	shalt  }
0x73: {  	_ =	shalt  }
0x74: {  	_ =	shalt  }
0x75: {  	_ =	shalt  }
0x76: {  	_ =	shalt  }
0x77: {  	_ =	shalt  }
0x78: {  	_ =	shalt  }
0x79: {  	_ =	shalt  }
0x7a: {  	_ =	shalt  }
0x7b: {  	_ =	shalt  }
0x7c: {  	_ =	shalt  }
0x7d: {  	_ =	shalt  }
0x7e: {  	_ =	shalt  }
0x7f: {  	_ =	shalt  }
0x80: {  	_ =	shalt  }
0x81: {  	_ =	shalt  }
0x82: {  	_ =	shalt  }
0x83: {  	_ =	shalt  }
0x84: {  	_ =	shalt  }
0x85: {  	_ =	shalt  }
0x86: {  	_ =	shalt  }
0x87: {  	_ =	shalt  }
.Lfunc_end0:
.L_simem_size_0:
called_computation_lowered:
.L_overlay_start_0:
0x88: {  	s2 =	sld [smem:$0x3FD9]  }
0x89: {  	s3 =	sld [smem:$0x3FFE];
	_ =	sdelay $0x1  }
0x8a: {  	s1 =	srdreg.scid  }
0x8b: {  	s0 =	sand.u32 $0x1, s1  }
0x8c: {  	s17 =	sshll.u32 s0, $0xA;
	s2 =	sadd.s32 s3, s2  }
0x8d: {  	s2 =	sadd.s32 s2, s17  }
0x8e: {  	[smem:$0x3FBA] =	sst s2  }
0x8f: {  	_ = 	snop  }
0x90: {  	s2 =	sld [smem:$0x3FD0];
	(tm) =	ssettm $0x1  }
0x91: {  	s18 =	sld [smem:$0x3FFB];
	_ =	sdelay $0x3  }
0x92: {  	_ =	strace s18  }
0x93: {  	s3 =	sld [smem:$0x3FFC];
	_ =	sdelay $0x3  }
0x94: {  	_ =	strace s3  }
0x95: {  	s3 =	sld [smem:$0x3FFD];
	_ =	sdelay $0x3  }
0x96: {  	_ =	strace s3  }
0x97: {  	_ =	strace $0x8FFFFFFF  }
0x98: {  	s19 =	sld [smem:$0x3FDB];
	_ =	sdelay $0x1  }
0x99: {  	s4 =	simm.s32 $_scs_section_size  }
0x9a: {  	s5 =	simm.s32 $_size__tile_overlayer_lowered;
	s6 =	simm.s32 $_tile_overlayer_lowered  }
0x9b: {  	s22 =	simm.s32 $0x1BFF;
	s21 =	sshll.u32 s6, $0x1;
	s3 =	sadd.s32 s4, s19  }
0x9c: {  	s7 =	simm.s32 $0x0;
	s20 =	sshll.u32 s5, $0x1;
	s5 =	sadd.s32 s21, s3  }
0x9d: {  	[timem:s7], [sflag:s22] =	dma.local [hbm:s5], s20  }
0x9e: {  	_ =	swait.ge [sflag:s22], s20  }
0x9f: {  	s4 =	ssub.s32 $0x0, s20;
	[sflag:s22] =	ssyncset.done $0x0  }
0xa0: {  	[sflag:s22] =	ssyncadd.s32 s4;
	_ =	sdelay $0x1  }
0xa1: {  	s23 =	simm.s32 $0x1B8B  }
0xa2: {  	_ =	swait.ge [sflag:s23], $0x1  }
0xa3: {  	[sflag:s23] =	ssyncset.done $0x0  }
0xa4: {  	s25 =	simm.s32 $0x1B8E;
	s24 =	sld [smem:$0x3FFE];
	[sflag:s23] =	ssyncadd.s32 $0xFFFFFFFF  }
0xa5: {  	s26 =	simm.s32 $execute0_lowered;
	[smem:$0x3FD2] =	sst s25  }
0xa6: {  	s5 =	sshll.u32 s26, $0x1;
	_ =	strace $0x80000046;
	[dreg:$0x1] =	wrdreg $0xFFFFFFFF  }
0xa7: {  	s28 =	simm.s32 $_size_execute0_lowered;
	s3 =	sadd.s32 s3, s5;
	[dreg:$0x0] =	wrdreg $0x0  }
0xa8: {  	s5 =	sshll.u32 s28, $0x1;
	[dreg:$0x2] =	wrdreg s3  }
0xa9: {  	[dreg:$0x3] =	wrdreg s5  }
0xaa: {  	[dreg:$0x4] =	wrdreg $0xC0  }
0xab: {  	_ =	task [dreg:s7], $0x5FFFF  }
0xac: {  	[dreg:$0x1] =	wrdreg $0xFFFFFFFF  }
0xad: {  	[dreg:$0x0] =	wrdreg $0x60  }
0xae: {  	[dreg:$0x2] =	wrdreg s24  }
0xaf: {  	[dreg:$0x3] =	wrdreg s2  }
0xb0: {  	[dreg:$0x4] =	wrdreg $0x0  }
0xb1: {  	[dreg:$0x5] =	wrdreg $0x9  }
0xb2: {  	_ =	task.clear_ibuf [dreg:s7], $0x6FFFF;
	_ =	strace $0x90000046  }
0xb3: {  	s29 =	simm.s32 $0x9;
	_ =	strace $0x80000048  }
0xb4: {  	_ =	swait.ge [sflag:s29], $0x1  }
0xb5: {  	[sflag:s29] =	ssyncadd.s32 $0xFFFFFFFF  }
0xb6: {  	_ =	strace $0x90000048  }
0xb7: {  	_ =	sfence  }
0xb8: {  	s30 =	sld [smem:$0x0];
	_ =	sdelay $0x2  }
0xb9: {  	s31 =	sshll.u32 s1, $0xD;
	s1 =	sshrl.u32 s1, $0x2  }
0xba: {  	s3 =	sand.u32 $0x4000, s31;
	s1 =	sadd.s32 s1, s30  }
0xbb: {  	s0 =	sor.u32 s3, s0;
	s1 =	sshll.u32 s1, $0x11  }
0xbc: {  	s0 =	sor.u32 s1, s0  }
0xbd: {  	s0 =	sadd.s32 $0x8F2B, s0  }
0xbe: {  	[sflag:s0] =	ssyncadd.remote.s32 $0x1  }
0xbf: {  	_ =	sfence.sel $0xFFFF  }
0xc0: {  	[dreg:$0x0] =	wrdreg $0xFFFFFFFF;
	(pc) =	sbr.abs _section_cstart, $3  }
0xc1: {  	[dreg:$0x1] =	wrdreg $0xFFFFFFFF  }
0xc2: {  	_ =	task.clear_ibuf [dreg:s7], $0x2FFFF;
	_ =	strace $0x9FFFFFFF  }
0xc3: {  	(tm) =	ssettm $0x7FFFFFFF  }
tec
execute0_lowered:
.L_overlay_start_1:
0x0: {  	(tag) =	ssettag $0x1  }
0x1: {  	s0 =	srdreg.scid  }
0x2: {  	s2 =	rddreg [dreg:$0x0];
	s10 =	stileid.u32  }
0x3: {  	s1 =	simm.s32 $0x0;
	s4 =	sand.u32 $0x1, s0;
	s3 =	smul.u32 $0x16800, s10  }
0x4: {  	[smem:$0x7FF] =	sst s1;
	s15 =	sadd.s32 $0xCE800, s2;
	s0 =	ssub.s32 $0x2, s4  }
0x5: {  	s16 =	smul.u32 $0x168000, s4;
	s4 =	sshll.u32 s4, $0x4;
	s5 =	sshrl.u32 s0, $0x1  }
0x6: {  	s6 =	sadd.s32 $0x2D00, s3;
	s7 =	sadd.s32 $0x4380, s3;
	s8 =	sadd.s32 $0x5A00, s3  }
0x7: {  	s9 =	sadd.s32 $0x7080, s3;
	s31 =	sadd.s32 $0x8700, s3;
	s30 =	sadd.s32 $0x9D80, s3  }
0x8: {  	s26 =	sadd.s32 $0xB400, s3;
	s13 =	sadd.s32 $0xCA80, s3;
	s28 =	sadd.s32 $0x15180, s3  }
0x9: {  	s0 =	ssub.s32 s0, s5;
	s5 =	sadd.s32 $0x1680, s3;
	s14 =	sadd.s32 s3, s16  }
0xa: {  	s11 =	sadd.s32 s16, s6;
	s12 =	sadd.s32 s16, s7;
	s19 =	sadd.s32 s16, s8  }
0xb: {  	s21 =	sadd.s32 s16, s9;
	s22 =	sadd.s32 s16, s31;
	s23 =	sadd.s32 s16, s30  }
0xc: {  	[smem:$0x7F4] =	sst s0;
	s17 =	sshrl.u32 s14, $0x3;
	s18 =	sadd.s32 s16, s5  }
0xd: {  	s14 =	sadd.s32 $0xE100, s3;
	s20 =	sshrl.u32 s19, $0x3;
	s25 =	sshrl.u32 s23, $0x3  }
0xe: {  	s19 =	sadd.s32 $0xF780, s3;
	s17 =	sadd.s32 s15, s17;
	s0 =	sshrl.u32 s18, $0x3  }
0xf: {  	s18 =	sshrl.u32 s12, $0x3;
	[dreg:$0x4] =	wrdreg s17;
	s17 =	sadd.s32 s15, s0  }
0x10: {  	s12 =	sadd.s32 s16, s14;
	s18 =	sadd.s32 s15, s18;
	[dreg:$0x5] =	wrdreg s17  }
0x11: {  	s0 =	sadd.s32 s16, s26;
	s17 =	sshrl.u32 s11, $0x3;
	[dreg:$0x7] =	wrdreg s18  }
0x12: {  	s18 =	sshrl.u32 s22, $0x3;
	s11 =	sadd.s32 s16, s13;
	s17 =	sadd.s32 s15, s17  }
0x13: {  	s24 =	sadd.s32 s15, s18;
	s18 =	sshrl.u32 s11, $0x3;
	[dreg:$0x6] =	wrdreg s17  }
0x14: {  	s17 =	sadd.s32 s15, s20;
	[dreg:$0xa] =	wrdreg s24;
	s18 =	sadd.s32 s15, s18  }
0x15: {  	s20 =	sshrl.u32 s12, $0x3;
	[dreg:$0x8] =	wrdreg s17;
	s17 =	sshrl.u32 s21, $0x3  }
0x16: {  	s12 =	sadd.s32 $0x13B00, s3;
	[dreg:$0xd] =	wrdreg s18;
	s17 =	sadd.s32 s15, s17  }
0x17: {  	s21 =	sadd.s32 s16, s19;
	[dreg:$0x9] =	wrdreg s17;
	s17 =	sadd.s32 s15, s25  }
0x18: {  	[dreg:$0xb] =	wrdreg s17;
	s17 =	sshrl.u32 s0, $0x3;
	s0 =	sadd.s32 s16, s12  }
0x19: {  	s17 =	sadd.s32 s15, s17;
	s11 =	sshrl.u32 s0, $0x3;
	s0 =	rddreg [dreg:$0x2]  }
0x1a: {  	[dreg:$0xc] =	wrdreg s17;
	s17 =	sadd.s32 s15, s20;
	s20 =	sadd.s32 $0x10E00, s3  }
0x1b: {  	s25 =	sadd.s32 $0x12480, s3;
	[dreg:$0xe] =	wrdreg s17;
	s22 =	sadd.s32 s16, s20  }
0x1c: {  	s17 =	sshrl.u32 s21, $0x3;
	s21 =	sadd.s32 s16, s25;
	s16 =	sadd.s32 s16, s28  }
0x1d: {  	s18 =	sshrl.u32 s22, $0x3;
	s17 =	sadd.s32 s15, s17;
	s24 =	sshrl.u32 s21, $0x3  }
0x1e: {  	s16 =	sshrl.u32 s16, $0x3;
	s21 =	sadd.s32 s15, s11;
	[dreg:$0xf] =	wrdreg s17  }
0x1f: {  	s22 =	sadd.s32 $0x79800, s2;
	s23 =	sadd.s32 s15, s18;
	[dreg:$0x12] =	wrdreg s21  }
0x20: {  	s17 =	sadd.s32 s15, s24;
	s15 =	sadd.s32 s15, s16;
	[dreg:$0x10] =	wrdreg s23  }
0x21: {  	s21 =	sadd.s32 $0x51800, s2;
	s24 =	sadd.s32 $0x1800, s2;
	[dreg:$0x11] =	wrdreg s17  }
0x22: {  	s18 =	sadd.s32 s7, s0;
	[dreg:$0x13] =	wrdreg s15;
	s23 =	sadd.s32 $0xA1800, s2  }
0x23: {  	s2 =	sadd.s32 $0xB600, s2;
	s15 =	sor.u32 s10, s4;
	s10 =	sadd.s32 s9, s0  }
0x24: {  	s9 =	smov.u32 s18;
	_ =	strace $0x80000047;
	[dreg:$0x14] =	wrdreg s2  }
0x25: {  	s11 =	sadd.s32 s8, s0;
	s16 =	sadd.s32 s5, s0;
	[dreg:$0x16] =	wrdreg s9  }
0x26: {  	s7 =	smov.u32 s16;
	[dreg:$0x17] =	wrdreg s11  }
0x27: {  	s3 =	sadd.s32 s3, s0;
	[dreg:$0x18] =	wrdreg s7  }
0x28: {  	s17 =	sadd.s32 s6, s0;
	s6 =	smov.u32 s3;
	[dreg:$0x19] =	wrdreg s10  }
0x29: {  	s3 =	sadd.s32 s31, s0;
	[dreg:$0x1a] =	wrdreg s6  }
0x2a: {  	s4 =	sadd.s32 s26, s0;
	[dreg:$0x1b] =	wrdreg s3  }
0x2b: {  	s18 =	sadd.s32 s14, s0;
	[dreg:$0x1d] =	wrdreg s4  }
0x2c: {  	s14 =	sadd.s32 s19, s0;
	[smem:$0x7F8] =	sst s18  }
0x2d: {  	s26 =	sadd.s32 s20, s0;
	[smem:$0x7F9] =	sst s14  }
0x2e: {  	s29 =	sadd.s32 s25, s0;
	[smem:$0x7FA] =	sst s26  }
0x2f: {  	s25 =	sadd.s32 s28, s0;
	[smem:$0x7FB] =	sst s29  }
0x30: {  	[smem:$0x7FD] =	sst s25  }
0x31: {  	s16 =	rddreg [dreg:$0x1]  }
0x32: {  	s8 =	smov.u32 s17;
	s19 =	sld [smem:$0x7F4]  }
0x33: {  	s17 =	sadd.s32 s30, s0;
	[dreg:$0x15] =	wrdreg s8  }
0x34: {  	s5 =	smul.u32 $0x2710, s15;
	s15 =	sadd.s32 s13, s0;
	[dreg:$0x1c] =	wrdreg s17  }
0x35: {  	s28 =	simm.s32 $0x5;
	s30 =	sadd.s32 s12, s0;
	[dreg:$0x1f] =	wrdreg s15  }
0x36: {  	vm0 =	vmmov $0x1;
	s31 =	simm.s32 $0x1;
	s12 =	simm.s32 $0x1A928;
	[smem:$0x7FC] =	sst s30  }
0x37: {  	vm1 =	vcmask $0x320;
	vm2 =	vcmask $0x720;
	vm3 =	vcmask $0xB20;
	s2 =	sshrl.u32 s5, $0x3;
	[dreg:$0x1e] =	wrdreg s5;
	s20 =	sadd.s32 $0x28, s5  }
0x38: {  	vm4 =	vcmask $0xF20;
	vm5 =	vcmask $0x1320;
	vm6 =	vcmask $0x1720;
	s5 =	simm.s32 $0x0;
	s13 =	sadd.s32 s24, s2;
	[smem:$0x7F6] =	sst s20  }
0x39: {  	vm7 =	vcmask $0x1B20;
	v0 =	vimm.f32 $0.0e+00;
	vm8 =	vcmask $0x1F00;
	s0 =	sadd.s32 s16, s2;
	s20 =	simm.s32 $0x6;
	[smem:$0x7F7] =	sst s5  }
0x3a: {  	v1 =	vimm.s32 $0x0;
	v2 =	vimm.s32 $0x1;
	v3 =	vimm.s32 $0x2;
	s16 =	simm.s32 $0x2;
	s2 =	simm.s32 $0x3;
	[smem:$0x7F2] =	sst s13  }
0x3b: {  	v4 =	vimm.s32 $0x3;
	v5 =	vimm.s32 $0x4;
	v6 =	vimm.s32 $0x5;
	[smem:$0x7F3] =	sst s0;
	s0 =	smax.u32 s19, $0x1;
	s19 =	simm.s32 $0x19000  }
0x3c: {  	v7 =	vimm.s32 $0x6;
	v8 =	vimm.s32 $0x7;
	v0 =	vsel vm8, $0x3F800000, v0;
	s13 =	simm.s32 $0x28;
	[smem:$0x7F5] =	sst s0;
	s0 =	simm.s32 $0x4  }
.LBB2_1:
0x3d: {  	s5 =	rddreg [dreg:$0x14]  }
0x3e: {  	[tilespmem:s19], [sflag:$0x6] =	stream.linear.gather [hbm4b:s5+s1], $0x1680, $0x38;
	[tilespmem:$0x1A9A0] =	vst v63  }
0x3f: {  	_ =	swait.ge [sflag:s20], $0x1680  }
0x40: {  	[sflag:s20] =	ssyncset.done $0x0  }
0x41: {  	[sflag:s20] =	ssyncadd.s32 $0xFFFFE980  }
0x42: {  	[spmem:s6] =	stream.linear.scatter [tilespmem:s19], [sflag:$0x6], $0x1680, $0x38;
	[tilespmem:$0x1A9A0] =	vst v63  }
0x43: {  	_ =	swait.ge [sflag:s20], $0x1680  }
0x44: {  	[sflag:s20] =	ssyncset.done $0x0  }
0x45: {  	[sflag:s20] =	ssyncadd.s32 $0xFFFFE980  }
0x46: {  	[spmem:s7] =	stream.linear.scatter [tilespmem:s19], [sflag:$0x6], $0x1680, $0x38;
	[tilespmem:$0x1A9A0] =	vst v63  }
0x47: {  	_ =	swait.ge [sflag:s20], $0x1680  }
0x48: {  	[sflag:s20] =	ssyncset.done $0x0  }
0x49: {  	[sflag:s20] =	ssyncadd.s32 $0xFFFFE980  }
0x4a: {  	[spmem:s8] =	stream.linear.scatter [tilespmem:s19], [sflag:$0x6], $0x1680, $0x38;
	[tilespmem:$0x1A9A0] =	vst v63  }
0x4b: {  	_ =	swait.ge [sflag:s20], $0x1680  }
0x4c: {  	[sflag:s20] =	ssyncset.done $0x0  }
0x4d: {  	[sflag:s20] =	ssyncadd.s32 $0xFFFFE980  }
0x4e: {  	[spmem:s9] =	stream.linear.scatter [tilespmem:s19], [sflag:$0x6], $0x1680, $0x38;
	[tilespmem:$0x1A9A0] =	vst v63  }
0x4f: {  	_ =	swait.ge [sflag:s20], $0x1680  }
0x50: {  	[sflag:s20] =	ssyncset.done $0x0  }
0x51: {  	[sflag:s20] =	ssyncadd.s32 $0xFFFFE980  }
0x52: {  	[spmem:s11] =	stream.linear.scatter [tilespmem:s19], [sflag:$0x6], $0x1680, $0x38;
	[tilespmem:$0x1A9A0] =	vst v63  }
0x53: {  	_ =	swait.ge [sflag:s20], $0x1680  }
0x54: {  	[sflag:s20] =	ssyncset.done $0x0  }
0x55: {  	[sflag:s20] =	ssyncadd.s32 $0xFFFFE980  }
0x56: {  	[spmem:s10] =	stream.linear.scatter [tilespmem:s19], [sflag:$0x6], $0x1680, $0x38;
	[tilespmem:$0x1A9A0] =	vst v63  }
0x57: {  	_ =	swait.ge [sflag:s20], $0x1680  }
0x58: {  	[sflag:s20] =	ssyncset.done $0x0  }
0x59: {  	[sflag:s20] =	ssyncadd.s32 $0xFFFFE980  }
0x5a: {  	[spmem:s3] =	stream.linear.scatter [tilespmem:s19], [sflag:$0x6], $0x1680, $0x38;
	[tilespmem:$0x1A9A0] =	vst v63  }
0x5b: {  	_ =	swait.ge [sflag:s20], $0x1680  }
0x5c: {  	[sflag:s20] =	ssyncset.done $0x0  }
0x5d: {  	[sflag:s20] =	ssyncadd.s32 $0xFFFFE980  }
0x5e: {  	[spmem:s17] =	stream.linear.scatter [tilespmem:s19], [sflag:$0x6], $0x1680, $0x38;
	[tilespmem:$0x1A9A0] =	vst v63  }
0x5f: {  	_ =	swait.ge [sflag:s20], $0x1680  }
0x60: {  	[sflag:s20] =	ssyncset.done $0x0  }
0x61: {  	[sflag:s20] =	ssyncadd.s32 $0xFFFFE980  }
0x62: {  	[spmem:s4] =	stream.linear.scatter [tilespmem:s19], [sflag:$0x6], $0x1680, $0x38;
	[tilespmem:$0x1A9A0] =	vst v63  }
0x63: {  	_ =	swait.ge [sflag:s20], $0x1680  }
0x64: {  	[sflag:s20] =	ssyncset.done $0x0  }
0x65: {  	[sflag:s20] =	ssyncadd.s32 $0xFFFFE980  }
0x66: {  	[spmem:s15] =	stream.linear.scatter [tilespmem:s19], [sflag:$0x6], $0x1680, $0x38;
	[tilespmem:$0x1A9A0] =	vst v63  }
0x67: {  	_ =	swait.ge [sflag:s20], $0x1680  }
0x68: {  	[sflag:s20] =	ssyncset.done $0x0  }
0x69: {  	[sflag:s20] =	ssyncadd.s32 $0xFFFFE980  }
0x6a: {  	[spmem:s18] =	stream.linear.scatter [tilespmem:s19], [sflag:$0x6], $0x1680, $0x38;
	[tilespmem:$0x1A9A0] =	vst v63  }
0x6b: {  	_ =	swait.ge [sflag:s20], $0x1680  }
0x6c: {  	[sflag:s20] =	ssyncset.done $0x0  }
0x6d: {  	[sflag:s20] =	ssyncadd.s32 $0xFFFFE980  }
0x6e: {  	[spmem:s14] =	stream.linear.scatter [tilespmem:s19], [sflag:$0x6], $0x1680, $0x38;
	[tilespmem:$0x1A9A0] =	vst v63  }
0x6f: {  	_ =	swait.ge [sflag:s20], $0x1680  }
0x70: {  	[sflag:s20] =	ssyncset.done $0x0  }
0x71: {  	[sflag:s20] =	ssyncadd.s32 $0xFFFFE980  }
0x72: {  	[spmem:s26] =	stream.linear.scatter [tilespmem:s19], [sflag:$0x6], $0x1680, $0x38;
	[tilespmem:$0x1A9A0] =	vst v63  }
0x73: {  	_ =	swait.ge [sflag:s20], $0x1680  }
0x74: {  	[sflag:s20] =	ssyncset.done $0x0  }
0x75: {  	[sflag:s20] =	ssyncadd.s32 $0xFFFFE980  }
0x76: {  	[spmem:s29] =	stream.linear.scatter [tilespmem:s19], [sflag:$0x6], $0x1680, $0x38;
	[tilespmem:$0x1A9A0] =	vst v63  }
0x77: {  	_ =	swait.ge [sflag:s20], $0x1680  }
0x78: {  	[sflag:s20] =	ssyncset.done $0x0  }
0x79: {  	[sflag:s20] =	ssyncadd.s32 $0xFFFFE980  }
0x7a: {  	[spmem:s30] =	stream.linear.scatter [tilespmem:s19], [sflag:$0x6], $0x1680, $0x38;
	[tilespmem:$0x1A9A0] =	vst v63  }
0x7b: {  	_ =	swait.ge [sflag:s20], $0x1680  }
0x7c: {  	[sflag:s20] =	ssyncset.done $0x0  }
0x7d: {  	[sflag:s20] =	ssyncadd.s32 $0xFFFFE980  }
0x7e: {  	[spmem:s25] =	stream.linear.scatter [tilespmem:s19], [sflag:$0x6], $0x1680, $0x38;
	[tilespmem:$0x1A9A0] =	vst v63  }
0x7f: {  	_ =	swait.ge [sflag:s20], $0x1680  }
0x80: {  	[sflag:s20] =	ssyncset.done $0x0  }
0x81: {  	[sflag:s20] =	ssyncadd.s32 $0xFFFFE980  }
0x82: {  	[bflag:$0x0] =	sbarrier.arrive $0xFFFF  }
0x83: {  	s29 =	sld [smem:$0x7F2];
	_ =	sdelay $0x1  }
0x84: {  	s14 =	simm.s32 $0x1A900  }
0x85: {  	[tilespmem:s14], [sflag:$0x6] =	stream.linear.gather [hbm4b:s29+s1], $0x28, $0x38;
	[tilespmem:$0x1A9A0] =	vst v63  }
0x86: {  	_ =	swait.ge [sflag:s20], $0x28  }
0x87: {  	s30 =	sld [smem:$0x7F3]  }
0x88: {  	[sflag:s20] =	ssyncset.done $0x0  }
0x89: {  	[sflag:s20] =	ssyncadd.s32 $0xFFFFFFD8  }
0x8a: {  	[tilespmem:s12], [sflag:$0x6] =	stream.linear.gather [hbm4b:s30+s1], $0x28, $0x38;
	[tilespmem:$0x1A9A0] =	vst v63  }
0x8b: {  	_ =	swait.ge [sflag:s20], $0x28  }
0x8c: {  	[sflag:s20] =	ssyncset.done $0x0  }
0x8d: {  	s4 =	rddreg [dreg:$0x1e];
	[sflag:s20] =	ssyncadd.s32 $0xFFFFFFD8  }
0x8e: {  	s5 =	simm.s32 $0x0;
	s10 =	rddreg [dreg:$0x2]  }
0x8f: {  	[spmem:s10] =	stream.indirect.scatter.add.f32 [tilespmem:s19], [sflag:$0x5], $0x90, s12, s13, $0xb8;
	[tilespmem:$0x1A9A0] =	vst v63  }
0x90: {  	s17 =	simm.s32 $0x17C00;
	s15 =	simm.s32 $0x16800;
	s11 =	sld [smem:$0x7F6]  }
0x91: {  	[tilespmem:s15], [sflag:$0x1] =	stream.indirect.gather [hbm4b:s21+s13], $0x80, s14, s13, $0xb8;
	[tilespmem:$0x1A9A0] =	vst v63  }
0x92: {  	s18 =	simm.s32 $0x1A950;
	s25 =	simm.s32 $0x1A978;
	s3 =	rddreg [dreg:$0x1]  }
0x93: {  	[tilespmem:s17], [sflag:$0x2] =	stream.indirect.gather [hbm4b:s22+s13], $0x80, s12, s13, $0xb8;
	[tilespmem:$0x1A9A0] =	vst v63  }
.LBB2_2:
0x94: {  	s6 =	smul.u32 $0x50, s5;
	_ =	sdelay $0x1  }
0x95: {  	_ =	swait.ge [sflag:s28], $0x1680;
	s6 =	sadd.s32 s6, s11  }
0x96: {  	[sflag:s28] =	ssyncset.done $0x0;
	s6 =	sshrl.u32 s6, $0x3  }
0x97: {  	[sflag:s28] =	ssyncadd.s32 $0xFFFFE980;
	s7 =	sadd.s32 s24, s6  }
0x98: {  	[tilespmem:s18], [sflag:$0x4] =	stream.linear.gather [hbm4b:s7+s1], $0x28, $0x38;
	[tilespmem:$0x1A9A0] =	vst v63  }
0x99: {  	s6 =	sadd.s32 s3, s6  }
0x9a: {  	[tilespmem:s25], [sflag:$0x4] =	stream.linear.gather [hbm4b:s6+s1], $0x28, $0x38;
	[tilespmem:$0x1A9A0] =	vst v63  }
0x9b: {  	_ = 	snop  }
0x9c: {  	[tilespmem:s19], [sflag:$0x3] =	stream.indirect.gather [hbm4b:s23+s13], $0x90, s14, s13, $0xb8;
	[tilespmem:$0x1A9A0] =	vst v63  }
0x9d: {  	_ =	swait.ge [sflag:s31], $0x1400  }
0x9e: {  	[sflag:s31] =	ssyncset.done $0x0  }
0x9f: {  	[sflag:s31] =	ssyncadd.s32 $0xFFFFEC00  }
0xa0: {  	_ =	swait.ge [sflag:s16], $0x1400  }
0xa1: {  	[sflag:s16] =	ssyncset.done $0x0  }
0xa2: {  	s30 =	simm.s32 $0x16900;
	[sflag:s16] =	ssyncadd.s32 $0xFFFFEC00  }
0xa3: {  	s6 =	simm.s32 $0x17D00;
	v9 =	vld [tilespmem:s30+$0xF0]  }
0xa4: {  	v10 =	vld [tilespmem:s6+$0xF0]  }
0xa5: {  	v11 =	vld [tilespmem:s6+$0xFFFFFF00]  }
0xa6: {  	v12 =	vld [tilespmem:s30+$0xD0]  }
0xa7: {  	v13 =	vld [tilespmem:s6+$0xD0]  }
0xa8: {  	v14 =	vld [tilespmem:s30+$0xFFFFFF80]  }
0xa9: {  	v15 =	vld [tilespmem:s30+$0xC0]  }
0xaa: {  	v16 =	vld [tilespmem:s6+$0xC0]  }
0xab: {  	v17 =	vld [tilespmem:s6+$0xFFFFFF80]  }
0xac: {  	v18 =	vld [tilespmem:s30+$0xA0]  }
0xad: {  	v19 =	vld [tilespmem:s6+$0xA0]  }
0xae: {  	v20 =	vld [tilespmem:s30+$0x0]  }
0xaf: {  	v21 =	vld [tilespmem:s30+$0x90]  }
0xb0: {  	v22 =	vld [tilespmem:s6+$0x90]  }
0xb1: {  	v23 =	vld [tilespmem:s6+$0x0]  }
0xb2: {  	v24 =	vld [tilespmem:s30+$0x80]  }
0xb3: {  	v25 =	vld [tilespmem:s6+$0x80]  }
0xb4: {  	v26 =	vld [tilespmem:s30+$0xFFFFFF00]  }
0xb5: {  	v27 =	vld [tilespmem:s30+$0xB0]  }
0xb6: {  	v28 =	vld [tilespmem:s6+$0xB0]  }
0xb7: {  	v57 =	vld [tilespmem:s6+$0xFFFFFF10]  }
0xb8: {  	v58 =	vld [tilespmem:s30+$0xFFFFFF90];
	v9 =	vmul.f32 v10, v9  }
0xb9: {  	v59 =	vld [tilespmem:s6+$0xFFFFFF90];
	v12 =	vmul.f32 v13, v12  }
0xba: {  	v61 =	vld [tilespmem:s30+$0xFFFFFF20];
	(xrf2) =	vadd.scan.msk.f32 $0xffff, v9;
	v9 =	vmul.f32 v16, v15  }
0xbb: {  	v62 =	vld [tilespmem:s6+$0xFFFFFF20];
	(xrf2) =	vadd.scan.msk.f32 $0xffff, v12;
	v12 =	vmul.f32 v19, v18  }
0xbc: {  	v63 =	vld [tilespmem:s30+$0xFFFFFFA0];
	(xrf2) =	vadd.scan.msk.f32 $0xffff, v9;
	v9 =	vmul.f32 v22, v21  }
0xbd: {  	v13 =	vld [tilespmem:s30+$0xE0];
	(xrf2) =	vadd.scan.msk.f32 $0xffff, v12;
	v12 =	vmul.f32 v25, v24  }
0xbe: {  	v15 =	vld [tilespmem:s6+$0xE0];
	(xrf2) =	vadd.scan.msk.f32 $0xffff, v9  }
0xbf: {  	v45 =	vld [tilespmem:s30+$0x20];
	(xrf2) =	vadd.scan.msk.f32 $0xffff, v12  }
0xc0: {  	v30 =	vld [tilespmem:s30+$0xFFFFFF30];
	v60 =	vmul.f32 v28, v27  }
0xc1: {  	v32 =	vld [tilespmem:s6+$0xFFFFFF30]  }
0xc2: {  	v34 =	vld [tilespmem:s30+$0xFFFFFFB0];
	(xrf2) =	vadd.scan.msk.f32 $0xffff, v60  }
0xc3: {  	v36 =	vld [tilespmem:s6+$0xFFFFFFB0];
	v13 =	vmul.f32 v15, v13  }
0xc4: {  	v37 =	vld [tilespmem:s30+$0x30];
	v44, _, _ =	vpop (xrf2)  }
0xc5: {  	v38 =	vld [tilespmem:s6+$0x30];
	(xrf2) =	vadd.scan.msk.f32 $0xffff, v13;
	v46, _, _ =	vpop (xrf2)  }
0xc6: {  	v40 =	vld [tilespmem:s30+$0xFFFFFF40];
	v29, _, _ =	vpop (xrf2)  }
0xc7: {  	v49 =	vld [tilespmem:s6+$0xFFFFFF40];
	v31, _, _ =	vpop (xrf2)  }
0xc8: {  	v10 =	vld [tilespmem:s30+$0xFFFFFF10];
	v33, _, _ =	vpop (xrf2)  }
0xc9: {  	v9 =	vld [tilespmem:s30+$0x10];
	v35, _, _ =	vpop (xrf2)  }
0xca: {  	v11 =	vmul.f32 v11, v26;
	v12 =	vld [tilespmem:s6+$0x10];
	v35 =	vbroadcast v35, $0xF  }
0xcb: {  	v52 =	vld [tilespmem:s30+$0xFFFFFFC0];
	v14 =	vmul.f32 v17, v14;
	v33 =	vbroadcast v33, $0xF  }
0xcc: {  	v55 =	vld [tilespmem:s6+$0xFFFFFFC0];
	v20 =	vmul.f32 v23, v20;
	(xrf2) =	vadd.scan.msk.f32 $0xffff, v11;
	v31 =	vbroadcast v31, $0xF;
	v39, _, _ =	vpop (xrf2);
	v35 =	vnsel vm0, $0x0, v35  }
0xcd: {  	v10 =	vmul.f32 v57, v10;
	v15 =	vld [tilespmem:s6+$0xFFFFFFA0];
	(xrf2) =	vadd.scan.msk.f32 $0xffff, v14;
	v48 =	vbroadcast v39, $0xF;
	v47 =	vsel vm1, v35, v33  }
0xce: {  	v18 =	vmul.f32 v59, v58;
	v13 =	vld [tilespmem:s6+$0x20];
	v51 =	vbroadcast v29, $0xF;
	(xrf2) =	vadd.scan.msk.f32 $0xffff, v20;
	v50 =	vsel vm2, v47, v31  }
0xcf: {  	v56 =	vld [tilespmem:s30+$0x40];
	v9 =	vmul.f32 v12, v9;
	v53 =	vbroadcast v46, $0xF;
	(xrf2) =	vadd.scan.msk.f32 $0xffff, v10;
	v54, _, _ =	vpop (xrf2);
	v11 =	vsel vm3, v50, v48  }
0xd0: {  	v58 =	vld [tilespmem:s6+$0x40];
	v12 =	vmul.f32 v62, v61;
	(xrf2) =	vadd.scan.msk.f32 $0xffff, v18;
	v14 =	vbroadcast v54, $0xF;
	v11 =	vsel vm4, v11, v51  }
0xd1: {  	v59 =	vld [tilespmem:s6+$0xFFFFFFD0];
	v57 =	vbroadcast v44, $0xF;
	(xrf2) =	vadd.scan.msk.f32 $0xffff, v9;
	v11 =	vsel vm5, v11, v53  }
0xd2: {  	v60 =	vld [tilespmem:s30+$0x50];
	v15 =	vmul.f32 v15, v63;
	(xrf2) =	vadd.scan.msk.f32 $0xffff, v12;
	v12 =	vmul.f32 v32, v30;
	v10 =	vsel vm6, v11, v14  }
0xd3: {  	v61 =	vld [tilespmem:s30+$0xFFFFFF60];
	v13 =	vmul.f32 v13, v45;
	v10 =	vsel vm7, v10, v57  }
0xd4: {  	v9 =	vld [tilespmem:s30+$0xFFFFFFD0];
	(xrf2) =	vadd.scan.msk.f32 $0xffff, v15;
	v10 =	vmax.f32 v10, $-5.000000000e+00  }
0xd5: {  	(xrf2) =	vadd.scan.msk.f32 $0xffff, v13;
	v13 =	vmul.f32 v36, v34;
	v11 =	vld [tilespmem:s30+$0xFFFFFF50];
	v10 =	vmin.f32 v10, $5.000000000e+00  }
0xd6: {  	v62 =	vmul.f32 v38, v37;
	(xrf2) =	vadd.scan.msk.f32 $0xffff, v12;
	v12, _, _ =	vpop (xrf2);
	v14 =	vld [tilespmem:s6+$0xFFFFFF50];
	v10 =	vmul.f32 $4.000000000e+00, v10  }
0xd7: {  	v63 =	vld [tilespmem:s6+$0xFFFFFF60];
	v32 =	vmul.f32 v49, v40;
	v31, _, _ =	vpop (xrf2);
	(xrf2) =	vadd.scan.msk.f32 $0xffff, v13  }
0xd8: {  	v15 =	vld [tilespmem:s6+$0x50];
	v13 =	vmul.f32 v55, v52;
	(xrf2) =	vadd.scan.msk.f32 $0xffff, v62;
	v10 =	vmul.f32 $1.442695020e+00, v10  }
0xd9: {  	v37 =	vld [tilespmem:s6+$0x60];
	v33, _, _ =	vpop (xrf2)  }
0xda: {  	v16 =	vmul.f32 v58, v56;
	v45 =	vld [tilespmem:s30+$0x70];
	v35, _, _ =	vpop (xrf2);
	(xrf2) =	vadd.scan.msk.f32 $0xffff, v32;
	(erf) = vpow2.f32 v10  }
0xdb: {  	v36 =	vld [tilespmem:s30+$0x60];
	v9 =	vmul.f32 v59, v9;
	(xrf2) =	vadd.scan.msk.f32 $0xffff, v13;
	v11 =	vmul.f32 v14, v11;
	v14, _, _ =	vpop (xrf2)  }
0xdc: {  	v34 =	vld [tilespmem:s6+$0xFFFFFFE0];
	(xrf2) =	vadd.scan.msk.f32 $0xffff, v16;
	v13, _, _ =	vpop (xrf2)  }
0xdd: {  	v48 =	vld [tilespmem:s6+$0x70];
	v12 =	vbroadcast v12, $0xF;
	v15 =	vmul.f32 v15, v60;
	v41, _, _ =	vpop (xrf2);
	(xrf2) =	vadd.scan.msk.f32 $0xffff, v11  }
0xde: {  	v20 =	vmul.f32 v63, v61;
	v11 =	vbroadcast v33, $0xF;
	v10 =	vld [tilespmem:s30+$0xFFFFFFE0];
	v43, _, _ =	vpop (xrf2);
	(xrf2) =	vadd.scan.msk.f32 $0xffff, v9  }
0xdf: {  	v39 =	vbroadcast v31, $0xF;
	v12 =	vnsel vm0, $0x0, v12;
	v13 =	vbroadcast v13, $0xF;
	v9, _, _ =	vpop (xrf2);
	(xrf2) =	vadd.scan.msk.f32 $0xffff, v15  }
0xe0: {  	v21 =	vmul.f32 v37, v36;
	v19 =	vbroadcast v35, $0xF;
	v11 =	vnsel vm0, $0x0, v11;
	v46, _, _ =	vpop (xrf2)  }
0xe1: {  	v14 =	vbroadcast v14, $0xF;
	v11 =	vsel vm1, v11, v13;
	v13 =	vbroadcast v43, $0xF;
	v49, _, _ =	vpop (xrf2)  }
0xe2: {  	v12 =	vsel vm1, v12, v19;
	v52 =	vbroadcast v9, $0xF;
	v9 =	vmul.f32 v48, v45;
	(xrf2) =	vadd.scan.msk.f32 $0xffff, v20;
	v50, _, _ =	vpop (xrf2)  }
0xe3: {  	v38 =	vld [tilespmem:s30+$0xFFFFFF70];
	v16 =	vnsel vm0, $0x0, v39;
	v54 =	vbroadcast v46, $0xF;
	v47 =	vmul.f32 v34, v10;
	v15 =	vpop (erf)  }
0xe4: {  	v40 =	vld [tilespmem:s6+$0xFFFFFF70];
	v55 =	vbroadcast v49, $0xF;
	v10 =	vsel vm1, v16, v14;
	v51, _, _ =	vpop (xrf2);
	v14 =	vmul.f32 v0, v15  }
0xe5: {  	s7 =	simm.s32 $0x1A6A0;
	v42 =	vld [tilespmem:s30+$0xFFFFFFF0];
	v11 =	vsel vm2, v11, v52;
	v53, _, _ =	vpop (xrf2);
	v13 =	vsel vm2, v10, v13;
	(xrf2) =	vadd.scan.msk.f32 $0xffff, v47;
	v15 =	vbroadcast v41, $0xF  }
0xe6: {  	v44 =	vld [tilespmem:s6+$0xFFFFFFF0];
	v57 =	vbroadcast v51, $0xF;
	v56, _, _ =	vpop (xrf2);
	v13 =	vsel vm3, v13, v55;
	[tilespmem:s7+$0x10] =	vst v14;
	v14 =	vbroadcast v50, $0xF  }
0xe7: {  	v59 =	vbroadcast v53, $0xF;
	v22 =	vbroadcast v56, $0xF;
	v58, _, _ =	vpop (xrf2);
	v12 =	vsel vm2, v12, v15  }
0xe8: {  	(xrf2) =	vadd.scan.msk.f32 $0xffff, v21;
	v60, _, _ =	vpop (xrf2);
	v12 =	vsel vm3, v12, v54;
	v11 =	vsel vm3, v11, v14;
	v14 =	vbroadcast v58, $0xF  }
0xe9: {  	v61 =	vbroadcast v60, $0xF;
	v63, _, _ =	vpop (xrf2);
	v15 =	vmul.f32 v40, v38;
	v12 =	vsel vm4, v12, v57  }
0xea: {  	v62 =	vsel vm4, v13, v59;
	v12 =	vsel vm5, v12, v14;
	v14 =	vbroadcast v63, $0xF  }
0xeb: {  	s8 =	simm.s32 $0x0;
	s9 =	simm.s32 $0x16B00;
	v10 =	vmul.f32 v44, v42;
	(xrf2) =	vadd.scan.msk.f32 $0xffff, v15;
	v13 =	vsel vm4, v11, v22;
	v11 =	vsel vm5, v62, v61  }
.LBB2_3:
0xec: {  	v15 =	vld [tilespmem:s9+$0xF0];
	v13 =	vsel vm5, v13, v14;
	s6 =	sadd.s32 $0x200, s6;
	v14, _, _ =	vpop (xrf2)  }
0xed: {  	v16 =	vld [tilespmem:s6+$0xF0];
	v18 =	vbroadcast v14, $0xF  }
0xee: {  	v17 =	vld [tilespmem:s6+$0xFFFFFF00];
	(xrf2) =	vadd.scan.msk.f32 $0xffff, v10  }
0xef: {  	v10 =	vld [tilespmem:s9+$0xD0];
	v12 =	vsel vm6, v12, v18;
	v14, _, _ =	vpop (xrf2)  }
0xf0: {  	v18 =	vld [tilespmem:s6+$0xD0];
	v20 =	vbroadcast v14, $0xF  }
0xf1: {  	v19 =	vld [tilespmem:s9+$0xFFFFFF80];
	(xrf2) =	vadd.scan.msk.f32 $0xffff, v9  }
0xf2: {  	v9 =	vld [tilespmem:s9+$0xC0];
	v15 =	vmul.f32 v16, v15;
	v11 =	vsel vm6, v11, v20;
	v14, _, _ =	vpop (xrf2)  }
0xf3: {  	v16 =	vld [tilespmem:s6+$0xC0];
	v21 =	vbroadcast v14, $0xF  }
0xf4: {  	v20 =	vld [tilespmem:s6+$0xFFFFFF80];
	(xrf2) =	vadd.scan.msk.f32 $0xffff, v15  }
0xf5: {  	v15 =	vld [tilespmem:s9+$0xA0];
	v10 =	vmul.f32 v18, v10;
	v13 =	vsel vm6, v13, v21;
	v14, _, _ =	vpop (xrf2)  }
0xf6: {  	v18 =	vld [tilespmem:s6+$0xA0];
	v22 =	vbroadcast v14, $0xF  }
0xf7: {  	v21 =	vld [tilespmem:s9+$0x0];
	(xrf2) =	vadd.scan.msk.f32 $0xffff, v10  }
0xf8: {  	v10 =	vld [tilespmem:s9+$0x90];
	v9 =	vmul.f32 v16, v9;
	v12 =	vsel vm7, v12, v22;
	v14, _, _ =	vpop (xrf2)  }
0xf9: {  	v16 =	vmul.f32 v20, v19;
	v19 =	vld [tilespmem:s6+$0x90];
	v12 =	vmax.f32 v12, $-5.000000000e+00;
	v22 =	vbroadcast v14, $0xF  }
0xfa: {  	v20 =	vld [tilespmem:s6+$0x0];
	(xrf2) =	vadd.scan.msk.f32 $0xffff, v9;
	v9 =	vmin.f32 v12, $5.000000000e+00  }
0xfb: {  	v12 =	vld [tilespmem:s9+$0x80];
	v15 =	vmul.f32 v18, v15;
	v9 =	vmul.f32 $4.000000000e+00, v9;
	v11 =	vsel vm7, v11, v22;
	v14, _, _ =	vpop (xrf2)  }
0xfc: {  	s8 =	sadd.s32 $0x4, s8;
	v18 =	vld [tilespmem:s6+$0x80];
	v11 =	vmax.f32 v11, $-5.000000000e+00;
	v14 =	vbroadcast v14, $0xF  }
0xfd: {  	p0 =	slt.u32 s8, $0x24;
	v22 =	vld [tilespmem:s9+$0xFFFFFF00];
	(xrf2) =	vadd.scan.msk.f32 $0xffff, v15;
	v9 =	vmul.f32 $1.442695020e+00, v9;
	v11 =	vmin.f32 v11, $5.000000000e+00  }
0xfe: {  	v10 =	vmul.f32 v19, v10;
	v15 =	vld [tilespmem:s9+$0xB0];
	v19, _, _ =	vpop (xrf2);
	v11 =	vmul.f32 $4.000000000e+00, v11;
	v13 =	vsel vm7, v13, v14  }
0xff: {  	v14 =	vmul.f32 v20, v21;
	v20 =	vld [tilespmem:s6+$0xB0];
	v13 =	vmax.f32 v13, $-5.000000000e+00;
	(erf) = vpow2.f32 v9  }
0x100: {  	v9 =	vld [tilespmem:s9+$0xFFFFFF10];
	(xrf2) =	vadd.scan.msk.f32 $0xffff, v10;
	v10 =	vmul.f32 $1.442695020e+00, v11;
	v11 =	vmin.f32 v13, $5.000000000e+00  }
0x101: {  	v12 =	vmul.f32 v18, v12;
	v13 =	vld [tilespmem:s9+$0xE0];
	v18, _, _ =	vpop (xrf2);
	v11 =	vmul.f32 $4.000000000e+00, v11  }
0x102: {  	v17 =	vmul.f32 v17, v22;
	v21 =	vld [tilespmem:s6+$0xE0];
	(erf) = vpow2.f32 v10  }
0x103: {  	v10 =	vld [tilespmem:s6+$0xFFFFFF10];
	(xrf2) =	vadd.scan.msk.f32 $0xffff, v12;
	v11 =	vmul.f32 $1.442695020e+00, v11  }
0x104: {  	v12 =	vld [tilespmem:s9+$0xFFFFFF90];
	v15 =	vmul.f32 v20, v15;
	v20, _, _ =	vpop (xrf2)  }
0x105: {  	v22 =	vld [tilespmem:s6+$0xFFFFFF90];
	(erf) = vpow2.f32 v11  }
0x106: {  	v11 =	vld [tilespmem:s9+$0x10];
	(xrf2) =	vadd.scan.msk.f32 $0xffff, v15  }
0x107: {  	v15 =	vld [tilespmem:s6+$0x10];
	v13 =	vmul.f32 v21, v13;
	v21, _, _ =	vpop (xrf2)  }
0x108: {  	v9 =	vmul.f32 v10, v9;
	v10 =	vld [tilespmem:s9+$0xFFFFFF20];
	v23 =	vpop (erf)  }
0x109: {  	v24 =	vld [tilespmem:s6+$0xFFFFFF20];
	(xrf2) =	vadd.scan.msk.f32 $0xffff, v13;
	v26 =	vmul.f32 v0, v23  }
0x10a: {  	v12 =	vmul.f32 v22, v12;
	v22 =	vld [tilespmem:s9+$0xFFFFFFA0];
	v23, _, _ =	vpop (xrf2)  }
0x10b: {  	v25 =	vld [tilespmem:s6+$0xFFFFFFA0];
	[tilespmem:s7+$0xFFFFFFE0] =	vst v26;
	v13 =	vpop (erf)  }
0x10c: {  	v11 =	vmul.f32 v15, v11;
	v15 =	vld [tilespmem:s9+$0x20];
	(xrf2) =	vadd.scan.msk.f32 $0xffff, v17;
	v27 =	vmul.f32 v0, v13  }
0x10d: {  	v17 =	vld [tilespmem:s6+$0x20];
	v26, _, _ =	vpop (xrf2)  }
0x10e: {  	v10 =	vmul.f32 v24, v10;
	v24 =	vld [tilespmem:s9+$0xFFFFFF30];
	v28 =	vbroadcast v26, $0xF;
	[tilespmem:s7+$0xFFFFFFF0] =	vst v27;
	v13 =	vpop (erf)  }
0x10f: {  	v23 =	vbroadcast v23, $0xF;
	v27 =	vld [tilespmem:s6+$0xFFFFFF30];
	(xrf2) =	vadd.scan.msk.f32 $0xffff, v16;
	v13 =	vmul.f32 v0, v13  }
0x110: {  	v29 =	vbroadcast v21, $0xF;
	v16 =	vmul.f32 v25, v22;
	v22 =	vld [tilespmem:s9+$0xFFFFFFB0];
	v25 =	vnsel vm0, $0x0, v28;
	v26, _, _ =	vpop (xrf2)  }
0x111: {  	v28 =	vld [tilespmem:s6+$0xFFFFFFB0];
	v23 =	vsel vm1, v25, v23;
	v25 =	vbroadcast v26, $0xF;
	[tilespmem:s7+$0x0] =	vst v13  }
0x112: {  	v20 =	vbroadcast v20, $0xF;
	v13 =	vmul.f32 v17, v15;
	v15 =	vld [tilespmem:s9+$0x30];
	v17 =	vsel vm2, v23, v29;
	(xrf2) =	vadd.scan.msk.f32 $0xffff, v14  }
0x113: {  	v18 =	vbroadcast v18, $0xF;
	v14 =	vld [tilespmem:s6+$0x30];
	v17 =	vsel vm3, v17, v25;
	v21, _, _ =	vpop (xrf2)  }
0x114: {  	v23 =	vmul.f32 v27, v24;
	v24 =	vld [tilespmem:s9+$0xFFFFFF40];
	v17 =	vsel vm4, v17, v20;
	v25 =	vbroadcast v21, $0xF  }
0x115: {  	v21 =	vld [tilespmem:s6+$0xFFFFFF40];
	v17 =	vsel vm5, v17, v18;
	v18 =	vbroadcast v19, $0xF;
	(xrf2) =	vadd.scan.msk.f32 $0xffff, v9  }
0x116: {  	v9 =	vmul.f32 v28, v22;
	v19 =	vld [tilespmem:s9+$0xFFFFFFC0];
	v17 =	vsel vm6, v17, v25;
	v20, _, _ =	vpop (xrf2)  }
0x117: {  	v25 =	vbroadcast v20, $0xF;
	v22 =	vld [tilespmem:s6+$0xFFFFFFC0];
	v17 =	vsel vm7, v17, v18  }
0x118: {  	v14 =	vmul.f32 v14, v15;
	v15 =	vld [tilespmem:s9+$0x40];
	v17 =	vmax.f32 v17, $-5.000000000e+00;
	(xrf2) =	vadd.scan.msk.f32 $0xffff, v12  }
0x119: {  	v12 =	vnsel vm0, $0x0, v25;
	v18 =	vld [tilespmem:s6+$0x40];
	v17 =	vmin.f32 v17, $5.000000000e+00;
	v20, _, _ =	vpop (xrf2)  }
0x11a: {  	v21 =	vmul.f32 v21, v24;
	v24 =	vld [tilespmem:s9+$0xFFFFFF50];
	v17 =	vmul.f32 $4.000000000e+00, v17  }
0x11b: {  	v20 =	vbroadcast v20, $0xF;
	v25 =	vld [tilespmem:s6+$0xFFFFFF50];
	(xrf2) =	vadd.scan.msk.f32 $0xffff, v11  }
0x11c: {  	v11 =	vmul.f32 v22, v19;
	v19 =	vld [tilespmem:s9+$0xFFFFFFD0];
	v17 =	vmul.f32 $1.442695020e+00, v17;
	v22, _, _ =	vpop (xrf2)  }
0x11d: {  	v20 =	vnsel vm0, $0x0, v20;
	v26 =	vld [tilespmem:s6+$0xFFFFFFD0];
	v27 =	vbroadcast v22, $0xF  }
0x11e: {  	v15 =	vmul.f32 v18, v15;
	v18 =	vld [tilespmem:s9+$0x50];
	(xrf2) =	vadd.scan.msk.f32 $0xffff, v10;
	(erf) = vpow2.f32 v17  }
0x11f: {  	v10 =	vnsel vm0, $0x0, v27;
	v17 =	vld [tilespmem:s6+$0x50];
	v22, _, _ =	vpop (xrf2)  }
0x120: {  	v28 =	vbroadcast v22, $0xF;
	v24 =	vmul.f32 v25, v24;
	v25 =	vld [tilespmem:s9+$0xFFFFFF60]  }
0x121: {  	v27 =	vld [tilespmem:s6+$0xFFFFFF60];
	(xrf2) =	vadd.scan.msk.f32 $0xffff, v16  }
0x122: {  	v12 =	vsel vm1, v12, v28;
	v16 =	vmul.f32 v26, v19;
	v19 =	vld [tilespmem:s9+$0xFFFFFFE0];
	v22, _, _ =	vpop (xrf2)  }
0x123: {  	v28 =	vbroadcast v22, $0xF;
	v26 =	vld [tilespmem:s6+$0xFFFFFFE0]  }
0x124: {  	v17 =	vmul.f32 v17, v18;
	v18 =	vld [tilespmem:s9+$0x60];
	(xrf2) =	vadd.scan.msk.f32 $0xffff, v13  }
0x125: {  	v13 =	vsel vm1, v20, v28;
	v20 =	vld [tilespmem:s6+$0x60];
	v22, _, _ =	vpop (xrf2)  }
0x126: {  	v25 =	vmul.f32 v27, v25;
	v27 =	vld [tilespmem:s9+$0xFFFFFF70];
	v22 =	vbroadcast v22, $0xF  }
0x127: {  	v28 =	vld [tilespmem:s6+$0xFFFFFF70];
	(xrf2) =	vadd.scan.msk.f32 $0xffff, v23;
	v23 =	vpop (erf)  }
0x128: {  	v19 =	vmul.f32 v26, v19;
	v26 =	vld [tilespmem:s9+$0xFFFFFFF0];
	v22 =	vsel vm1, v10, v22;
	v30 =	vmul.f32 v0, v23;
	v23, _, _ =	vpop (xrf2)  }
0x129: {  	s7 =	sadd.s32 $0x40, s7;
	v23 =	vbroadcast v23, $0xF;
	v29 =	vld [tilespmem:s6+$0xFFFFFFF0]  }
0x12a: {  	v18 =	vmul.f32 v20, v18;
	v20 =	vld [tilespmem:s9+$0x70];
	[tilespmem:s7+$0x10] =	vst v30;
	(xrf2) =	vadd.scan.msk.f32 $0xffff, v9  }
0x12b: {  	v12 =	vsel vm2, v12, v23;
	v9 =	vld [tilespmem:s6+$0x70];
	v10, _, _ =	vpop (xrf2)  }
0x12c: {  	v23 =	vmul.f32 v28, v27;
	v10 =	vbroadcast v10, $0xF  }
0x12d: {  	(xrf2) =	vadd.scan.msk.f32 $0xffff, v14  }
0x12e: {  	v13 =	vsel vm2, v13, v10;
	v10 =	vmul.f32 v29, v26;
	v14, _, _ =	vpop (xrf2)  }
0x12f: {  	v14 =	vbroadcast v14, $0xF  }
0x130: {  	v9 =	vmul.f32 v9, v20;
	(xrf2) =	vadd.scan.msk.f32 $0xffff, v21  }
0x131: {  	v14 =	vsel vm2, v22, v14;
	v20, _, _ =	vpop (xrf2)  }
0x132: {  	v20 =	vbroadcast v20, $0xF  }
0x133: {  	(xrf2) =	vadd.scan.msk.f32 $0xffff, v11  }
0x134: {  	v11 =	vsel vm3, v12, v20;
	v12, _, _ =	vpop (xrf2)  }
0x135: {  	v12 =	vbroadcast v12, $0xF  }
0x136: {  	(xrf2) =	vadd.scan.msk.f32 $0xffff, v15  }
0x137: {  	v12 =	vsel vm3, v13, v12;
	v13, _, _ =	vpop (xrf2)  }
0x138: {  	v13 =	vbroadcast v13, $0xF  }
0x139: {  	(xrf2) =	vadd.scan.msk.f32 $0xffff, v24  }
0x13a: {  	v13 =	vsel vm3, v14, v13;
	v14, _, _ =	vpop (xrf2)  }
0x13b: {  	v15 =	vbroadcast v14, $0xF  }
0x13c: {  	(xrf2) =	vadd.scan.msk.f32 $0xffff, v16  }
0x13d: {  	v11 =	vsel vm4, v11, v15;
	v14, _, _ =	vpop (xrf2)  }
0x13e: {  	v14 =	vbroadcast v14, $0xF  }
0x13f: {  	(xrf2) =	vadd.scan.msk.f32 $0xffff, v17  }
0x140: {  	v14 =	vsel vm4, v12, v14;
	v12, _, _ =	vpop (xrf2)  }
0x141: {  	v15 =	vbroadcast v12, $0xF  }
0x142: {  	(xrf2) =	vadd.scan.msk.f32 $0xffff, v25  }
0x143: {  	v13 =	vsel vm4, v13, v15;
	v12, _, _ =	vpop (xrf2)  }
0x144: {  	v12 =	vbroadcast v12, $0xF  }
0x145: {  	(xrf2) =	vadd.scan.msk.f32 $0xffff, v19  }
0x146: {  	v12 =	vsel vm5, v11, v12;
	v11, _, _ =	vpop (xrf2)  }
.Ltmp0:
0x147: {  	v11 =	vbroadcast v11, $0xF;
	(pc) =	sbr.rel @p0 .LBB2_3-.Ltmp0, $4  }
0x148: {  	(xrf2) =	vadd.scan.msk.f32 $0xffff, v18  }
0x149: {  	v11 =	vsel vm5, v14, v11;
	v14, _, _ =	vpop (xrf2)  }
0x14a: {  	v14 =	vbroadcast v14, $0xF  }
0x14b: {  	s9 =	sadd.s32 $0x200, s9;
	(xrf2) =	vadd.scan.msk.f32 $0xffff, v23  }
0x14c: {  	(xrf2) =	vadd.scan.msk.f32 $0xffff, v10  }
0x14d: {  	(xrf2) =	vadd.scan.msk.f32 $0xffff, v9;
	_ =	sdelay $0x4  }
0x14e: {  	v9, _, _ =	vpop (xrf2)  }
0x14f: {  	v10, _, _ =	vpop (xrf2)  }
0x150: {  	v15, _, _ =	vpop (xrf2)  }
0x151: {  	v9 =	vbroadcast v9, $0xF;
	v16, _, _ =	vpop (xrf2)  }
0x152: {  	v13 =	vsel vm5, v13, v14;
	v10 =	vbroadcast v10, $0xF;
	v14 =	vbroadcast v16, $0xF;
	v16, _, _ =	vpop (xrf2)  }
0x153: {  	v9 =	vsel vm6, v12, v9;
	v12 =	vbroadcast v15, $0xF;
	v15 =	vbroadcast v16, $0xF;
	v16, _, _ =	vpop (xrf2)  }
0x154: {  	v10 =	vsel vm6, v11, v10;
	v9 =	vsel vm7, v9, v14;
	v11 =	vbroadcast v16, $0xF  }
0x155: {  	v12 =	vsel vm6, v13, v12;
	v9 =	vmax.f32 v9, $-5.000000000e+00;
	v10 =	vsel vm7, v10, v15  }
0x156: {  	v9 =	vmin.f32 v9, $5.000000000e+00;
	v10 =	vmax.f32 v10, $-5.000000000e+00;
	v11 =	vsel vm7, v12, v11  }
0x157: {  	v9 =	vmul.f32 $4.000000000e+00, v9;
	v10 =	vmin.f32 v10, $5.000000000e+00;
	v11 =	vmax.f32 v11, $-5.000000000e+00  }
0x158: {  	v10 =	vmul.f32 $4.000000000e+00, v10;
	v11 =	vmin.f32 v11, $5.000000000e+00  }
0x159: {  	v9 =	vmul.f32 $1.442695020e+00, v9;
	v11 =	vmul.f32 $4.000000000e+00, v11  }
0x15a: {  	v10 =	vmul.f32 $1.442695020e+00, v10  }
0x15b: {  	(erf) = vpow2.f32 v9;
	v9 =	vmul.f32 $1.442695020e+00, v11  }
0x15c: {  	(erf) = vpow2.f32 v10  }
0x15d: {  	(erf) = vpow2.f32 v9;
	_ =	sdelay $0x6  }
0x15e: {  	v9 =	vpop (erf)  }
0x15f: {  	v9 =	vmul.f32 v0, v9;
	v10 =	vpop (erf)  }
0x160: {  	v10 =	vmul.f32 v0, v10;
	v11 =	vpop (erf)  }
0x161: {  	[tilespmem:s7+$0xFFFFFFE0] =	vst v9;
	v9 =	vmul.f32 v0, v11  }
0x162: {  	[tilespmem:s7+$0xFFFFFFF0] =	vst v10  }
0x163: {  	[tilespmem:s7+$0x0] =	vst v9  }
0x164: {  	_ =	swait.ge [sflag:s0], $0x28  }
0x165: {  	[sflag:s0] =	ssyncset.done $0x0  }
0x166: {  	[sflag:s0] =	ssyncadd.s32 $0xFFFFFFD8  }
0x167: {  	_ =	swait.ge [sflag:s0], $0x28  }
0x168: {  	[sflag:s0] =	ssyncset.done $0x0  }
0x169: {  	[sflag:s0] =	ssyncadd.s32 $0xFFFFFFD8  }
0x16a: {  	[tilespmem:s15], [sflag:$0x1] =	stream.indirect.gather [hbm4b:s21+s13], $0x80, s18, s13, $0xb8;
	[tilespmem:$0x1A9A0] =	vst v63  }
0x16b: {  	_ = 	snop  }
0x16c: {  	[tilespmem:s17], [sflag:$0x2] =	stream.indirect.gather [hbm4b:s22+s13], $0x80, s25, s13, $0xb8;
	[tilespmem:$0x1A9A0] =	vst v63  }
0x16d: {  	_ =	swait.ge [sflag:s2], $0x1680  }
0x16e: {  	[sflag:s2] =	ssyncset.done $0x0  }
0x16f: {  	s30 =	simm.s32 $0x1A6A0;
	[sflag:s2] =	ssyncadd.s32 $0xFFFFE980  }
0x170: {  	v12 =	vld [tilespmem:s30+$0x10]  }
0x171: {  	s6 =	simm.s32 $0x19120;
	v9 =	vld [tilespmem:s30+$0xFFFFFFF0]  }
0x172: {  	v10 =	vld [tilespmem:s6+$0x100]  }
0x173: {  	v11 =	vld [tilespmem:s30+$0x0]  }
0x174: {  	v13 =	vld [tilespmem:s30+$0xFFFFFFE0]  }
0x175: {  	v14 =	vld [tilespmem:s6+$0xFFFFFEE0]  }
0x176: {  	v15 =	vld [tilespmem:s6+$0xFFFFFEF0];
	v16 =	vperm.xlane v12, v1  }
0x177: {  	v17 =	vld [tilespmem:s6+$0xFFFFFF00];
	v18 =	vperm.xlane v12, v8;
	v19 =	vperm.xlane v9, v1  }
0x178: {  	v20 =	vld [tilespmem:s6+$0xFFFFFF10];
	v21 =	vperm.xlane v9, v2;
	v22 =	vperm.xlane v9, v3  }
0x179: {  	v23 =	vld [tilespmem:s6+$0xFFFFFF20];
	v25 =	vperm.xlane v9, v5;
	v26 =	vperm.xlane v13, v1  }
0x17a: {  	v24 =	vld [tilespmem:s6+$0xFFFFFF30];
	v28 =	vperm.xlane v13, v2;
	v29 =	vperm.xlane v13, v3  }
0x17b: {  	v27 =	vld [tilespmem:s6+$0xFFFFFF40];
	v31 =	vperm.xlane v13, v4;
	v32 =	vperm.xlane v13, v5  }
0x17c: {  	v30 =	vld [tilespmem:s6+$0xFFFFFF50];
	v34 =	vperm.xlane v13, v6;
	v35 =	vperm.xlane v13, v7  }
0x17d: {  	v33 =	vld [tilespmem:s6+$0xFFFFFF70];
	v37 =	vperm.xlane v13, v8;
	v38 =	vperm.xlane v9, v6  }
0x17e: {  	v36 =	vld [tilespmem:s6+$0xFFFFFF80];
	v40 =	vperm.xlane v9, v7;
	v41 =	vperm.xlane v9, v8  }
0x17f: {  	v39 =	vld [tilespmem:s6+$0xFFFFFF90];
	v43 =	vperm.xlane v11, v1;
	v44 =	vperm.xlane v11, v2  }
0x180: {  	v42 =	vld [tilespmem:s6+$0xFFFFFFA0];
	v46 =	vperm.xlane v11, v3;
	v47 =	vperm.xlane v11, v4  }
0x181: {  	v45 =	vld [tilespmem:s6+$0xFFFFFFB0];
	v49 =	vperm.xlane v11, v5;
	v50 =	vperm.xlane v11, v6  }
0x182: {  	v48 =	vld [tilespmem:s6+$0xFFFFFFC0];
	v52 =	vperm.xlane v11, v7;
	v53 =	vperm.xlane v11, v8;
	[tilespmem:s6+$0xFFFFFF60] =	vst v13  }
0x183: {  	v51 =	vld [tilespmem:s6+$0xFFFFFFD0];
	v55 =	vperm.xlane v12, v2;
	v13 =	vperm.xlane v12, v3;
	[tilespmem:s6+$0xFFFFFFF0] =	vst v9  }
0x184: {  	v54 =	vld [tilespmem:s6+$0xFFFFFFE0];
	[tilespmem:s6+$0x80] =	vst v11;
	v11 =	vperm.xlane v12, v5;
	v10 =	vmul.f32 v10, v18  }
0x185: {  	v56 =	vld [tilespmem:s6+$0x0];
	[tilespmem:s6+$0x110] =	vst v12;
	v18 =	vperm.xlane v9, v4;
	v14 =	vmul.f32 v14, v26  }
0x186: {  	v60 =	vld [tilespmem:s6+$0x70];
	v15 =	vmul.f32 v15, v28;
	v9 =	vperm.xlane v12, v6;
	[tilespmem:s6+$0x100] =	vst v10  }
0x187: {  	v62 =	vld [tilespmem:s6+$0x90];
	v17 =	vmul.f32 v17, v29;
	v20 =	vmul.f32 v20, v31;
	[tilespmem:s6+$0xFFFFFEE0] =	vst v14  }
0x188: {  	v63 =	vld [tilespmem:s6+$0xA0];
	v23 =	vmul.f32 v23, v32;
	v24 =	vmul.f32 v24, v34;
	[tilespmem:s6+$0xFFFFFEF0] =	vst v15  }
0x189: {  	v28 =	vld [tilespmem:s6+$0x10];
	v26 =	vmul.f32 v27, v35;
	v29 =	vmul.f32 v30, v37;
	[tilespmem:s6+$0xFFFFFF00] =	vst v17  }
0x18a: {  	v30 =	vld [tilespmem:s6+$0x50];
	v19 =	vmul.f32 v33, v19;
	v59 =	vmul.f32 v39, v22;
	[tilespmem:s6+$0xFFFFFF10] =	vst v20  }
0x18b: {  	v61 =	vmul.f32 v45, v25;
	v27 =	vmul.f32 v48, v38;
	v14 =	vld [tilespmem:s6+$0x20];
	[tilespmem:s6+$0xFFFFFF20] =	vst v23  }
0x18c: {  	v25 =	vmul.f32 v54, v41;
	v10 =	vperm.xlane v12, v4;
	v15 =	vld [tilespmem:s6+$0x30];
	[tilespmem:s6+$0xFFFFFF30] =	vst v24  }
0x18d: {  	v12 =	vperm.xlane v12, v7;
	v17 =	vld [tilespmem:s6+$0x40];
	v20 =	vmul.f32 v36, v21;
	[tilespmem:s6+$0xFFFFFF40] =	vst v26  }
0x18e: {  	v31 =	vld [tilespmem:s6+$0x60];
	v18 =	vmul.f32 v42, v18;
	v26 =	vmul.f32 v51, v40;
	[tilespmem:s6+$0xFFFFFF50] =	vst v29  }
0x18f: {  	v23 =	vmul.f32 v56, v43;
	[tilespmem:s6+$0xFFFFFF70] =	vst v19;
	v24 =	vmul.f32 v28, v44;
	v28 =	vld [tilespmem:s6+$0xB0]  }
0x190: {  	v29 =	vld [tilespmem:s6+$0xC0];
	[tilespmem:s6+$0xFFFFFFA0] =	vst v18;
	v18 =	vmul.f32 v62, v16;
	v16 =	vmul.f32 v63, v55  }
0x191: {  	[tilespmem:s6+$0xFFFFFF90] =	vst v59;
	v19 =	vmul.f32 v30, v50;
	v30 =	vld [tilespmem:s6+$0xD0];
	v22 =	vmul.f32 v14, v46  }
0x192: {  	[tilespmem:s6+$0xFFFFFF80] =	vst v20;
	v21 =	vmul.f32 v15, v47;
	v20 =	vmul.f32 v17, v49;
	v14 =	vld [tilespmem:s6+$0xE0]  }
0x193: {  	s8 =	simm.s32 $0x0;
	s9 =	simm.s32 $0x1A6E0;
	s7 =	simm.s32 $0x19120;
	[tilespmem:s6+$0xFFFFFFB0] =	vst v61;
	v17 =	vmul.f32 v31, v52;
	v15 =	vmul.f32 v60, v53;
	v31 =	vld [tilespmem:s6+$0xF0]  }
.LBB2_5:
0x194: {  	v32 =	vld [tilespmem:s9+$0x10];
	s8 =	sadd.s32 $0x4, s8;
	[tilespmem:s6+$0xFFFFFFC0] =	vst v27;
	v13 =	vmul.f32 v28, v13  }
0x195: {  	s6 =	sadd.s32 $0x240, s6;
	v27 =	vld [tilespmem:s9+$0xFFFFFFF0];
	p0 =	slt.u32 s8, $0x24;
	[tilespmem:s7+$0xFFFFFFD0] =	vst v26;
	v10 =	vmul.f32 v29, v10  }
0x196: {  	v26 =	vld [tilespmem:s6+$0x100];
	[tilespmem:s7+$0xFFFFFFE0] =	vst v25;
	v11 =	vmul.f32 v30, v11  }
0x197: {  	v25 =	vld [tilespmem:s9+$0x0];
	[tilespmem:s7+$0x0] =	vst v23;
	v9 =	vmul.f32 v14, v9  }
0x198: {  	v23 =	vld [tilespmem:s9+$0xFFFFFFE0];
	[tilespmem:s7+$0x10] =	vst v24;
	v12 =	vmul.f32 v31, v12  }
0x199: {  	v24 =	vld [tilespmem:s6+$0xFFFFFEE0];
	v14 =	vperm.xlane v32, v1;
	v28 =	vperm.xlane v32, v8;
	[tilespmem:s7+$0x20] =	vst v22  }
0x19a: {  	v22 =	vld [tilespmem:s6+$0xFFFFFEF0];
	v29 =	vperm.xlane v27, v1;
	v30 =	vperm.xlane v27, v2;
	[tilespmem:s7+$0x30] =	vst v21  }
0x19b: {  	v31 =	vperm.xlane v27, v3;
	v21 =	vld [tilespmem:s6+$0xFFFFFF00];
	v26 =	vmul.f32 v26, v28;
	[tilespmem:s7+$0x40] =	vst v20  }
0x19c: {  	v33 =	vperm.xlane v27, v5;
	v28 =	vperm.xlane v27, v4;
	v20 =	vld [tilespmem:s6+$0xFFFFFF10];
	[tilespmem:s7+$0x50] =	vst v19  }
0x19d: {  	v19 =	vperm.xlane v23, v1;
	v34 =	vperm.xlane v23, v2;
	v35 =	vld [tilespmem:s6+$0xFFFFFF20];
	[tilespmem:s6+$0x100] =	vst v26  }
0x19e: {  	v26 =	vperm.xlane v23, v3;
	v36 =	vperm.xlane v23, v4;
	v37 =	vld [tilespmem:s6+$0xFFFFFF30];
	[tilespmem:s7+$0x60] =	vst v17  }
0x19f: {  	v38 =	vperm.xlane v23, v6;
	v17 =	vperm.xlane v23, v5;
	v39 =	vld [tilespmem:s6+$0xFFFFFF40];
	[tilespmem:s7+$0x70] =	vst v15  }
0x1a0: {  	v40 =	vperm.xlane v23, v8;
	v15 =	vperm.xlane v23, v7;
	v41 =	vld [tilespmem:s6+$0xFFFFFF50];
	[tilespmem:s7+$0x90] =	vst v18  }
0x1a1: {  	v42 =	vperm.xlane v27, v6;
	v43 =	vperm.xlane v27, v7;
	v18 =	vld [tilespmem:s6+$0xFFFFFF70];
	[tilespmem:s7+$0xA0] =	vst v16  }
0x1a2: {  	v44 =	vperm.xlane v27, v8;
	v45 =	vperm.xlane v25, v1;
	v16 =	vld [tilespmem:s6+$0xFFFFFF80];
	[tilespmem:s7+$0xB0] =	vst v13  }
0x1a3: {  	v47 =	vperm.xlane v25, v2;
	v48 =	vperm.xlane v25, v3;
	v46 =	vld [tilespmem:s6+$0xFFFFFF90];
	[tilespmem:s7+$0xC0] =	vst v10  }
0x1a4: {  	v50 =	vperm.xlane v25, v4;
	v51 =	vperm.xlane v25, v5;
	v49 =	vld [tilespmem:s6+$0xFFFFFFA0];
	[tilespmem:s7+$0xD0] =	vst v11  }
0x1a5: {  	v53 =	vperm.xlane v25, v6;
	v54 =	vperm.xlane v25, v7;
	v52 =	vld [tilespmem:s6+$0xFFFFFFB0];
	[tilespmem:s7+$0xE0] =	vst v9  }
0x1a6: {  	v57 =	vperm.xlane v32, v2;
	v56 =	vperm.xlane v25, v8;
	v55 =	vld [tilespmem:s6+$0xFFFFFFC0];
	[tilespmem:s7+$0xF0] =	vst v12;
	s7 =	smov.u32 s6  }
0x1a7: {  	v13 =	vperm.xlane v32, v3;
	v10 =	vperm.xlane v32, v4;
	[tilespmem:s6+$0xFFFFFF60] =	vst v23;
	v23 =	vld [tilespmem:s6+$0xFFFFFFD0]  }
0x1a8: {  	v11 =	vperm.xlane v32, v5;
	v9 =	vperm.xlane v32, v6;
	v58 =	vld [tilespmem:s6+$0xFFFFFFE0];
	[tilespmem:s6+$0xFFFFFFF0] =	vst v27  }
0x1a9: {  	v19 =	vmul.f32 v24, v19;
	v12 =	vperm.xlane v32, v7;
	v24 =	vld [tilespmem:s6+$0x0];
	[tilespmem:s6+$0x80] =	vst v25  }
0x1aa: {  	v22 =	vmul.f32 v22, v34;
	v21 =	vmul.f32 v21, v26;
	v34 =	vld [tilespmem:s6+$0x10];
	[tilespmem:s6+$0x110] =	vst v32  }
0x1ab: {  	v17 =	vmul.f32 v35, v17;
	[tilespmem:s6+$0xFFFFFEE0] =	vst v19;
	v19 =	vmul.f32 v20, v36;
	v20 =	vld [tilespmem:s6+$0x20]  }
0x1ac: {  	v15 =	vmul.f32 v39, v15;
	[tilespmem:s6+$0xFFFFFEF0] =	vst v22;
	v22 =	vmul.f32 v37, v38;
	v32 =	vld [tilespmem:s6+$0x30]  }
0x1ad: {  	v18 =	vmul.f32 v18, v29;
	[tilespmem:s6+$0xFFFFFF00] =	vst v21;
	v21 =	vmul.f32 v41, v40;
	v29 =	vld [tilespmem:s6+$0x40]  }
0x1ae: {  	v16 =	vmul.f32 v16, v30;
	v30 =	vmul.f32 v46, v31;
	[tilespmem:s6+$0xFFFFFF10] =	vst v19;
	v19 =	vld [tilespmem:s6+$0x50]  }
0x1af: {  	v31 =	vmul.f32 v49, v28;
	v33 =	vmul.f32 v52, v33;
	[tilespmem:s6+$0xFFFFFF20] =	vst v17;
	v17 =	vld [tilespmem:s6+$0x60]  }
0x1b0: {  	v27 =	vmul.f32 v55, v42;
	v26 =	vmul.f32 v23, v43;
	[tilespmem:s6+$0xFFFFFF30] =	vst v22;
	v35 =	vld [tilespmem:s6+$0x70]  }
0x1b1: {  	v25 =	vmul.f32 v58, v44;
	v23 =	vmul.f32 v24, v45;
	[tilespmem:s6+$0xFFFFFF40] =	vst v15;
	v36 =	vld [tilespmem:s6+$0x90]  }
0x1b2: {  	v24 =	vmul.f32 v34, v47;
	v22 =	vmul.f32 v20, v48;
	[tilespmem:s6+$0xFFFFFF50] =	vst v21;
	v34 =	vld [tilespmem:s6+$0xA0]  }
.Ltmp1:
0x1b3: {  	v21 =	vmul.f32 v32, v50;
	v20 =	vmul.f32 v29, v51;
	[tilespmem:s6+$0xFFFFFF70] =	vst v18;
	v28 =	vld [tilespmem:s6+$0xB0];
	(pc) =	sbr.rel @p0 .LBB2_5-.Ltmp1, $4  }
0x1b4: {  	v19 =	vmul.f32 v19, v53;
	[tilespmem:s6+$0xFFFFFF80] =	vst v16;
	v17 =	vmul.f32 v17, v54;
	v29 =	vld [tilespmem:s6+$0xC0]  }
0x1b5: {  	[tilespmem:s6+$0xFFFFFF90] =	vst v30;
	v15 =	vmul.f32 v35, v56;
	v30 =	vld [tilespmem:s6+$0xD0]  }
0x1b6: {  	[tilespmem:s6+$0xFFFFFFA0] =	vst v31;
	v18 =	vmul.f32 v36, v14;
	v14 =	vld [tilespmem:s6+$0xE0]  }
0x1b7: {  	s9 =	sadd.s32 $0x40, s9;
	[tilespmem:s6+$0xFFFFFFB0] =	vst v33;
	v16 =	vmul.f32 v34, v57;
	v31 =	vld [tilespmem:s6+$0xF0]  }
0x1b8: {  	[tilespmem:s6+$0xFFFFFFC0] =	vst v27  }
0x1b9: {  	[tilespmem:s7+$0x0] =	vst v23  }
0x1ba: {  	[tilespmem:s7+$0x10] =	vst v24  }
0x1bb: {  	[tilespmem:s7+$0x20] =	vst v22  }
0x1bc: {  	[tilespmem:s7+$0x30] =	vst v21  }
0x1bd: {  	[tilespmem:s7+$0x40] =	vst v20  }
0x1be: {  	[tilespmem:s7+$0x50] =	vst v19  }
0x1bf: {  	[tilespmem:s7+$0x60] =	vst v17  }
0x1c0: {  	[tilespmem:s7+$0x70] =	vst v15  }
0x1c1: {  	[tilespmem:s7+$0x90] =	vst v18  }
0x1c2: {  	[tilespmem:s7+$0xFFFFFFD0] =	vst v26  }
0x1c3: {  	v13 =	vmul.f32 v28, v13;
	[tilespmem:s7+$0xFFFFFFE0] =	vst v25  }
0x1c4: {  	v10 =	vmul.f32 v29, v10;
	[tilespmem:s7+$0xA0] =	vst v16  }
0x1c5: {  	v11 =	vmul.f32 v30, v11;
	[tilespmem:s7+$0xB0] =	vst v13  }
0x1c6: {  	v9 =	vmul.f32 v14, v9;
	[tilespmem:s7+$0xC0] =	vst v10  }
0x1c7: {  	s9 =	sshll.u32 s5, $0x1;
	v10 =	vmul.f32 v31, v12;
	[tilespmem:s7+$0xD0] =	vst v11  }
0x1c8: {  	s6 =	sadd.s32 $0x2, s9;
	[tilespmem:s7+$0xE0] =	vst v9  }
0x1c9: {  	p0 =	seq.s32 s6, $0xFA;
	[tilespmem:s7+$0xF0] =	vst v10;
	s7 =	smul.u32 $0x28, s6  }
0x1ca: {  	[spmem:s10] =	stream.indirect.scatter.add.f32 [tilespmem:s19], [sflag:$0x5], $0x90, s12, s13, $0xb8;
	[tilespmem:$0x1A9A0] =	vst v63  }
0x1cb: {  	s7 =	simm.s32 @p0 $0x0  }
0x1cc: {  	_ =	swait.ge [sflag:s28], $0x1680;
	s26 =	sadd.s32 s4, s7  }
0x1cd: {  	[sflag:s28] =	ssyncset.done $0x0;
	s6 =	sshrl.u32 s26, $0x3  }
0x1ce: {  	[sflag:s28] =	ssyncadd.s32 $0xFFFFE980;
	s29 =	sadd.s32 s24, s6  }
0x1cf: {  	[tilespmem:s14], [sflag:$0x4] =	stream.linear.gather [hbm4b:s29+s1], $0x28, $0x38;
	[tilespmem:$0x1A9A0] =	vst v63  }
0x1d0: {  	s6 =	sadd.s32 s3, s6  }
0x1d1: {  	[tilespmem:s12], [sflag:$0x4] =	stream.linear.gather [hbm4b:s6+s1], $0x28, $0x38;
	[tilespmem:$0x1A9A0] =	vst v63  }
0x1d2: {  	_ = 	snop  }
0x1d3: {  	[tilespmem:s19], [sflag:$0x3] =	stream.indirect.gather [hbm4b:s23+s13], $0x90, s18, s13, $0xb8;
	[tilespmem:$0x1A9A0] =	vst v63  }
0x1d4: {  	_ =	swait.ge [sflag:s31], $0x1400  }
0x1d5: {  	[sflag:s31] =	ssyncset.done $0x0  }
0x1d6: {  	[sflag:s31] =	ssyncadd.s32 $0xFFFFEC00  }
0x1d7: {  	_ =	swait.ge [sflag:s16], $0x1400  }
0x1d8: {  	[sflag:s16] =	ssyncset.done $0x0  }
0x1d9: {  	s30 =	simm.s32 $0x16900;
	[sflag:s16] =	ssyncadd.s32 $0xFFFFEC00  }
0x1da: {  	s6 =	simm.s32 $0x17D00;
	v9 =	vld [tilespmem:s30+$0xF0]  }
0x1db: {  	v10 =	vld [tilespmem:s6+$0xF0]  }
0x1dc: {  	v11 =	vld [tilespmem:s6+$0xFFFFFF00]  }
0x1dd: {  	v12 =	vld [tilespmem:s30+$0xD0]  }
0x1de: {  	v13 =	vld [tilespmem:s6+$0xD0]  }
0x1df: {  	v14 =	vld [tilespmem:s30+$0xFFFFFF80]  }
0x1e0: {  	v15 =	vld [tilespmem:s30+$0xC0]  }
0x1e1: {  	v46 =	vld [tilespmem:s6+$0xC0]  }
0x1e2: {  	v17 =	vld [tilespmem:s6+$0xFFFFFF80]  }
0x1e3: {  	v47 =	vld [tilespmem:s30+$0xA0]  }
0x1e4: {  	v48 =	vld [tilespmem:s6+$0xA0]  }
0x1e5: {  	v20 =	vld [tilespmem:s30+$0x0]  }
0x1e6: {  	v49 =	vld [tilespmem:s30+$0x90]  }
0x1e7: {  	v50 =	vld [tilespmem:s6+$0x90]  }
0x1e8: {  	v23 =	vld [tilespmem:s6+$0x0]  }
0x1e9: {  	v51 =	vld [tilespmem:s30+$0x80]  }
0x1ea: {  	v52 =	vld [tilespmem:s6+$0x80]  }
0x1eb: {  	v53 =	vld [tilespmem:s30+$0xFFFFFF00]  }
0x1ec: {  	v54 =	vld [tilespmem:s30+$0xB0]  }
0x1ed: {  	v55 =	vld [tilespmem:s6+$0xB0]  }
0x1ee: {  	v56 =	vld [tilespmem:s6+$0xFFFFFF10]  }
0x1ef: {  	v18 =	vld [tilespmem:s30+$0xFFFFFF90];
	v9 =	vmul.f32 v10, v9  }
0x1f0: {  	v57 =	vld [tilespmem:s6+$0xFFFFFF90];
	v12 =	vmul.f32 v13, v12  }
0x1f1: {  	v22 =	vld [tilespmem:s30+$0xFFFFFF20];
	(xrf2) =	vadd.scan.msk.f32 $0xffff, v9;
	v9 =	vmul.f32 v46, v15  }
0x1f2: {  	v59 =	vld [tilespmem:s6+$0xFFFFFF20];
	(xrf2) =	vadd.scan.msk.f32 $0xffff, v12;
	v12 =	vmul.f32 v48, v47  }
0x1f3: {  	v60 =	vld [tilespmem:s30+$0xFFFFFFA0];
	(xrf2) =	vadd.scan.msk.f32 $0xffff, v9;
	v9 =	vmul.f32 v50, v49  }
0x1f4: {  	v13 =	vld [tilespmem:s30+$0xE0];
	(xrf2) =	vadd.scan.msk.f32 $0xffff, v12;
	v12 =	vmul.f32 v52, v51  }
0x1f5: {  	v15 =	vld [tilespmem:s6+$0xE0];
	(xrf2) =	vadd.scan.msk.f32 $0xffff, v9  }
0x1f6: {  	v62 =	vld [tilespmem:s30+$0x20];
	(xrf2) =	vadd.scan.msk.f32 $0xffff, v12  }
0x1f7: {  	v45 =	vld [tilespmem:s30+$0xFFFFFF30];
	v58 =	vmul.f32 v55, v54  }
0x1f8: {  	v32 =	vld [tilespmem:s6+$0xFFFFFF30]  }
0x1f9: {  	v34 =	vld [tilespmem:s30+$0xFFFFFFB0];
	(xrf2) =	vadd.scan.msk.f32 $0xffff, v58  }
0x1fa: {  	v36 =	vld [tilespmem:s6+$0xFFFFFFB0];
	v13 =	vmul.f32 v15, v13  }
0x1fb: {  	v37 =	vld [tilespmem:s30+$0x30];
	v61, _, _ =	vpop (xrf2)  }
0x1fc: {  	v38 =	vld [tilespmem:s6+$0x30];
	(xrf2) =	vadd.scan.msk.f32 $0xffff, v13;
	v63, _, _ =	vpop (xrf2)  }
0x1fd: {  	v40 =	vld [tilespmem:s30+$0xFFFFFF40];
	v44, _, _ =	vpop (xrf2)  }
0x1fe: {  	v10 =	vld [tilespmem:s30+$0xFFFFFF10];
	v46, _, _ =	vpop (xrf2)  }
0x1ff: {  	v55 =	vld [tilespmem:s6+$0xFFFFFFC0];
	v33, _, _ =	vpop (xrf2)  }
0x200: {  	v9 =	vld [tilespmem:s30+$0x10];
	v35, _, _ =	vpop (xrf2)  }
0x201: {  	v11 =	vmul.f32 v11, v53;
	v12 =	vld [tilespmem:s6+$0x10];
	v35 =	vbroadcast v35, $0xF  }
0x202: {  	v14 =	vmul.f32 v17, v14;
	v49 =	vld [tilespmem:s6+$0xFFFFFF40];
	v33 =	vbroadcast v33, $0xF  }
0x203: {  	v20 =	vmul.f32 v23, v20;
	v52 =	vld [tilespmem:s30+$0xFFFFFFC0];
	(xrf2) =	vadd.scan.msk.f32 $0xffff, v11;
	v31 =	vbroadcast v46, $0xF;
	v39, _, _ =	vpop (xrf2);
	v35 =	vnsel vm0, $0x0, v35  }
0x204: {  	v10 =	vmul.f32 v56, v10;
	v15 =	vld [tilespmem:s6+$0xFFFFFFA0];
	(xrf2) =	vadd.scan.msk.f32 $0xffff, v14;
	v48 =	vbroadcast v39, $0xF;
	v47 =	vsel vm1, v35, v33  }
0x205: {  	v18 =	vmul.f32 v57, v18;
	v13 =	vld [tilespmem:s6+$0x20];
	v51 =	vbroadcast v44, $0xF;
	(xrf2) =	vadd.scan.msk.f32 $0xffff, v20;
	v50 =	vsel vm2, v47, v31  }
0x206: {  	v56 =	vld [tilespmem:s30+$0x40];
	v9 =	vmul.f32 v12, v9;
	v53 =	vbroadcast v63, $0xF;
	(xrf2) =	vadd.scan.msk.f32 $0xffff, v10;
	v54, _, _ =	vpop (xrf2);
	v11 =	vsel vm3, v50, v48  }
0x207: {  	v58 =	vld [tilespmem:s6+$0x40];
	v12 =	vmul.f32 v59, v22;
	(xrf2) =	vadd.scan.msk.f32 $0xffff, v18;
	v14 =	vbroadcast v54, $0xF;
	v11 =	vsel vm4, v11, v51  }
0x208: {  	v59 =	vld [tilespmem:s6+$0xFFFFFFD0];
	v57 =	vbroadcast v61, $0xF;
	(xrf2) =	vadd.scan.msk.f32 $0xffff, v9;
	v11 =	vsel vm5, v11, v53  }
0x209: {  	v15 =	vmul.f32 v15, v60;
	v60 =	vld [tilespmem:s30+$0x50];
	(xrf2) =	vadd.scan.msk.f32 $0xffff, v12;
	v12 =	vmul.f32 v32, v45;
	v10 =	vsel vm6, v11, v14  }
0x20a: {  	v61 =	vld [tilespmem:s30+$0xFFFFFF60];
	v13 =	vmul.f32 v13, v62;
	v10 =	vsel vm7, v10, v57  }
0x20b: {  	v9 =	vld [tilespmem:s30+$0xFFFFFFD0];
	(xrf2) =	vadd.scan.msk.f32 $0xffff, v15;
	v10 =	vmax.f32 v10, $-5.000000000e+00  }
0x20c: {  	(xrf2) =	vadd.scan.msk.f32 $0xffff, v13;
	v13 =	vmul.f32 v36, v34;
	v11 =	vld [tilespmem:s30+$0xFFFFFF50];
	v10 =	vmin.f32 v10, $5.000000000e+00  }
0x20d: {  	v62 =	vmul.f32 v38, v37;
	(xrf2) =	vadd.scan.msk.f32 $0xffff, v12;
	v12, _, _ =	vpop (xrf2);
	v14 =	vld [tilespmem:s6+$0xFFFFFF50];
	v10 =	vmul.f32 $4.000000000e+00, v10  }
0x20e: {  	v63 =	vld [tilespmem:s6+$0xFFFFFF60];
	v32 =	vmul.f32 v49, v40;
	v31, _, _ =	vpop (xrf2);
	(xrf2) =	vadd.scan.msk.f32 $0xffff, v13  }
0x20f: {  	v15 =	vld [tilespmem:s6+$0x50];
	v13 =	vmul.f32 v55, v52;
	(xrf2) =	vadd.scan.msk.f32 $0xffff, v62;
	v10 =	vmul.f32 $1.442695020e+00, v10  }
0x210: {  	v37 =	vld [tilespmem:s6+$0x60];
	v33, _, _ =	vpop (xrf2)  }
0x211: {  	v16 =	vmul.f32 v58, v56;
	v45 =	vld [tilespmem:s30+$0x70];
	v35, _, _ =	vpop (xrf2);
	(xrf2) =	vadd.scan.msk.f32 $0xffff, v32;
	(erf) = vpow2.f32 v10  }
0x212: {  	v36 =	vld [tilespmem:s30+$0x60];
	v9 =	vmul.f32 v59, v9;
	(xrf2) =	vadd.scan.msk.f32 $0xffff, v13;
	v11 =	vmul.f32 v14, v11;
	v14, _, _ =	vpop (xrf2)  }
0x213: {  	v34 =	vld [tilespmem:s6+$0xFFFFFFE0];
	(xrf2) =	vadd.scan.msk.f32 $0xffff, v16;
	v13, _, _ =	vpop (xrf2)  }
0x214: {  	v48 =	vld [tilespmem:s6+$0x70];
	v12 =	vbroadcast v12, $0xF;
	v15 =	vmul.f32 v15, v60;
	v41, _, _ =	vpop (xrf2);
	(xrf2) =	vadd.scan.msk.f32 $0xffff, v11  }
0x215: {  	v20 =	vmul.f32 v63, v61;
	v11 =	vbroadcast v33, $0xF;
	v10 =	vld [tilespmem:s30+$0xFFFFFFE0];
	v43, _, _ =	vpop (xrf2);
	(xrf2) =	vadd.scan.msk.f32 $0xffff, v9  }
0x216: {  	v39 =	vbroadcast v31, $0xF;
	v12 =	vnsel vm0, $0x0, v12;
	v13 =	vbroadcast v13, $0xF;
	v9, _, _ =	vpop (xrf2);
	(xrf2) =	vadd.scan.msk.f32 $0xffff, v15  }
0x217: {  	v21 =	vmul.f32 v37, v36;
	v19 =	vbroadcast v35, $0xF;
	v11 =	vnsel vm0, $0x0, v11;
	v46, _, _ =	vpop (xrf2)  }
0x218: {  	v14 =	vbroadcast v14, $0xF;
	v11 =	vsel vm1, v11, v13;
	v13 =	vbroadcast v43, $0xF;
	v49, _, _ =	vpop (xrf2)  }
0x219: {  	v12 =	vsel vm1, v12, v19;
	v52 =	vbroadcast v9, $0xF;
	v9 =	vmul.f32 v48, v45;
	(xrf2) =	vadd.scan.msk.f32 $0xffff, v20;
	v50, _, _ =	vpop (xrf2)  }
0x21a: {  	v38 =	vld [tilespmem:s30+$0xFFFFFF70];
	v16 =	vnsel vm0, $0x0, v39;
	v54 =	vbroadcast v46, $0xF;
	v47 =	vmul.f32 v34, v10;
	v15 =	vpop (erf)  }
0x21b: {  	v40 =	vld [tilespmem:s6+$0xFFFFFF70];
	v55 =	vbroadcast v49, $0xF;
	v10 =	vsel vm1, v16, v14;
	v51, _, _ =	vpop (xrf2);
	v14 =	vmul.f32 v0, v15  }
0x21c: {  	s7 =	simm.s32 $0x1A6A0;
	v42 =	vld [tilespmem:s30+$0xFFFFFFF0];
	v11 =	vsel vm2, v11, v52;
	v53, _, _ =	vpop (xrf2);
	v13 =	vsel vm2, v10, v13;
	(xrf2) =	vadd.scan.msk.f32 $0xffff, v47;
	v15 =	vbroadcast v41, $0xF  }
0x21d: {  	v44 =	vld [tilespmem:s6+$0xFFFFFFF0];
	v57 =	vbroadcast v51, $0xF;
	v56, _, _ =	vpop (xrf2);
	v13 =	vsel vm3, v13, v55;
	[tilespmem:s7+$0x10] =	vst v14;
	v14 =	vbroadcast v50, $0xF  }
0x21e: {  	v59 =	vbroadcast v53, $0xF;
	v22 =	vbroadcast v56, $0xF;
	v58, _, _ =	vpop (xrf2);
	v12 =	vsel vm2, v12, v15  }
0x21f: {  	(xrf2) =	vadd.scan.msk.f32 $0xffff, v21;
	v60, _, _ =	vpop (xrf2);
	v12 =	vsel vm3, v12, v54;
	v11 =	vsel vm3, v11, v14;
	v14 =	vbroadcast v58, $0xF  }
0x220: {  	v61 =	vbroadcast v60, $0xF;
	v63, _, _ =	vpop (xrf2);
	v15 =	vmul.f32 v40, v38;
	v12 =	vsel vm4, v12, v57  }
0x221: {  	v62 =	vsel vm4, v13, v59;
	v12 =	vsel vm5, v12, v14;
	v14 =	vbroadcast v63, $0xF  }
0x222: {  	s8 =	simm.s32 $0x0;
	s9 =	simm.s32 $0x16B00;
	v10 =	vmul.f32 v44, v42;
	(xrf2) =	vadd.scan.msk.f32 $0xffff, v15;
	v13 =	vsel vm4, v11, v22;
	v11 =	vsel vm5, v62, v61  }
.LBB2_7:
0x223: {  	v15 =	vld [tilespmem:s9+$0xF0];
	v13 =	vsel vm5, v13, v14;
	s6 =	sadd.s32 $0x200, s6;
	v14, _, _ =	vpop (xrf2)  }
0x224: {  	v16 =	vld [tilespmem:s6+$0xF0];
	v18 =	vbroadcast v14, $0xF  }
0x225: {  	v17 =	vld [tilespmem:s6+$0xFFFFFF00];
	(xrf2) =	vadd.scan.msk.f32 $0xffff, v10  }
0x226: {  	v10 =	vld [tilespmem:s9+$0xD0];
	v12 =	vsel vm6, v12, v18;
	v14, _, _ =	vpop (xrf2)  }
0x227: {  	v18 =	vld [tilespmem:s6+$0xD0];
	v20 =	vbroadcast v14, $0xF  }
0x228: {  	v19 =	vld [tilespmem:s9+$0xFFFFFF80];
	(xrf2) =	vadd.scan.msk.f32 $0xffff, v9  }
0x229: {  	v9 =	vld [tilespmem:s9+$0xC0];
	v15 =	vmul.f32 v16, v15;
	v11 =	vsel vm6, v11, v20;
	v14, _, _ =	vpop (xrf2)  }
0x22a: {  	v16 =	vld [tilespmem:s6+$0xC0];
	v21 =	vbroadcast v14, $0xF  }
0x22b: {  	v20 =	vld [tilespmem:s6+$0xFFFFFF80];
	(xrf2) =	vadd.scan.msk.f32 $0xffff, v15  }
0x22c: {  	v15 =	vld [tilespmem:s9+$0xA0];
	v10 =	vmul.f32 v18, v10;
	v13 =	vsel vm6, v13, v21;
	v14, _, _ =	vpop (xrf2)  }
0x22d: {  	v18 =	vld [tilespmem:s6+$0xA0];
	v22 =	vbroadcast v14, $0xF  }
0x22e: {  	v21 =	vld [tilespmem:s9+$0x0];
	(xrf2) =	vadd.scan.msk.f32 $0xffff, v10  }
0x22f: {  	v10 =	vld [tilespmem:s9+$0x90];
	v9 =	vmul.f32 v16, v9;
	v12 =	vsel vm7, v12, v22;
	v14, _, _ =	vpop (xrf2)  }
0x230: {  	v16 =	vmul.f32 v20, v19;
	v19 =	vld [tilespmem:s6+$0x90];
	v12 =	vmax.f32 v12, $-5.000000000e+00;
	v22 =	vbroadcast v14, $0xF  }
0x231: {  	v20 =	vld [tilespmem:s6+$0x0];
	(xrf2) =	vadd.scan.msk.f32 $0xffff, v9;
	v9 =	vmin.f32 v12, $5.000000000e+00  }
0x232: {  	v12 =	vld [tilespmem:s9+$0x80];
	v15 =	vmul.f32 v18, v15;
	v9 =	vmul.f32 $4.000000000e+00, v9;
	v11 =	vsel vm7, v11, v22;
	v14, _, _ =	vpop (xrf2)  }
0x233: {  	s8 =	sadd.s32 $0x4, s8;
	v18 =	vld [tilespmem:s6+$0x80];
	v11 =	vmax.f32 v11, $-5.000000000e+00;
	v14 =	vbroadcast v14, $0xF  }
0x234: {  	p0 =	slt.u32 s8, $0x24;
	v22 =	vld [tilespmem:s9+$0xFFFFFF00];
	(xrf2) =	vadd.scan.msk.f32 $0xffff, v15;
	v9 =	vmul.f32 $1.442695020e+00, v9;
	v11 =	vmin.f32 v11, $5.000000000e+00  }
0x235: {  	v10 =	vmul.f32 v19, v10;
	v15 =	vld [tilespmem:s9+$0xB0];
	v19, _, _ =	vpop (xrf2);
	v11 =	vmul.f32 $4.000000000e+00, v11;
	v13 =	vsel vm7, v13, v14  }
0x236: {  	v14 =	vmul.f32 v20, v21;
	v20 =	vld [tilespmem:s6+$0xB0];
	v13 =	vmax.f32 v13, $-5.000000000e+00;
	(erf) = vpow2.f32 v9  }
0x237: {  	v9 =	vld [tilespmem:s9+$0xFFFFFF10];
	(xrf2) =	vadd.scan.msk.f32 $0xffff, v10;
	v10 =	vmul.f32 $1.442695020e+00, v11;
	v11 =	vmin.f32 v13, $5.000000000e+00  }
0x238: {  	v12 =	vmul.f32 v18, v12;
	v13 =	vld [tilespmem:s9+$0xE0];
	v18, _, _ =	vpop (xrf2);
	v11 =	vmul.f32 $4.000000000e+00, v11  }
0x239: {  	v17 =	vmul.f32 v17, v22;
	v21 =	vld [tilespmem:s6+$0xE0];
	(erf) = vpow2.f32 v10  }
0x23a: {  	v10 =	vld [tilespmem:s6+$0xFFFFFF10];
	(xrf2) =	vadd.scan.msk.f32 $0xffff, v12;
	v11 =	vmul.f32 $1.442695020e+00, v11  }
0x23b: {  	v12 =	vld [tilespmem:s9+$0xFFFFFF90];
	v15 =	vmul.f32 v20, v15;
	v20, _, _ =	vpop (xrf2)  }
0x23c: {  	v22 =	vld [tilespmem:s6+$0xFFFFFF90];
	(erf) = vpow2.f32 v11  }
0x23d: {  	v11 =	vld [tilespmem:s9+$0x10];
	(xrf2) =	vadd.scan.msk.f32 $0xffff, v15  }
0x23e: {  	v15 =	vld [tilespmem:s6+$0x10];
	v13 =	vmul.f32 v21, v13;
	v21, _, _ =	vpop (xrf2)  }
0x23f: {  	v9 =	vmul.f32 v10, v9;
	v10 =	vld [tilespmem:s9+$0xFFFFFF20];
	v23 =	vpop (erf)  }
0x240: {  	v24 =	vld [tilespmem:s6+$0xFFFFFF20];
	(xrf2) =	vadd.scan.msk.f32 $0xffff, v13;
	v26 =	vmul.f32 v0, v23  }
0x241: {  	v12 =	vmul.f32 v22, v12;
	v22 =	vld [tilespmem:s9+$0xFFFFFFA0];
	v23, _, _ =	vpop (xrf2)  }
0x242: {  	v25 =	vld [tilespmem:s6+$0xFFFFFFA0];
	[tilespmem:s7+$0xFFFFFFE0] =	vst v26;
	v13 =	vpop (erf)  }
0x243: {  	v11 =	vmul.f32 v15, v11;
	v15 =	vld [tilespmem:s9+$0x20];
	(xrf2) =	vadd.scan.msk.f32 $0xffff, v17;
	v27 =	vmul.f32 v0, v13  }
0x244: {  	v17 =	vld [tilespmem:s6+$0x20];
	v26, _, _ =	vpop (xrf2)  }
0x245: {  	v10 =	vmul.f32 v24, v10;
	v24 =	vld [tilespmem:s9+$0xFFFFFF30];
	v28 =	vbroadcast v26, $0xF;
	[tilespmem:s7+$0xFFFFFFF0] =	vst v27;
	v13 =	vpop (erf)  }
0x246: {  	v23 =	vbroadcast v23, $0xF;
	v27 =	vld [tilespmem:s6+$0xFFFFFF30];
	(xrf2) =	vadd.scan.msk.f32 $0xffff, v16;
	v13 =	vmul.f32 v0, v13  }
0x247: {  	v29 =	vbroadcast v21, $0xF;
	v16 =	vmul.f32 v25, v22;
	v22 =	vld [tilespmem:s9+$0xFFFFFFB0];
	v25 =	vnsel vm0, $0x0, v28;
	v26, _, _ =	vpop (xrf2)  }
0x248: {  	v28 =	vld [tilespmem:s6+$0xFFFFFFB0];
	v23 =	vsel vm1, v25, v23;
	v25 =	vbroadcast v26, $0xF;
	[tilespmem:s7+$0x0] =	vst v13  }
0x249: {  	v20 =	vbroadcast v20, $0xF;
	v13 =	vmul.f32 v17, v15;
	v15 =	vld [tilespmem:s9+$0x30];
	v17 =	vsel vm2, v23, v29;
	(xrf2) =	vadd.scan.msk.f32 $0xffff, v14  }
0x24a: {  	v18 =	vbroadcast v18, $0xF;
	v14 =	vld [tilespmem:s6+$0x30];
	v17 =	vsel vm3, v17, v25;
	v21, _, _ =	vpop (xrf2)  }
0x24b: {  	v23 =	vmul.f32 v27, v24;
	v24 =	vld [tilespmem:s9+$0xFFFFFF40];
	v17 =	vsel vm4, v17, v20;
	v25 =	vbroadcast v21, $0xF  }
0x24c: {  	v21 =	vld [tilespmem:s6+$0xFFFFFF40];
	v17 =	vsel vm5, v17, v18;
	v18 =	vbroadcast v19, $0xF;
	(xrf2) =	vadd.scan.msk.f32 $0xffff, v9  }
0x24d: {  	v9 =	vmul.f32 v28, v22;
	v19 =	vld [tilespmem:s9+$0xFFFFFFC0];
	v17 =	vsel vm6, v17, v25;
	v20, _, _ =	vpop (xrf2)  }
0x24e: {  	v25 =	vbroadcast v20, $0xF;
	v22 =	vld [tilespmem:s6+$0xFFFFFFC0];
	v17 =	vsel vm7, v17, v18  }
0x24f: {  	v14 =	vmul.f32 v14, v15;
	v15 =	vld [tilespmem:s9+$0x40];
	v17 =	vmax.f32 v17, $-5.000000000e+00;
	(xrf2) =	vadd.scan.msk.f32 $0xffff, v12  }
0x250: {  	v12 =	vnsel vm0, $0x0, v25;
	v18 =	vld [tilespmem:s6+$0x40];
	v17 =	vmin.f32 v17, $5.000000000e+00;
	v20, _, _ =	vpop (xrf2)  }
0x251: {  	v21 =	vmul.f32 v21, v24;
	v24 =	vld [tilespmem:s9+$0xFFFFFF50];
	v17 =	vmul.f32 $4.000000000e+00, v17  }
0x252: {  	v20 =	vbroadcast v20, $0xF;
	v25 =	vld [tilespmem:s6+$0xFFFFFF50];
	(xrf2) =	vadd.scan.msk.f32 $0xffff, v11  }
0x253: {  	v11 =	vmul.f32 v22, v19;
	v19 =	vld [tilespmem:s9+$0xFFFFFFD0];
	v17 =	vmul.f32 $1.442695020e+00, v17;
	v22, _, _ =	vpop (xrf2)  }
0x254: {  	v20 =	vnsel vm0, $0x0, v20;
	v26 =	vld [tilespmem:s6+$0xFFFFFFD0];
	v27 =	vbroadcast v22, $0xF  }
0x255: {  	v15 =	vmul.f32 v18, v15;
	v18 =	vld [tilespmem:s9+$0x50];
	(xrf2) =	vadd.scan.msk.f32 $0xffff, v10;
	(erf) = vpow2.f32 v17  }
0x256: {  	v10 =	vnsel vm0, $0x0, v27;
	v17 =	vld [tilespmem:s6+$0x50];
	v22, _, _ =	vpop (xrf2)  }
0x257: {  	v28 =	vbroadcast v22, $0xF;
	v24 =	vmul.f32 v25, v24;
	v25 =	vld [tilespmem:s9+$0xFFFFFF60]  }
0x258: {  	v27 =	vld [tilespmem:s6+$0xFFFFFF60];
	(xrf2) =	vadd.scan.msk.f32 $0xffff, v16  }
0x259: {  	v12 =	vsel vm1, v12, v28;
	v16 =	vmul.f32 v26, v19;
	v19 =	vld [tilespmem:s9+$0xFFFFFFE0];
	v22, _, _ =	vpop (xrf2)  }
0x25a: {  	v28 =	vbroadcast v22, $0xF;
	v26 =	vld [tilespmem:s6+$0xFFFFFFE0]  }
0x25b: {  	v17 =	vmul.f32 v17, v18;
	v18 =	vld [tilespmem:s9+$0x60];
	(xrf2) =	vadd.scan.msk.f32 $0xffff, v13  }
0x25c: {  	v13 =	vsel vm1, v20, v28;
	v20 =	vld [tilespmem:s6+$0x60];
	v22, _, _ =	vpop (xrf2)  }
0x25d: {  	v25 =	vmul.f32 v27, v25;
	v27 =	vld [tilespmem:s9+$0xFFFFFF70];
	v22 =	vbroadcast v22, $0xF  }
0x25e: {  	v28 =	vld [tilespmem:s6+$0xFFFFFF70];
	(xrf2) =	vadd.scan.msk.f32 $0xffff, v23;
	v23 =	vpop (erf)  }
0x25f: {  	v19 =	vmul.f32 v26, v19;
	v26 =	vld [tilespmem:s9+$0xFFFFFFF0];
	v22 =	vsel vm1, v10, v22;
	v30 =	vmul.f32 v0, v23;
	v23, _, _ =	vpop (xrf2)  }
0x260: {  	s7 =	sadd.s32 $0x40, s7;
	v23 =	vbroadcast v23, $0xF;
	v29 =	vld [tilespmem:s6+$0xFFFFFFF0]  }
0x261: {  	v18 =	vmul.f32 v20, v18;
	v20 =	vld [tilespmem:s9+$0x70];
	[tilespmem:s7+$0x10] =	vst v30;
	(xrf2) =	vadd.scan.msk.f32 $0xffff, v9  }
0x262: {  	v12 =	vsel vm2, v12, v23;
	v9 =	vld [tilespmem:s6+$0x70];
	v10, _, _ =	vpop (xrf2)  }
0x263: {  	v23 =	vmul.f32 v28, v27;
	v10 =	vbroadcast v10, $0xF  }
0x264: {  	(xrf2) =	vadd.scan.msk.f32 $0xffff, v14  }
0x265: {  	v13 =	vsel vm2, v13, v10;
	v10 =	vmul.f32 v29, v26;
	v14, _, _ =	vpop (xrf2)  }
0x266: {  	v14 =	vbroadcast v14, $0xF  }
0x267: {  	v9 =	vmul.f32 v9, v20;
	(xrf2) =	vadd.scan.msk.f32 $0xffff, v21  }
0x268: {  	v14 =	vsel vm2, v22, v14;
	v20, _, _ =	vpop (xrf2)  }
0x269: {  	v20 =	vbroadcast v20, $0xF  }
0x26a: {  	(xrf2) =	vadd.scan.msk.f32 $0xffff, v11  }
0x26b: {  	v11 =	vsel vm3, v12, v20;
	v12, _, _ =	vpop (xrf2)  }
0x26c: {  	v12 =	vbroadcast v12, $0xF  }
0x26d: {  	(xrf2) =	vadd.scan.msk.f32 $0xffff, v15  }
0x26e: {  	v12 =	vsel vm3, v13, v12;
	v13, _, _ =	vpop (xrf2)  }
0x26f: {  	v13 =	vbroadcast v13, $0xF  }
0x270: {  	(xrf2) =	vadd.scan.msk.f32 $0xffff, v24  }
0x271: {  	v13 =	vsel vm3, v14, v13;
	v14, _, _ =	vpop (xrf2)  }
0x272: {  	v15 =	vbroadcast v14, $0xF  }
0x273: {  	(xrf2) =	vadd.scan.msk.f32 $0xffff, v16  }
0x274: {  	v11 =	vsel vm4, v11, v15;
	v14, _, _ =	vpop (xrf2)  }
0x275: {  	v14 =	vbroadcast v14, $0xF  }
0x276: {  	(xrf2) =	vadd.scan.msk.f32 $0xffff, v17  }
0x277: {  	v14 =	vsel vm4, v12, v14;
	v12, _, _ =	vpop (xrf2)  }
0x278: {  	v15 =	vbroadcast v12, $0xF  }
0x279: {  	(xrf2) =	vadd.scan.msk.f32 $0xffff, v25  }
0x27a: {  	v13 =	vsel vm4, v13, v15;
	v12, _, _ =	vpop (xrf2)  }
0x27b: {  	v12 =	vbroadcast v12, $0xF  }
0x27c: {  	(xrf2) =	vadd.scan.msk.f32 $0xffff, v19  }
0x27d: {  	v12 =	vsel vm5, v11, v12;
	v11, _, _ =	vpop (xrf2)  }
.Ltmp2:
0x27e: {  	v11 =	vbroadcast v11, $0xF;
	(pc) =	sbr.rel @p0 .LBB2_7-.Ltmp2, $4  }
0x27f: {  	(xrf2) =	vadd.scan.msk.f32 $0xffff, v18  }
0x280: {  	v11 =	vsel vm5, v14, v11;
	v14, _, _ =	vpop (xrf2)  }
0x281: {  	v14 =	vbroadcast v14, $0xF  }
0x282: {  	s9 =	sadd.s32 $0x200, s9;
	(xrf2) =	vadd.scan.msk.f32 $0xffff, v23  }
0x283: {  	(xrf2) =	vadd.scan.msk.f32 $0xffff, v10  }
0x284: {  	(xrf2) =	vadd.scan.msk.f32 $0xffff, v9;
	_ =	sdelay $0x4  }
0x285: {  	v9, _, _ =	vpop (xrf2)  }
0x286: {  	v10, _, _ =	vpop (xrf2)  }
0x287: {  	v15, _, _ =	vpop (xrf2)  }
0x288: {  	v9 =	vbroadcast v9, $0xF;
	v16, _, _ =	vpop (xrf2)  }
0x289: {  	v13 =	vsel vm5, v13, v14;
	v10 =	vbroadcast v10, $0xF;
	v14 =	vbroadcast v16, $0xF;
	v16, _, _ =	vpop (xrf2)  }
0x28a: {  	v9 =	vsel vm6, v12, v9;
	v12 =	vbroadcast v15, $0xF;
	v15 =	vbroadcast v16, $0xF;
	v16, _, _ =	vpop (xrf2)  }
0x28b: {  	v10 =	vsel vm6, v11, v10;
	v9 =	vsel vm7, v9, v14;
	v11 =	vbroadcast v16, $0xF  }
0x28c: {  	v12 =	vsel vm6, v13, v12;
	v9 =	vmax.f32 v9, $-5.000000000e+00;
	v10 =	vsel vm7, v10, v15  }
0x28d: {  	v9 =	vmin.f32 v9, $5.000000000e+00;
	v10 =	vmax.f32 v10, $-5.000000000e+00;
	v11 =	vsel vm7, v12, v11  }
0x28e: {  	v9 =	vmul.f32 $4.000000000e+00, v9;
	v10 =	vmin.f32 v10, $5.000000000e+00;
	v11 =	vmax.f32 v11, $-5.000000000e+00  }
0x28f: {  	v10 =	vmul.f32 $4.000000000e+00, v10;
	v11 =	vmin.f32 v11, $5.000000000e+00  }
0x290: {  	v9 =	vmul.f32 $1.442695020e+00, v9;
	v11 =	vmul.f32 $4.000000000e+00, v11  }
0x291: {  	v10 =	vmul.f32 $1.442695020e+00, v10  }
0x292: {  	(erf) = vpow2.f32 v9;
	v9 =	vmul.f32 $1.442695020e+00, v11  }
0x293: {  	(erf) = vpow2.f32 v10  }
0x294: {  	(erf) = vpow2.f32 v9;
	_ =	sdelay $0x6  }
0x295: {  	v9 =	vpop (erf)  }
0x296: {  	v9 =	vmul.f32 v0, v9;
	v10 =	vpop (erf)  }
0x297: {  	v10 =	vmul.f32 v0, v10;
	v11 =	vpop (erf)  }
0x298: {  	[tilespmem:s7+$0xFFFFFFE0] =	vst v9;
	v9 =	vmul.f32 v0, v11  }
0x299: {  	[tilespmem:s7+$0xFFFFFFF0] =	vst v10  }
0x29a: {  	[tilespmem:s7+$0x0] =	vst v9  }
0x29b: {  	_ =	swait.ge [sflag:s0], $0x28  }
0x29c: {  	[sflag:s0] =	ssyncset.done $0x0  }
0x29d: {  	[sflag:s0] =	ssyncadd.s32 $0xFFFFFFD8  }
0x29e: {  	_ =	swait.ge [sflag:s0], $0x28  }
0x29f: {  	[sflag:s0] =	ssyncset.done $0x0  }
0x2a0: {  	[sflag:s0] =	ssyncadd.s32 $0xFFFFFFD8  }
0x2a1: {  	[tilespmem:s15], [sflag:$0x1] =	stream.indirect.gather [hbm4b:s21+s13], $0x80, s14, s13, $0xb8;
	[tilespmem:$0x1A9A0] =	vst v63  }
0x2a2: {  	_ = 	snop  }
0x2a3: {  	[tilespmem:s17], [sflag:$0x2] =	stream.indirect.gather [hbm4b:s22+s13], $0x80, s12, s13, $0xb8;
	[tilespmem:$0x1A9A0] =	vst v63  }
0x2a4: {  	_ =	swait.ge [sflag:s2], $0x1680  }
0x2a5: {  	[sflag:s2] =	ssyncset.done $0x0  }
0x2a6: {  	s30 =	simm.s32 $0x1A6A0;
	[sflag:s2] =	ssyncadd.s32 $0xFFFFE980  }
0x2a7: {  	v12 =	vld [tilespmem:s30+$0x10]  }
0x2a8: {  	s6 =	simm.s32 $0x19120;
	v9 =	vld [tilespmem:s30+$0xFFFFFFF0]  }
0x2a9: {  	v10 =	vld [tilespmem:s6+$0x100]  }
0x2aa: {  	v11 =	vld [tilespmem:s30+$0x0]  }
0x2ab: {  	v13 =	vld [tilespmem:s30+$0xFFFFFFE0]  }
0x2ac: {  	v14 =	vld [tilespmem:s6+$0xFFFFFEE0]  }
0x2ad: {  	v15 =	vld [tilespmem:s6+$0xFFFFFEF0];
	v16 =	vperm.xlane v12, v1  }
0x2ae: {  	v17 =	vld [tilespmem:s6+$0xFFFFFF00];
	v18 =	vperm.xlane v12, v8;
	v19 =	vperm.xlane v9, v1  }
0x2af: {  	v20 =	vld [tilespmem:s6+$0xFFFFFF10];
	v21 =	vperm.xlane v9, v2;
	v22 =	vperm.xlane v9, v3  }
0x2b0: {  	v23 =	vld [tilespmem:s6+$0xFFFFFF20];
	v25 =	vperm.xlane v9, v5;
	v26 =	vperm.xlane v13, v1  }
0x2b1: {  	v24 =	vld [tilespmem:s6+$0xFFFFFF30];
	v28 =	vperm.xlane v13, v2;
	v29 =	vperm.xlane v13, v3  }
0x2b2: {  	v27 =	vld [tilespmem:s6+$0xFFFFFF40];
	v31 =	vperm.xlane v13, v4;
	v32 =	vperm.xlane v13, v5  }
0x2b3: {  	v30 =	vld [tilespmem:s6+$0xFFFFFF50];
	v34 =	vperm.xlane v13, v6;
	v35 =	vperm.xlane v13, v7  }
0x2b4: {  	v33 =	vld [tilespmem:s6+$0xFFFFFF70];
	v37 =	vperm.xlane v13, v8;
	v38 =	vperm.xlane v9, v6  }
0x2b5: {  	v36 =	vld [tilespmem:s6+$0xFFFFFF80];
	v40 =	vperm.xlane v9, v7;
	v41 =	vperm.xlane v9, v8  }
0x2b6: {  	v39 =	vld [tilespmem:s6+$0xFFFFFF90];
	v43 =	vperm.xlane v11, v1;
	v44 =	vperm.xlane v11, v2  }
0x2b7: {  	v42 =	vld [tilespmem:s6+$0xFFFFFFA0];
	v46 =	vperm.xlane v11, v3;
	v47 =	vperm.xlane v11, v4  }
0x2b8: {  	v45 =	vld [tilespmem:s6+$0xFFFFFFB0];
	v49 =	vperm.xlane v11, v5;
	v50 =	vperm.xlane v11, v6  }
0x2b9: {  	v48 =	vld [tilespmem:s6+$0xFFFFFFC0];
	v52 =	vperm.xlane v11, v7;
	v53 =	vperm.xlane v11, v8;
	[tilespmem:s6+$0xFFFFFF60] =	vst v13  }
0x2ba: {  	v51 =	vld [tilespmem:s6+$0xFFFFFFD0];
	v55 =	vperm.xlane v12, v2;
	v13 =	vperm.xlane v12, v3;
	[tilespmem:s6+$0xFFFFFFF0] =	vst v9  }
0x2bb: {  	v54 =	vld [tilespmem:s6+$0xFFFFFFE0];
	[tilespmem:s6+$0x80] =	vst v11;
	v11 =	vperm.xlane v12, v5;
	v10 =	vmul.f32 v10, v18  }
0x2bc: {  	v56 =	vld [tilespmem:s6+$0x0];
	[tilespmem:s6+$0x110] =	vst v12;
	v18 =	vperm.xlane v9, v4;
	v14 =	vmul.f32 v14, v26  }
0x2bd: {  	v60 =	vld [tilespmem:s6+$0x70];
	v15 =	vmul.f32 v15, v28;
	v9 =	vperm.xlane v12, v6;
	[tilespmem:s6+$0x100] =	vst v10  }
0x2be: {  	v62 =	vld [tilespmem:s6+$0x90];
	v17 =	vmul.f32 v17, v29;
	v20 =	vmul.f32 v20, v31;
	[tilespmem:s6+$0xFFFFFEE0] =	vst v14  }
0x2bf: {  	v63 =	vld [tilespmem:s6+$0xA0];
	v23 =	vmul.f32 v23, v32;
	v24 =	vmul.f32 v24, v34;
	[tilespmem:s6+$0xFFFFFEF0] =	vst v15  }
0x2c0: {  	v28 =	vld [tilespmem:s6+$0x10];
	v26 =	vmul.f32 v27, v35;
	v29 =	vmul.f32 v30, v37;
	[tilespmem:s6+$0xFFFFFF00] =	vst v17  }
0x2c1: {  	v30 =	vld [tilespmem:s6+$0x50];
	v19 =	vmul.f32 v33, v19;
	v59 =	vmul.f32 v39, v22;
	[tilespmem:s6+$0xFFFFFF10] =	vst v20  }
0x2c2: {  	v61 =	vmul.f32 v45, v25;
	v27 =	vmul.f32 v48, v38;
	v14 =	vld [tilespmem:s6+$0x20];
	[tilespmem:s6+$0xFFFFFF20] =	vst v23  }
0x2c3: {  	v25 =	vmul.f32 v54, v41;
	v10 =	vperm.xlane v12, v4;
	v15 =	vld [tilespmem:s6+$0x30];
	[tilespmem:s6+$0xFFFFFF30] =	vst v24  }
0x2c4: {  	v12 =	vperm.xlane v12, v7;
	v17 =	vld [tilespmem:s6+$0x40];
	v20 =	vmul.f32 v36, v21;
	[tilespmem:s6+$0xFFFFFF40] =	vst v26  }
0x2c5: {  	v31 =	vld [tilespmem:s6+$0x60];
	v18 =	vmul.f32 v42, v18;
	v26 =	vmul.f32 v51, v40;
	[tilespmem:s6+$0xFFFFFF50] =	vst v29  }
0x2c6: {  	v23 =	vmul.f32 v56, v43;
	[tilespmem:s6+$0xFFFFFF70] =	vst v19;
	v24 =	vmul.f32 v28, v44;
	v28 =	vld [tilespmem:s6+$0xB0]  }
0x2c7: {  	v29 =	vld [tilespmem:s6+$0xC0];
	[tilespmem:s6+$0xFFFFFFA0] =	vst v18;
	v18 =	vmul.f32 v62, v16;
	v16 =	vmul.f32 v63, v55  }
0x2c8: {  	[tilespmem:s6+$0xFFFFFF90] =	vst v59;
	v19 =	vmul.f32 v30, v50;
	v30 =	vld [tilespmem:s6+$0xD0];
	v22 =	vmul.f32 v14, v46  }
0x2c9: {  	[tilespmem:s6+$0xFFFFFF80] =	vst v20;
	v21 =	vmul.f32 v15, v47;
	v20 =	vmul.f32 v17, v49;
	v14 =	vld [tilespmem:s6+$0xE0]  }
0x2ca: {  	s8 =	simm.s32 $0x0;
	s9 =	simm.s32 $0x1A6E0;
	s7 =	simm.s32 $0x19120;
	[tilespmem:s6+$0xFFFFFFB0] =	vst v61;
	v17 =	vmul.f32 v31, v52;
	v15 =	vmul.f32 v60, v53;
	v31 =	vld [tilespmem:s6+$0xF0]  }
.LBB2_9:
0x2cb: {  	v32 =	vld [tilespmem:s9+$0x10];
	s8 =	sadd.s32 $0x4, s8;
	[tilespmem:s6+$0xFFFFFFC0] =	vst v27;
	v13 =	vmul.f32 v28, v13  }
0x2cc: {  	s6 =	sadd.s32 $0x240, s6;
	v27 =	vld [tilespmem:s9+$0xFFFFFFF0];
	p0 =	slt.u32 s8, $0x24;
	[tilespmem:s7+$0xFFFFFFD0] =	vst v26;
	v10 =	vmul.f32 v29, v10  }
0x2cd: {  	v26 =	vld [tilespmem:s6+$0x100];
	[tilespmem:s7+$0xFFFFFFE0] =	vst v25;
	v11 =	vmul.f32 v30, v11  }
0x2ce: {  	v25 =	vld [tilespmem:s9+$0x0];
	[tilespmem:s7+$0x0] =	vst v23;
	v9 =	vmul.f32 v14, v9  }
0x2cf: {  	v23 =	vld [tilespmem:s9+$0xFFFFFFE0];
	[tilespmem:s7+$0x10] =	vst v24;
	v12 =	vmul.f32 v31, v12  }
0x2d0: {  	v24 =	vld [tilespmem:s6+$0xFFFFFEE0];
	v14 =	vperm.xlane v32, v1;
	v28 =	vperm.xlane v32, v8;
	[tilespmem:s7+$0x20] =	vst v22  }
0x2d1: {  	v22 =	vld [tilespmem:s6+$0xFFFFFEF0];
	v29 =	vperm.xlane v27, v1;
	v30 =	vperm.xlane v27, v2;
	[tilespmem:s7+$0x30] =	vst v21  }
0x2d2: {  	v31 =	vperm.xlane v27, v3;
	v21 =	vld [tilespmem:s6+$0xFFFFFF00];
	v26 =	vmul.f32 v26, v28;
	[tilespmem:s7+$0x40] =	vst v20  }
0x2d3: {  	v33 =	vperm.xlane v27, v5;
	v28 =	vperm.xlane v27, v4;
	v20 =	vld [tilespmem:s6+$0xFFFFFF10];
	[tilespmem:s7+$0x50] =	vst v19  }
0x2d4: {  	v19 =	vperm.xlane v23, v1;
	v34 =	vperm.xlane v23, v2;
	v35 =	vld [tilespmem:s6+$0xFFFFFF20];
	[tilespmem:s6+$0x100] =	vst v26  }
0x2d5: {  	v26 =	vperm.xlane v23, v3;
	v36 =	vperm.xlane v23, v4;
	v37 =	vld [tilespmem:s6+$0xFFFFFF30];
	[tilespmem:s7+$0x60] =	vst v17  }
0x2d6: {  	v38 =	vperm.xlane v23, v6;
	v17 =	vperm.xlane v23, v5;
	v39 =	vld [tilespmem:s6+$0xFFFFFF40];
	[tilespmem:s7+$0x70] =	vst v15  }
0x2d7: {  	v40 =	vperm.xlane v23, v8;
	v15 =	vperm.xlane v23, v7;
	v41 =	vld [tilespmem:s6+$0xFFFFFF50];
	[tilespmem:s7+$0x90] =	vst v18  }
0x2d8: {  	v42 =	vperm.xlane v27, v6;
	v43 =	vperm.xlane v27, v7;
	v18 =	vld [tilespmem:s6+$0xFFFFFF70];
	[tilespmem:s7+$0xA0] =	vst v16  }
0x2d9: {  	v44 =	vperm.xlane v27, v8;
	v45 =	vperm.xlane v25, v1;
	v16 =	vld [tilespmem:s6+$0xFFFFFF80];
	[tilespmem:s7+$0xB0] =	vst v13  }
0x2da: {  	v47 =	vperm.xlane v25, v2;
	v48 =	vperm.xlane v25, v3;
	v46 =	vld [tilespmem:s6+$0xFFFFFF90];
	[tilespmem:s7+$0xC0] =	vst v10  }
0x2db: {  	v50 =	vperm.xlane v25, v4;
	v51 =	vperm.xlane v25, v5;
	v49 =	vld [tilespmem:s6+$0xFFFFFFA0];
	[tilespmem:s7+$0xD0] =	vst v11  }
0x2dc: {  	v53 =	vperm.xlane v25, v6;
	v54 =	vperm.xlane v25, v7;
	v52 =	vld [tilespmem:s6+$0xFFFFFFB0];
	[tilespmem:s7+$0xE0] =	vst v9  }
0x2dd: {  	v57 =	vperm.xlane v32, v2;
	v56 =	vperm.xlane v25, v8;
	v55 =	vld [tilespmem:s6+$0xFFFFFFC0];
	[tilespmem:s7+$0xF0] =	vst v12;
	s7 =	smov.u32 s6  }
0x2de: {  	v13 =	vperm.xlane v32, v3;
	v10 =	vperm.xlane v32, v4;
	[tilespmem:s6+$0xFFFFFF60] =	vst v23;
	v23 =	vld [tilespmem:s6+$0xFFFFFFD0]  }
0x2df: {  	v11 =	vperm.xlane v32, v5;
	v9 =	vperm.xlane v32, v6;
	v58 =	vld [tilespmem:s6+$0xFFFFFFE0];
	[tilespmem:s6+$0xFFFFFFF0] =	vst v27  }
0x2e0: {  	v19 =	vmul.f32 v24, v19;
	v12 =	vperm.xlane v32, v7;
	v24 =	vld [tilespmem:s6+$0x0];
	[tilespmem:s6+$0x80] =	vst v25  }
0x2e1: {  	v22 =	vmul.f32 v22, v34;
	v21 =	vmul.f32 v21, v26;
	v34 =	vld [tilespmem:s6+$0x10];
	[tilespmem:s6+$0x110] =	vst v32  }
0x2e2: {  	v17 =	vmul.f32 v35, v17;
	[tilespmem:s6+$0xFFFFFEE0] =	vst v19;
	v19 =	vmul.f32 v20, v36;
	v20 =	vld [tilespmem:s6+$0x20]  }
0x2e3: {  	v15 =	vmul.f32 v39, v15;
	[tilespmem:s6+$0xFFFFFEF0] =	vst v22;
	v22 =	vmul.f32 v37, v38;
	v32 =	vld [tilespmem:s6+$0x30]  }
0x2e4: {  	v18 =	vmul.f32 v18, v29;
	[tilespmem:s6+$0xFFFFFF00] =	vst v21;
	v21 =	vmul.f32 v41, v40;
	v29 =	vld [tilespmem:s6+$0x40]  }
0x2e5: {  	v16 =	vmul.f32 v16, v30;
	v30 =	vmul.f32 v46, v31;
	[tilespmem:s6+$0xFFFFFF10] =	vst v19;
	v19 =	vld [tilespmem:s6+$0x50]  }
0x2e6: {  	v31 =	vmul.f32 v49, v28;
	v33 =	vmul.f32 v52, v33;
	[tilespmem:s6+$0xFFFFFF20] =	vst v17;
	v17 =	vld [tilespmem:s6+$0x60]  }
0x2e7: {  	v27 =	vmul.f32 v55, v42;
	v26 =	vmul.f32 v23, v43;
	[tilespmem:s6+$0xFFFFFF30] =	vst v22;
	v35 =	vld [tilespmem:s6+$0x70]  }
0x2e8: {  	v25 =	vmul.f32 v58, v44;
	v23 =	vmul.f32 v24, v45;
	[tilespmem:s6+$0xFFFFFF40] =	vst v15;
	v36 =	vld [tilespmem:s6+$0x90]  }
0x2e9: {  	v24 =	vmul.f32 v34, v47;
	v22 =	vmul.f32 v20, v48;
	[tilespmem:s6+$0xFFFFFF50] =	vst v21;
	v34 =	vld [tilespmem:s6+$0xA0]  }
.Ltmp3:
0x2ea: {  	v21 =	vmul.f32 v32, v50;
	v20 =	vmul.f32 v29, v51;
	[tilespmem:s6+$0xFFFFFF70] =	vst v18;
	v28 =	vld [tilespmem:s6+$0xB0];
	(pc) =	sbr.rel @p0 .LBB2_9-.Ltmp3, $4  }
0x2eb: {  	v19 =	vmul.f32 v19, v53;
	[tilespmem:s6+$0xFFFFFF80] =	vst v16;
	v17 =	vmul.f32 v17, v54;
	v29 =	vld [tilespmem:s6+$0xC0]  }
0x2ec: {  	[tilespmem:s6+$0xFFFFFF90] =	vst v30;
	v15 =	vmul.f32 v35, v56;
	v30 =	vld [tilespmem:s6+$0xD0]  }
0x2ed: {  	[tilespmem:s6+$0xFFFFFFA0] =	vst v31;
	v18 =	vmul.f32 v36, v14;
	v14 =	vld [tilespmem:s6+$0xE0]  }
0x2ee: {  	s9 =	sadd.s32 $0x40, s9;
	[tilespmem:s6+$0xFFFFFFB0] =	vst v33;
	v16 =	vmul.f32 v34, v57;
	v31 =	vld [tilespmem:s6+$0xF0]  }
0x2ef: {  	[tilespmem:s6+$0xFFFFFFC0] =	vst v27  }
0x2f0: {  	[tilespmem:s7+$0x0] =	vst v23  }
0x2f1: {  	[tilespmem:s7+$0x10] =	vst v24  }
0x2f2: {  	[tilespmem:s7+$0x20] =	vst v22  }
0x2f3: {  	[tilespmem:s7+$0x30] =	vst v21  }
0x2f4: {  	[tilespmem:s7+$0x40] =	vst v20  }
0x2f5: {  	[tilespmem:s7+$0x50] =	vst v19  }
0x2f6: {  	[tilespmem:s7+$0x60] =	vst v17  }
0x2f7: {  	[tilespmem:s7+$0x70] =	vst v15  }
0x2f8: {  	[tilespmem:s7+$0x90] =	vst v18  }
0x2f9: {  	[tilespmem:s7+$0xFFFFFFD0] =	vst v26  }
0x2fa: {  	v13 =	vmul.f32 v28, v13;
	[tilespmem:s7+$0xFFFFFFE0] =	vst v25  }
0x2fb: {  	s5 =	sadd.s32 $0x1, s5;
	v10 =	vmul.f32 v29, v10;
	[tilespmem:s7+$0xA0] =	vst v16  }
0x2fc: {  	p0 =	sne.s32 s5, $0x7D;
	v11 =	vmul.f32 v30, v11;
	[tilespmem:s7+$0xB0] =	vst v13  }
.Ltmp4:
0x2fd: {  	v9 =	vmul.f32 v14, v9;
	[tilespmem:s7+$0xC0] =	vst v10;
	(pc) =	sbr.rel @p0 .LBB2_2-.Ltmp4, $4  }
0x2fe: {  	v10 =	vmul.f32 v31, v12;
	[tilespmem:s7+$0xD0] =	vst v11  }
0x2ff: {  	[tilespmem:s7+$0xE0] =	vst v9  }
0x300: {  	[tilespmem:s7+$0xF0] =	vst v10  }
0x301: {  	[spmem:s10] =	stream.indirect.scatter.add.f32 [tilespmem:s19], [sflag:$0x5], $0x90, s25, s13, $0xb8;
	[tilespmem:$0x1A9A0] =	vst v63  }
0x302: {  	_ =	swait.ge [sflag:s28], $0x1680  }
0x303: {  	[sflag:s28] =	ssyncset.done $0x0  }
0x304: {  	[sflag:s28] =	ssyncadd.s32 $0xFFFFE980  }
0x305: {  	_ =	swait.ge [sflag:s31], $0x1400  }
0x306: {  	[sflag:s31] =	ssyncset.done $0x0  }
0x307: {  	[sflag:s31] =	ssyncadd.s32 $0xFFFFEC00  }
0x308: {  	_ =	swait.ge [sflag:s16], $0x1400  }
0x309: {  	[sflag:s16] =	ssyncset.done $0x0  }
0x30a: {  	[sflag:s16] =	ssyncadd.s32 $0xFFFFEC00  }
0x30b: {  	[bflag:$0x0] =	sbarrier.arrive $0xFFFF  }
0x30c: {  	s6 =	rddreg [dreg:$0x1a]  }
0x30d: {  	[tilespmem:s19], [sflag:$0x6] =	stream.linear.gather [spmem:s6], $0x1680, $0x38;
	[tilespmem:$0x1A9A0] =	vst v63  }
0x30e: {  	_ =	swait.ge [sflag:s20], $0x1680  }
0x30f: {  	[sflag:s20] =	ssyncset.done $0x0  }
0x310: {  	s5 =	rddreg [dreg:$0x4];
	[sflag:s20] =	ssyncadd.s32 $0xFFFFE980  }
0x311: {  	[hbm4b:s5+s1] =	stream.linear.scatter [tilespmem:s19], [sflag:$0x6], $0x1680, $0x38;
	[tilespmem:$0x1A9A0] =	vst v63  }
0x312: {  	_ =	swait.ge [sflag:s20], $0x1680  }
0x313: {  	[sflag:s20] =	ssyncset.done $0x0  }
0x314: {  	s7 =	rddreg [dreg:$0x18];
	[sflag:s20] =	ssyncadd.s32 $0xFFFFE980  }
0x315: {  	[tilespmem:s19], [sflag:$0x6] =	stream.linear.gather [spmem:s7], $0x1680, $0x38;
	[tilespmem:$0x1A9A0] =	vst v63  }
0x316: {  	_ =	swait.ge [sflag:s20], $0x1680  }
0x317: {  	[sflag:s20] =	ssyncset.done $0x0  }
0x318: {  	s26 =	rddreg [dreg:$0x5];
	[sflag:s20] =	ssyncadd.s32 $0xFFFFE980  }
0x319: {  	[hbm4b:s26+s1] =	stream.linear.scatter [tilespmem:s19], [sflag:$0x6], $0x1680, $0x38;
	[tilespmem:$0x1A9A0] =	vst v63  }
0x31a: {  	_ =	swait.ge [sflag:s20], $0x1680  }
0x31b: {  	[sflag:s20] =	ssyncset.done $0x0  }
0x31c: {  	s8 =	rddreg [dreg:$0x15];
	[sflag:s20] =	ssyncadd.s32 $0xFFFFE980  }
0x31d: {  	[tilespmem:s19], [sflag:$0x6] =	stream.linear.gather [spmem:s8], $0x1680, $0x38;
	[tilespmem:$0x1A9A0] =	vst v63  }
0x31e: {  	_ =	swait.ge [sflag:s20], $0x1680  }
0x31f: {  	[sflag:s20] =	ssyncset.done $0x0  }
0x320: {  	s3 =	rddreg [dreg:$0x6];
	[sflag:s20] =	ssyncadd.s32 $0xFFFFE980  }
0x321: {  	[hbm4b:s3+s1] =	stream.linear.scatter [tilespmem:s19], [sflag:$0x6], $0x1680, $0x38;
	[tilespmem:$0x1A9A0] =	vst v63  }
0x322: {  	_ =	swait.ge [sflag:s20], $0x1680  }
0x323: {  	[sflag:s20] =	ssyncset.done $0x0  }
0x324: {  	s9 =	rddreg [dreg:$0x16];
	[sflag:s20] =	ssyncadd.s32 $0xFFFFE980  }
0x325: {  	[tilespmem:s19], [sflag:$0x6] =	stream.linear.gather [spmem:s9], $0x1680, $0x38;
	[tilespmem:$0x1A9A0] =	vst v63  }
0x326: {  	_ =	swait.ge [sflag:s20], $0x1680  }
0x327: {  	[sflag:s20] =	ssyncset.done $0x0  }
0x328: {  	s4 =	rddreg [dreg:$0x7];
	[sflag:s20] =	ssyncadd.s32 $0xFFFFE980  }
0x329: {  	[hbm4b:s4+s1] =	stream.linear.scatter [tilespmem:s19], [sflag:$0x6], $0x1680, $0x38;
	[tilespmem:$0x1A9A0] =	vst v63  }
0x32a: {  	_ =	swait.ge [sflag:s20], $0x1680  }
0x32b: {  	[sflag:s20] =	ssyncset.done $0x0  }
0x32c: {  	s11 =	rddreg [dreg:$0x17];
	[sflag:s20] =	ssyncadd.s32 $0xFFFFE980  }
0x32d: {  	[tilespmem:s19], [sflag:$0x6] =	stream.linear.gather [spmem:s11], $0x1680, $0x38;
	[tilespmem:$0x1A9A0] =	vst v63  }
0x32e: {  	_ =	swait.ge [sflag:s20], $0x1680  }
0x32f: {  	[sflag:s20] =	ssyncset.done $0x0  }
0x330: {  	s10 =	rddreg [dreg:$0x8];
	[sflag:s20] =	ssyncadd.s32 $0xFFFFE980  }
0x331: {  	[hbm4b:s10+s1] =	stream.linear.scatter [tilespmem:s19], [sflag:$0x6], $0x1680, $0x38;
	[tilespmem:$0x1A9A0] =	vst v63  }
0x332: {  	_ =	swait.ge [sflag:s20], $0x1680  }
0x333: {  	[sflag:s20] =	ssyncset.done $0x0  }
0x334: {  	s10 =	rddreg [dreg:$0x19];
	[sflag:s20] =	ssyncadd.s32 $0xFFFFE980  }
0x335: {  	[tilespmem:s19], [sflag:$0x6] =	stream.linear.gather [spmem:s10], $0x1680, $0x38;
	[tilespmem:$0x1A9A0] =	vst v63  }
0x336: {  	_ =	swait.ge [sflag:s20], $0x1680  }
0x337: {  	[sflag:s20] =	ssyncset.done $0x0  }
0x338: {  	s12 =	rddreg [dreg:$0x9];
	[sflag:s20] =	ssyncadd.s32 $0xFFFFE980  }
0x339: {  	[hbm4b:s12+s1] =	stream.linear.scatter [tilespmem:s19], [sflag:$0x6], $0x1680, $0x38;
	[tilespmem:$0x1A9A0] =	vst v63  }
0x33a: {  	_ =	swait.ge [sflag:s20], $0x1680  }
0x33b: {  	[sflag:s20] =	ssyncset.done $0x0  }
0x33c: {  	s3 =	rddreg [dreg:$0x1b];
	[sflag:s20] =	ssyncadd.s32 $0xFFFFE980  }
0x33d: {  	[tilespmem:s19], [sflag:$0x6] =	stream.linear.gather [spmem:s3], $0x1680, $0x38;
	[tilespmem:$0x1A9A0] =	vst v63  }
0x33e: {  	_ =	swait.ge [sflag:s20], $0x1680  }
0x33f: {  	[sflag:s20] =	ssyncset.done $0x0  }
0x340: {  	s14 =	rddreg [dreg:$0xa];
	[sflag:s20] =	ssyncadd.s32 $0xFFFFE980  }
0x341: {  	[hbm4b:s14+s1] =	stream.linear.scatter [tilespmem:s19], [sflag:$0x6], $0x1680, $0x38;
	[tilespmem:$0x1A9A0] =	vst v63  }
0x342: {  	_ =	swait.ge [sflag:s20], $0x1680  }
0x343: {  	[sflag:s20] =	ssyncset.done $0x0  }
0x344: {  	s17 =	rddreg [dreg:$0x1c];
	[sflag:s20] =	ssyncadd.s32 $0xFFFFE980  }
0x345: {  	[tilespmem:s19], [sflag:$0x6] =	stream.linear.gather [spmem:s17], $0x1680, $0x38;
	[tilespmem:$0x1A9A0] =	vst v63  }
0x346: {  	_ =	swait.ge [sflag:s20], $0x1680  }
0x347: {  	[sflag:s20] =	ssyncset.done $0x0  }
0x348: {  	s15 =	rddreg [dreg:$0xb];
	[sflag:s20] =	ssyncadd.s32 $0xFFFFE980  }
0x349: {  	[hbm4b:s15+s1] =	stream.linear.scatter [tilespmem:s19], [sflag:$0x6], $0x1680, $0x38;
	[tilespmem:$0x1A9A0] =	vst v63  }
0x34a: {  	_ =	swait.ge [sflag:s20], $0x1680  }
0x34b: {  	[sflag:s20] =	ssyncset.done $0x0  }
0x34c: {  	s4 =	rddreg [dreg:$0x1d];
	[sflag:s20] =	ssyncadd.s32 $0xFFFFE980  }
0x34d: {  	[tilespmem:s19], [sflag:$0x6] =	stream.linear.gather [spmem:s4], $0x1680, $0x38;
	[tilespmem:$0x1A9A0] =	vst v63  }
0x34e: {  	_ =	swait.ge [sflag:s20], $0x1680  }
0x34f: {  	[sflag:s20] =	ssyncset.done $0x0  }
0x350: {  	s18 =	rddreg [dreg:$0xc];
	[sflag:s20] =	ssyncadd.s32 $0xFFFFE980  }
0x351: {  	[hbm4b:s18+s1] =	stream.linear.scatter [tilespmem:s19], [sflag:$0x6], $0x1680, $0x38;
	[tilespmem:$0x1A9A0] =	vst v63  }
0x352: {  	_ =	swait.ge [sflag:s20], $0x1680  }
0x353: {  	[sflag:s20] =	ssyncset.done $0x0  }
0x354: {  	s15 =	rddreg [dreg:$0x1f];
	[sflag:s20] =	ssyncadd.s32 $0xFFFFE980  }
0x355: {  	[tilespmem:s19], [sflag:$0x6] =	stream.linear.gather [spmem:s15], $0x1680, $0x38;
	[tilespmem:$0x1A9A0] =	vst v63  }
0x356: {  	_ =	swait.ge [sflag:s20], $0x1680  }
0x357: {  	[sflag:s20] =	ssyncset.done $0x0  }
0x358: {  	s25 =	rddreg [dreg:$0xd];
	[sflag:s20] =	ssyncadd.s32 $0xFFFFE980  }
0x359: {  	[hbm4b:s25+s1] =	stream.linear.scatter [tilespmem:s19], [sflag:$0x6], $0x1680, $0x38;
	[tilespmem:$0x1A9A0] =	vst v63  }
0x35a: {  	_ =	swait.ge [sflag:s20], $0x1680  }
0x35b: {  	s18 =	sld [smem:$0x7F8]  }
0x35c: {  	[sflag:s20] =	ssyncset.done $0x0  }
0x35d: {  	[sflag:s20] =	ssyncadd.s32 $0xFFFFE980  }
0x35e: {  	[tilespmem:s19], [sflag:$0x6] =	stream.linear.gather [spmem:s18], $0x1680, $0x38;
	[tilespmem:$0x1A9A0] =	vst v63  }
0x35f: {  	_ =	swait.ge [sflag:s20], $0x1680  }
0x360: {  	[sflag:s20] =	ssyncset.done $0x0  }
0x361: {  	s26 =	rddreg [dreg:$0xe];
	[sflag:s20] =	ssyncadd.s32 $0xFFFFE980  }
0x362: {  	[hbm4b:s26+s1] =	stream.linear.scatter [tilespmem:s19], [sflag:$0x6], $0x1680, $0x38;
	[tilespmem:$0x1A9A0] =	vst v63  }
0x363: {  	_ =	swait.ge [sflag:s20], $0x1680  }
0x364: {  	s14 =	sld [smem:$0x7F9]  }
0x365: {  	[sflag:s20] =	ssyncset.done $0x0  }
0x366: {  	[sflag:s20] =	ssyncadd.s32 $0xFFFFE980  }
0x367: {  	[tilespmem:s19], [sflag:$0x6] =	stream.linear.gather [spmem:s14], $0x1680, $0x38;
	[tilespmem:$0x1A9A0] =	vst v63  }
0x368: {  	_ =	swait.ge [sflag:s20], $0x1680  }
0x369: {  	[sflag:s20] =	ssyncset.done $0x0  }
0x36a: {  	s12 =	rddreg [dreg:$0xf];
	[sflag:s20] =	ssyncadd.s32 $0xFFFFE980  }
0x36b: {  	[hbm4b:s12+s1] =	stream.linear.scatter [tilespmem:s19], [sflag:$0x6], $0x1680, $0x38;
	[tilespmem:$0x1A9A0] =	vst v63  }
0x36c: {  	_ =	swait.ge [sflag:s20], $0x1680  }
0x36d: {  	s26 =	sld [smem:$0x7FA]  }
0x36e: {  	[sflag:s20] =	ssyncset.done $0x0  }
0x36f: {  	[sflag:s20] =	ssyncadd.s32 $0xFFFFE980  }
0x370: {  	[tilespmem:s19], [sflag:$0x6] =	stream.linear.gather [spmem:s26], $0x1680, $0x38;
	[tilespmem:$0x1A9A0] =	vst v63  }
0x371: {  	_ =	swait.ge [sflag:s20], $0x1680  }
0x372: {  	[sflag:s20] =	ssyncset.done $0x0  }
0x373: {  	s25 =	rddreg [dreg:$0x10];
	[sflag:s20] =	ssyncadd.s32 $0xFFFFE980  }
0x374: {  	[hbm4b:s25+s1] =	stream.linear.scatter [tilespmem:s19], [sflag:$0x6], $0x1680, $0x38;
	[tilespmem:$0x1A9A0] =	vst v63  }
0x375: {  	_ =	swait.ge [sflag:s20], $0x1680  }
0x376: {  	s29 =	sld [smem:$0x7FB]  }
0x377: {  	[sflag:s20] =	ssyncset.done $0x0  }
0x378: {  	[sflag:s20] =	ssyncadd.s32 $0xFFFFE980  }
0x379: {  	[tilespmem:s19], [sflag:$0x6] =	stream.linear.gather [spmem:s29], $0x1680, $0x38;
	[tilespmem:$0x1A9A0] =	vst v63  }
0x37a: {  	_ =	swait.ge [sflag:s20], $0x1680  }
0x37b: {  	[sflag:s20] =	ssyncset.done $0x0  }
0x37c: {  	s12 =	rddreg [dreg:$0x11];
	[sflag:s20] =	ssyncadd.s32 $0xFFFFE980  }
0x37d: {  	[hbm4b:s12+s1] =	stream.linear.scatter [tilespmem:s19], [sflag:$0x6], $0x1680, $0x38;
	[tilespmem:$0x1A9A0] =	vst v63  }
0x37e: {  	_ =	swait.ge [sflag:s20], $0x1680  }
0x37f: {  	s30 =	sld [smem:$0x7FC]  }
0x380: {  	[sflag:s20] =	ssyncset.done $0x0  }
0x381: {  	[sflag:s20] =	ssyncadd.s32 $0xFFFFE980  }
0x382: {  	[tilespmem:s19], [sflag:$0x6] =	stream.linear.gather [spmem:s30], $0x1680, $0x38;
	[tilespmem:$0x1A9A0] =	vst v63  }
0x383: {  	_ =	swait.ge [sflag:s20], $0x1680  }
0x384: {  	[sflag:s20] =	ssyncset.done $0x0  }
0x385: {  	s25 =	rddreg [dreg:$0x12];
	[sflag:s20] =	ssyncadd.s32 $0xFFFFE980  }
0x386: {  	[hbm4b:s25+s1] =	stream.linear.scatter [tilespmem:s19], [sflag:$0x6], $0x1680, $0x38;
	[tilespmem:$0x1A9A0] =	vst v63  }
0x387: {  	_ =	swait.ge [sflag:s20], $0x1680  }
0x388: {  	s25 =	sld [smem:$0x7FD]  }
0x389: {  	[sflag:s20] =	ssyncset.done $0x0  }
0x38a: {  	[sflag:s20] =	ssyncadd.s32 $0xFFFFE980  }
0x38b: {  	[tilespmem:s19], [sflag:$0x6] =	stream.linear.gather [spmem:s25], $0x1680, $0x38;
	[tilespmem:$0x1A9A0] =	vst v63  }
0x38c: {  	_ =	swait.ge [sflag:s20], $0x1680  }
0x38d: {  	[sflag:s20] =	ssyncset.done $0x0  }
0x38e: {  	s12 =	rddreg [dreg:$0x13];
	[sflag:s20] =	ssyncadd.s32 $0xFFFFE980  }
0x38f: {  	[hbm4b:s12+s1] =	stream.linear.scatter [tilespmem:s19], [sflag:$0x6], $0x1680, $0x38;
	[tilespmem:$0x1A9A0] =	vst v63  }
0x390: {  	_ =	swait.ge [sflag:s20], $0x1680  }
0x391: {  	s12 =	sld [smem:$0x7F7]  }
0x392: {  	s5 =	sld [smem:$0x7F5];
	_ =	sdelay $0x1  }
0x393: {  	s12 =	sadd.s32 $0x1, s12  }
0x394: {  	p0 =	sne.s32 s12, s5  }
.Ltmp5:
0x395: {  	_ = 	snop;
	(pc) =	sbr.rel @p0 .LBB2_1-.Ltmp5, $3  }
0x396: {  	_ =	sdelay $0x1  }
0x397: {  	[sflag:s20] =	ssyncset.done $0x0  }
0x398: {  	[sflag:s20] =	ssyncadd.s32 $0xFFFFE980;
	[smem:$0x7F7] =	sst s12;
	s12 =	simm.s32 $0x1A928  }
0x399: {  	_ =	sfence.sel $0x180000  }
0x39a: {  	[bflag:$0x0] =	sbarrier.arrive $0xFFFF  }
0x39b: {  	_ =	strace $0x90000047  }
0x39c: {  	s0 =	stileid.u32;
	[bflag:$0x2] =	sbarrier.arrive $0xFFFF  }
0x39d: {  	p0 =	sne.s32 s0, $0x0;
	s0 =	rddreg [dreg:$0x3]  }
0x39e: {  	s0 =	sadd.s32 @!p0 $0x100000, s0  }
0x39f: {  	[sflag:s0] =	ssyncadd.tile.s32 @!p0 $0x1;
	_ =	shalt  }
.Lfunc_end2:
_tile_overlayer_lowered:
.L_overlay_start_2:
0x3a0: {  	(tag) =	ssettag $0x2  }
0x3a1: {  	s0 =	rddreg [dreg:$0x0];
	s2 =	stileid.u32  }
0x3a2: {  	s1 =	rddreg [dreg:$0x1];
	p0 =	sne.s32 s2, $0x0  }
0x3a3: {  	s3 =	rddreg [dreg:$0x2];
	[bflag:$0x3] =	sbarrier.arrive $0xFFFF;
	s2 =	simm.s32 @!p0 $0x1C06  }
0x3a4: {  	[timem:s3], [sflag:s2] =	dma.local @!p0 [hbm:s0], s1  }
0x3a5: {  	s0 =	simm.s32 @!p0 $0x6  }
0x3a6: {  	_ =	swait.ge @!p0 [sflag:s0], s1  }
0x3a7: {  	s1 =	ssub.s32 @!p0 $0x0, s1;
	[sflag:s0] =	ssyncset.done @!p0 $0x0  }
0x3a8: {  	[sflag:s0] =	ssyncadd.s32 @!p0 s1  }
0x3a9: {  	[bflag:$0x3] =	sbarrier.arrive $0xFFFF  }
0x3aa: {  	_ =	shalt  }

</sc_bundles>
